<compile_context>
chip_gen: v7x
topology: tpu7x:2x2x1
jax: 0.10.2.dev20260603
libtpu: 0.0.44.dev20260713+nightly
codegen_flags: <defaults>
</compile_context>

<pallas_src>
import functools

import jax
import jax.numpy as jnp
from jax import lax
from jax.experimental import pallas as pl
from jax.experimental.pallas import tpu as pltpu
from jax.experimental.pallas import tpu_sc as plsc

R, N = 64, 32768
L = 16
NC, NS = 2, 16
NW = NC * NS
ROWS_PER_W = R // NW
CHUNKS = N // L
SUPV = 8
SUP = SUPV * L
NSUP = N // SUP
BISECT_ITERS = 30
UNROLL = 8


def _row_tau(xbuf, cbuf, cmx, slist, qloads):
    with jax.named_scope("p1_max"):
        acc = jnp.full((L,), -jnp.inf, jnp.float32)
        nq = max(len(qloads), 1)
        for h in range(nq):
            if qloads:
                qloads[h].wait()

            @plsc.parallel_loop(h * NSUP // nq, (h + 1) * NSUP // nq, 1,
                                unroll=2, carry=acc)
            def gmaxv(s, acc):
                base = s * SUP
                local = xbuf[pl.ds(base, L)]
                for q in range(1, SUPV):
                    local = jnp.maximum(local, xbuf[pl.ds(base + q * L, L)])
                cmx[s] = jnp.max(local)
                return jnp.maximum(acc, local)

            acc = gmaxv

    mx = jnp.max(acc)
    e = mx - 1.0

    def sel_body(s, ns):
        slist[ns] = s
        return ns + jnp.where(cmx[s] >= e, 1, 0).astype(jnp.int32)

    with jax.named_scope("p2a_select"):
        ns = lax.fori_loop(0, NSUP, sel_body, jnp.int32(0), unroll=4)

    def cp_sup(k, cnt):
        base = slist[k] * SUP
        c = cnt
        for q in range(SUPV):
            v = xbuf[pl.ds(base + q * L, L)]
            m = v >= e
            plsc.store_compressed(cbuf.at[pl.ds(c, L)], v, mask=m)
            c = c + plsc.all_reduce_population_count(m)[0]
        return c

    with jax.named_scope("p2b_compact"):
        cnt = lax.fori_loop(0, ns, cp_sup, jnp.int32(0))
    cbuf[pl.ds(cnt, L)] = jnp.full((L,), -jnp.inf, jnp.float32)
    nch = (cnt + (L - 1)) // L

    def bis_body(_, carry):
        lo, hi = carry
        mid = 0.5 * (lo + hi)

        def g_body(j, acc):
            return acc + jnp.maximum(cbuf[pl.ds(j * L, L)] - mid, 0.0)

        gacc = lax.fori_loop(0, nch, g_body, jnp.zeros((L,), jnp.float32))
        take = jnp.sum(gacc) >= 1.0
        return jnp.where(take, mid, lo), jnp.where(take, hi, mid)

    with jax.named_scope("p3_bisect"):
        lo, _hi = lax.fori_loop(0, BISECT_ITERS, bis_body, (e, mx))

    def sc_body(j, carry):
        sacc, cacc = carry
        v = cbuf[pl.ds(j * L, L)]
        m = v > lo
        return (sacc + jnp.where(m, v, 0.0),
                cacc + jnp.where(m, 1.0, 0.0))

    sacc, cacc = lax.fori_loop(
        0, nch, sc_body,
        (jnp.zeros((L,), jnp.float32), jnp.zeros((L,), jnp.float32)))
    num = jnp.broadcast_to(jnp.sum(sacc) - 1.0, (L,))
    den = jnp.broadcast_to(jnp.maximum(jnp.sum(cacc), 1.0), (L,))
    return jnp.max(num / den)


def _sparsemax_body(x_hbm, out_hbm, bufa, bufb, cbuf, cmx, slist, lsa, lsb,
                    ssa, ssb):
    wid = lax.axis_index("s") * NC + lax.axis_index("c")
    ra = wid * ROWS_PER_W
    rb = ra + 1

    NQ = 4
    QN = N // NQ
    la = [pltpu.async_copy(x_hbm.at[ra, pl.ds(h * QN, QN)],
                           bufa.at[pl.ds(h * QN, QN)], lsa)
          for h in range(NQ)]
    lb = pltpu.async_copy(x_hbm.at[rb], bufb, lsb)

    def process(qloads, xbuf, r, sem):
        tau = _row_tau(xbuf, cbuf, cmx, slist, qloads)

        outs = []
        with jax.named_scope("p5_out"):
            for h in range(NQ):
                @plsc.parallel_loop(h * QN, (h + 1) * QN, L, unroll=UNROLL)
                def _(j):
                    sl = pl.ds(j, L)
                    xbuf[sl] = jnp.maximum(xbuf[sl] - tau, 0.0)

                outs.append(pltpu.async_copy(
                    xbuf.at[pl.ds(h * QN, QN)],
                    out_hbm.at[r, pl.ds(h * QN, QN)], sem))
        return outs

    sa = process(la, bufa, ra, ssa)
    lb.wait()
    sb = process([], bufb, rb, ssb)
    for s in sa + sb:
        s.wait()


@jax.jit
def kernel(x):
    mesh = plsc.VectorSubcoreMesh(core_axis_name="c", subcore_axis_name="s",
                                  num_cores=NC, num_subcores=NS)
    f = pl.kernel(
        _sparsemax_body,
        out_type=jax.ShapeDtypeStruct((R, N), jnp.float32),
        mesh=mesh,
        scratch_types=[pltpu.VMEM((N,), jnp.float32),
                       pltpu.VMEM((N,), jnp.float32),
                       pltpu.VMEM((N + L,), jnp.float32),
                       pltpu.SMEM((NSUP,), jnp.float32),
                       pltpu.SMEM((NSUP + 1,), jnp.int32),
                       pltpu.SemaphoreType.DMA,
                       pltpu.SemaphoreType.DMA,
                       pltpu.SemaphoreType.DMA,
                       pltpu.SemaphoreType.DMA],
        compiler_params=pltpu.CompilerParams(needs_layout_passes=False),
    )
    return f(x)

# --- scband reference (transcript-rebuilt; emitter-appended) ---
"""Pipeline reference for scband-sparsemax-19198503813450 (READ-ONLY COPY).

The authoritative reference and input builder live on the scoring server;
editing this copy changes nothing except your own understanding.
"""

import jax, jax.numpy as jnp
import numpy as np


def setup_inputs(seed: int = 0) -> dict:
    key = jax.random.key(seed)
    x = jax.random.normal(key, (64, 32768), dtype=jnp.float32)
    return {"x": x}


def reference(x):
    # Sparsemax along dim=-1 (Martins & Astudillo, 2016).
    dim = -1
    n = x.shape[dim]
    # Shift by max for numerical stability (does not change output).
    x_shift = x - jnp.max(x, axis=dim, keepdims=True)
    # Sort in descending order along dim.
    z = jnp.flip(jnp.sort(x_shift, axis=dim), axis=dim)
    # Cumulative sums minus 1.
    cssv = jnp.cumsum(z, axis=dim) - 1.0
    r = jnp.arange(1, n + 1, dtype=x.dtype)
    # Support condition: 1 + k*z_k > cumsum(z)_k  <=>  z_k - (cssv_k)/k > 0
    cond = z - cssv / r > 0
    k = jnp.sum(cond.astype(jnp.int32), axis=dim, keepdims=True)
    # tau = (sum of top-k entries - 1) / k
    tau = jnp.take_along_axis(cssv, k - 1, axis=dim) / k.astype(x.dtype)
    return jnp.maximum(x_shift - tau, 0.0)

if __name__ == "__main__":
    import jax
    _d = setup_inputs()
    print(jax.jit(kernel)(*tuple(_d.values())))

</pallas_src>

<mosaic_0001>
#map = affine_map<(d0, d1) -> (0, 0)>
module attributes {stable_mosaic.version = 14 : i64} {
  func.func @_sparsemax_body(%arg0: i32, %arg1: i32, %arg2: memref<64x32768xf32, #tpu.memory_space<hbm>>, %arg3: memref<64x32768xf32, #tpu.memory_space<hbm>>, %arg4: memref<32768xf32, #tpu.memory_space<vmem>>, %arg5: memref<32768xf32, #tpu.memory_space<vmem>>, %arg6: memref<32784xf32, #tpu.memory_space<vmem>>, %arg7: memref<256xf32, #tpu.memory_space<smem>>, %arg8: memref<257xi32, #tpu.memory_space<smem>>, %arg9: memref<!tpu.dma_semaphore, #tpu.memory_space<semaphore_mem>>, %arg10: memref<!tpu.dma_semaphore, #tpu.memory_space<semaphore_mem>>, %arg11: memref<!tpu.dma_semaphore, #tpu.memory_space<semaphore_mem>>, %arg12: memref<!tpu.dma_semaphore, #tpu.memory_space<semaphore_mem>>) attributes {dimension_semantics = [#tpu.dimension_semantics<core_parallel>, #tpu.dimension_semantics<subcore_parallel>], iteration_bounds = array<i64: 2, 16>, scalar_prefetch = 0 : i64, scratch_operands = 9 : i64, tpu.core_type = #tpu.core_type<sc_vector_subcore>, window_params = [{transform_indices = #map}, {transform_indices = #map}]} {
    %mul3A = arith.constant 2 : i32
    %mul3A_0 = arith.muli %arg1, %mul3A : i32
    %add3A = arith.addi %mul3A_0, %arg0 : i32
    %mul3A_1 = arith.constant 2 : i32
    %mul3A_2 = arith.muli %add3A, %mul3A_1 : i32
    %add3A_3 = arith.constant 1 : i32
    %add3A_4 = arith.addi %mul3A_2, %add3A_3 : i32
    %dma_start3A = arith.constant 0 : i32
    %dma_start3A_5 = tpu.memref_slice %arg4[%dma_start3A] : memref<32768xf32, #tpu.memory_space<vmem>> -> memref<8192xf32, #tpu.memory_space<vmem>>
    %dma_start3A_6 = arith.constant 0 : i32
    %dma_start3A_7 = tpu.memref_slice %arg2[%mul3A_2, %dma_start3A_6] : memref<64x32768xf32, #tpu.memory_space<hbm>> -> memref<1x8192xf32, #tpu.memory_space<hbm>>
    %dma_start3A_8 = tpu.memref_squeeze %dma_start3A_7 : memref<1x8192xf32, #tpu.memory_space<hbm>> -> memref<8192xf32, #tpu.memory_space<hbm>>
    %dma_start3A_9 = arith.constant 0 : i32
    %dma_start3A_10 = tpu.memref_slice %arg4[%dma_start3A_9] : memref<32768xf32, #tpu.memory_space<vmem>> -> memref<8192xf32, #tpu.memory_space<vmem>>
    %dma_start3A_11 = arith.constant 0 : i32
    %dma_start3A_12 = tpu.memref_slice %arg2[%mul3A_2, %dma_start3A_11] : memref<64x32768xf32, #tpu.memory_space<hbm>> -> memref<1x8192xf32, #tpu.memory_space<hbm>>
    %dma_start3A_13 = tpu.memref_squeeze %dma_start3A_12 : memref<1x8192xf32, #tpu.memory_space<hbm>> -> memref<8192xf32, #tpu.memory_space<hbm>>
    tpu.enqueue_dma source(%dma_start3A_13 : memref<8192xf32, #tpu.memory_space<hbm>>) target(%dma_start3A_10 : memref<8192xf32, #tpu.memory_space<vmem>>) target_semaphore(%arg9 : memref<!tpu.dma_semaphore, #tpu.memory_space<semaphore_mem>>)
    %dma_start3A_14 = arith.constant 8192 : i32
    %dma_start3A_15 = tpu.memref_slice %arg4[%dma_start3A_14] : memref<32768xf32, #tpu.memory_space<vmem>> -> memref<8192xf32, #tpu.memory_space<vmem>>
    %dma_start3A_16 = arith.constant 8192 : i32
    %dma_start3A_17 = tpu.memref_slice %arg2[%mul3A_2, %dma_start3A_16] : memref<64x32768xf32, #tpu.memory_space<hbm>> -> memref<1x8192xf32, #tpu.memory_space<hbm>>
    %dma_start3A_18 = tpu.memref_squeeze %dma_start3A_17 : memref<1x8192xf32, #tpu.memory_space<hbm>> -> memref<8192xf32, #tpu.memory_space<hbm>>
    %dma_start3A_19 = arith.constant 8192 : i32
    %dma_start3A_20 = tpu.memref_slice %arg4[%dma_start3A_19] : memref<32768xf32, #tpu.memory_space<vmem>> -> memref<8192xf32, #tpu.memory_space<vmem>>
    %dma_start3A_21 = arith.constant 8192 : i32
    %dma_start3A_22 = tpu.memref_slice %arg2[%mul3A_2, %dma_start3A_21] : memref<64x32768xf32, #tpu.memory_space<hbm>> -> memref<1x8192xf32, #tpu.memory_space<hbm>>
    %dma_start3A_23 = tpu.memref_squeeze %dma_start3A_22 : memref<1x8192xf32, #tpu.memory_space<hbm>> -> memref<8192xf32, #tpu.memory_space<hbm>>
    tpu.enqueue_dma source(%dma_start3A_23 : memref<8192xf32, #tpu.memory_space<hbm>>) target(%dma_start3A_20 : memref<8192xf32, #tpu.memory_space<vmem>>) target_semaphore(%arg9 : memref<!tpu.dma_semaphore, #tpu.memory_space<semaphore_mem>>)
    %dma_start3A_24 = arith.constant 16384 : i32
    %dma_start3A_25 = tpu.memref_slice %arg4[%dma_start3A_24] : memref<32768xf32, #tpu.memory_space<vmem>> -> memref<8192xf32, #tpu.memory_space<vmem>>
    %dma_start3A_26 = arith.constant 16384 : i32
    %dma_start3A_27 = tpu.memref_slice %arg2[%mul3A_2, %dma_start3A_26] : memref<64x32768xf32, #tpu.memory_space<hbm>> -> memref<1x8192xf32, #tpu.memory_space<hbm>>
    %dma_start3A_28 = tpu.memref_squeeze %dma_start3A_27 : memref<1x8192xf32, #tpu.memory_space<hbm>> -> memref<8192xf32, #tpu.memory_space<hbm>>
    %dma_start3A_29 = arith.constant 16384 : i32
    %dma_start3A_30 = tpu.memref_slice %arg4[%dma_start3A_29] : memref<32768xf32, #tpu.memory_space<vmem>> -> memref<8192xf32, #tpu.memory_space<vmem>>
    %dma_start3A_31 = arith.constant 16384 : i32
    %dma_start3A_32 = tpu.memref_slice %arg2[%mul3A_2, %dma_start3A_31] : memref<64x32768xf32, #tpu.memory_space<hbm>> -> memref<1x8192xf32, #tpu.memory_space<hbm>>
    %dma_start3A_33 = tpu.memref_squeeze %dma_start3A_32 : memref<1x8192xf32, #tpu.memory_space<hbm>> -> memref<8192xf32, #tpu.memory_space<hbm>>
    tpu.enqueue_dma source(%dma_start3A_33 : memref<8192xf32, #tpu.memory_space<hbm>>) target(%dma_start3A_30 : memref<8192xf32, #tpu.memory_space<vmem>>) target_semaphore(%arg9 : memref<!tpu.dma_semaphore, #tpu.memory_space<semaphore_mem>>)
    %dma_start3A_34 = arith.constant 24576 : i32
    %dma_start3A_35 = tpu.memref_slice %arg4[%dma_start3A_34] : memref<32768xf32, #tpu.memory_space<vmem>> -> memref<8192xf32, #tpu.memory_space<vmem>>
    %dma_start3A_36 = arith.constant 24576 : i32
    %dma_start3A_37 = tpu.memref_slice %arg2[%mul3A_2, %dma_start3A_36] : memref<64x32768xf32, #tpu.memory_space<hbm>> -> memref<1x8192xf32, #tpu.memory_space<hbm>>
    %dma_start3A_38 = tpu.memref_squeeze %dma_start3A_37 : memref<1x8192xf32, #tpu.memory_space<hbm>> -> memref<8192xf32, #tpu.memory_space<hbm>>
    %dma_start3A_39 = arith.constant 24576 : i32
    %dma_start3A_40 = tpu.memref_slice %arg4[%dma_start3A_39] : memref<32768xf32, #tpu.memory_space<vmem>> -> memref<8192xf32, #tpu.memory_space<vmem>>
    %dma_start3A_41 = arith.constant 24576 : i32
    %dma_start3A_42 = tpu.memref_slice %arg2[%mul3A_2, %dma_start3A_41] : memref<64x32768xf32, #tpu.memory_space<hbm>> -> memref<1x8192xf32, #tpu.memory_space<hbm>>
    %dma_start3A_43 = tpu.memref_squeeze %dma_start3A_42 : memref<1x8192xf32, #tpu.memory_space<hbm>> -> memref<8192xf32, #tpu.memory_space<hbm>>
    tpu.enqueue_dma source(%dma_start3A_43 : memref<8192xf32, #tpu.memory_space<hbm>>) target(%dma_start3A_40 : memref<8192xf32, #tpu.memory_space<vmem>>) target_semaphore(%arg9 : memref<!tpu.dma_semaphore, #tpu.memory_space<semaphore_mem>>)
    %dma_start3A_44 = arith.constant 0 : i32
    %dma_start3A_45 = tpu.memref_slice %arg2[%add3A_4, %dma_start3A_44] : memref<64x32768xf32, #tpu.memory_space<hbm>> -> memref<1x32768xf32, #tpu.memory_space<hbm>>
    %dma_start3A_46 = tpu.memref_squeeze %dma_start3A_45 : memref<1x32768xf32, #tpu.memory_space<hbm>> -> memref<32768xf32, #tpu.memory_space<hbm>>
    %dma_start3A_47 = arith.constant 0 : i32
    %dma_start3A_48 = tpu.memref_slice %arg2[%add3A_4, %dma_start3A_47] : memref<64x32768xf32, #tpu.memory_space<hbm>> -> memref<1x32768xf32, #tpu.memory_space<hbm>>
    %dma_start3A_49 = tpu.memref_squeeze %dma_start3A_48 : memref<1x32768xf32, #tpu.memory_space<hbm>> -> memref<32768xf32, #tpu.memory_space<hbm>>
    tpu.enqueue_dma source(%dma_start3A_49 : memref<32768xf32, #tpu.memory_space<hbm>>) target(%arg5 : memref<32768xf32, #tpu.memory_space<vmem>>) target_semaphore(%arg10 : memref<!tpu.dma_semaphore, #tpu.memory_space<semaphore_mem>>)
    %broadcast_in_dim3A = arith.constant 0xFF800000 : f32
    "tpu.trace_start"() <{level = 10 : i32, message = "p1_max"}> : () -> ()
    %broadcast_in_dim3A_50 = vector.broadcast %broadcast_in_dim3A : f32 to vector<16xf32>
    %dma_wait3A = arith.constant 0 : i32
    %dma_wait3A_51 = tpu.memref_slice %arg4[%dma_wait3A] : memref<32768xf32, #tpu.memory_space<vmem>> -> memref<8192xf32, #tpu.memory_space<vmem>>
    %dma_wait3A_52 = arith.constant 0 : i32
    %dma_wait3A_53 = tpu.memref_slice %arg2[%mul3A_2, %dma_wait3A_52] : memref<64x32768xf32, #tpu.memory_space<hbm>> -> memref<1x8192xf32, #tpu.memory_space<hbm>>
    %dma_wait3A_54 = tpu.memref_squeeze %dma_wait3A_53 : memref<1x8192xf32, #tpu.memory_space<hbm>> -> memref<8192xf32, #tpu.memory_space<hbm>>
    %dma_wait3A_55 = arith.constant 0 : i32
    %dma_wait3A_56 = tpu.memref_slice %arg4[%dma_wait3A_55] : memref<32768xf32, #tpu.memory_space<vmem>> -> memref<8192xf32, #tpu.memory_space<vmem>>
    %dma_wait3A_57 = arith.constant 0 : i32
    %dma_wait3A_58 = tpu.memref_slice %arg2[%mul3A_2, %dma_wait3A_57] : memref<64x32768xf32, #tpu.memory_space<hbm>> -> memref<1x8192xf32, #tpu.memory_space<hbm>>
    %dma_wait3A_59 = tpu.memref_squeeze %dma_wait3A_58 : memref<1x8192xf32, #tpu.memory_space<hbm>> -> memref<8192xf32, #tpu.memory_space<hbm>>
    tpu.wait_dma2 semaphore(%arg9 : memref<!tpu.dma_semaphore, #tpu.memory_space<semaphore_mem>>) src(%dma_wait3A_59 : memref<8192xf32, #tpu.memory_space<hbm>>) dst(%dma_wait3A_56 : memref<8192xf32, #tpu.memory_space<vmem>>)
    %parallel_loop3A = arith.constant 0 : i32
    %parallel_loop3A_60 = arith.constant 64 : i32
    %parallel_loop3A_61 = arith.constant 1 : i32
    %parallel_loop3A_62 = scf.for %parallel_loop3A_477 = %parallel_loop3A to %parallel_loop3A_60 step %parallel_loop3A_61 iter_args(%parallel_loop3A_478 = %broadcast_in_dim3A_50) -> (vector<16xf32>)  : i32 {
      %parallel_loop3A_479 = arith.constant 128 : i32
      %parallel_loop3A_480 = arith.muli %parallel_loop3A_477, %parallel_loop3A_479 : i32
      %parallel_loop3A_481 = arith.index_cast %parallel_loop3A_480 : i32 to index
      %parallel_loop3A_482 = tpu.vector_load %arg4[%parallel_loop3A_481] {strides = array<i32>} : memref<32768xf32, #tpu.memory_space<vmem>>, vector<16xf32>,
      %parallel_loop3A_483 = arith.constant 16 : i32
      %parallel_loop3A_484 = arith.addi %parallel_loop3A_480, %parallel_loop3A_483 : i32
      %parallel_loop3A_485 = arith.index_cast %parallel_loop3A_484 : i32 to index
      %parallel_loop3A_486 = tpu.vector_load %arg4[%parallel_loop3A_485] {strides = array<i32>} : memref<32768xf32, #tpu.memory_space<vmem>>, vector<16xf32>,
      %parallel_loop3A_487 = arith.maximumf %parallel_loop3A_482, %parallel_loop3A_486 : vector<16xf32>
      %parallel_loop3A_488 = arith.constant 32 : i32
      %parallel_loop3A_489 = arith.addi %parallel_loop3A_480, %parallel_loop3A_488 : i32
      %parallel_loop3A_490 = arith.index_cast %parallel_loop3A_489 : i32 to index
      %parallel_loop3A_491 = tpu.vector_load %arg4[%parallel_loop3A_490] {strides = array<i32>} : memref<32768xf32, #tpu.memory_space<vmem>>, vector<16xf32>,
      %parallel_loop3A_492 = arith.maximumf %parallel_loop3A_487, %parallel_loop3A_491 : vector<16xf32>
      %parallel_loop3A_493 = arith.constant 48 : i32
      %parallel_loop3A_494 = arith.addi %parallel_loop3A_480, %parallel_loop3A_493 : i32
      %parallel_loop3A_495 = arith.index_cast %parallel_loop3A_494 : i32 to index
      %parallel_loop3A_496 = tpu.vector_load %arg4[%parallel_loop3A_495] {strides = array<i32>} : memref<32768xf32, #tpu.memory_space<vmem>>, vector<16xf32>,
      %parallel_loop3A_497 = arith.maximumf %parallel_loop3A_492, %parallel_loop3A_496 : vector<16xf32>
      %parallel_loop3A_498 = arith.constant 64 : i32
      %parallel_loop3A_499 = arith.addi %parallel_loop3A_480, %parallel_loop3A_498 : i32
      %parallel_loop3A_500 = arith.index_cast %parallel_loop3A_499 : i32 to index
      %parallel_loop3A_501 = tpu.vector_load %arg4[%parallel_loop3A_500] {strides = array<i32>} : memref<32768xf32, #tpu.memory_space<vmem>>, vector<16xf32>,
      %parallel_loop3A_502 = arith.maximumf %parallel_loop3A_497, %parallel_loop3A_501 : vector<16xf32>
      %parallel_loop3A_503 = arith.constant 80 : i32
      %parallel_loop3A_504 = arith.addi %parallel_loop3A_480, %parallel_loop3A_503 : i32
      %parallel_loop3A_505 = arith.index_cast %parallel_loop3A_504 : i32 to index
      %parallel_loop3A_506 = tpu.vector_load %arg4[%parallel_loop3A_505] {strides = array<i32>} : memref<32768xf32, #tpu.memory_space<vmem>>, vector<16xf32>,
      %parallel_loop3A_507 = arith.maximumf %parallel_loop3A_502, %parallel_loop3A_506 : vector<16xf32>
      %parallel_loop3A_508 = arith.constant 96 : i32
      %parallel_loop3A_509 = arith.addi %parallel_loop3A_480, %parallel_loop3A_508 : i32
      %parallel_loop3A_510 = arith.index_cast %parallel_loop3A_509 : i32 to index
      %parallel_loop3A_511 = tpu.vector_load %arg4[%parallel_loop3A_510] {strides = array<i32>} : memref<32768xf32, #tpu.memory_space<vmem>>, vector<16xf32>,
      %parallel_loop3A_512 = arith.maximumf %parallel_loop3A_507, %parallel_loop3A_511 : vector<16xf32>
      %parallel_loop3A_513 = arith.constant 112 : i32
      %parallel_loop3A_514 = arith.addi %parallel_loop3A_480, %parallel_loop3A_513 : i32
      %parallel_loop3A_515 = arith.index_cast %parallel_loop3A_514 : i32 to index
      %parallel_loop3A_516 = tpu.vector_load %arg4[%parallel_loop3A_515] {strides = array<i32>} : memref<32768xf32, #tpu.memory_space<vmem>>, vector<16xf32>,
      %parallel_loop3A_517 = arith.maximumf %parallel_loop3A_512, %parallel_loop3A_516 : vector<16xf32>
      %parallel_loop3A_518 = arith.constant true
      %parallel_loop3A_519 = vector.broadcast %parallel_loop3A_518 : i1 to vector<16xi1>
      %parallel_loop3A_520 = tpu.scan <max>, %parallel_loop3A_517 masked %parallel_loop3A_519 : vector<16xf32>, vector<16xi1> -> vector<16xf32>
      %parallel_loop3A_521 = vector.extract %parallel_loop3A_520[15] : f32 from vector<16xf32>
      %parallel_loop3A_522 = arith.index_cast %parallel_loop3A_477 : i32 to index
      %parallel_loop3A_523 = memref.load %arg7[%parallel_loop3A_522] : memref<256xf32, #tpu.memory_space<smem>>
      memref.store %parallel_loop3A_521, %arg7[%parallel_loop3A_522] : memref<256xf32, #tpu.memory_space<smem>>
      %parallel_loop3A_524 = arith.maximumf %parallel_loop3A_478, %parallel_loop3A_517 : vector<16xf32>
      scf.yield %parallel_loop3A_524 : vector<16xf32>
    } {sc.loop_unroll_factor = 2 : i64, sc.parallel_access}
    %dma_wait3A_63 = arith.constant 8192 : i32
    %dma_wait3A_64 = tpu.memref_slice %arg4[%dma_wait3A_63] : memref<32768xf32, #tpu.memory_space<vmem>> -> memref<8192xf32, #tpu.memory_space<vmem>>
    %dma_wait3A_65 = arith.constant 8192 : i32
    %dma_wait3A_66 = tpu.memref_slice %arg2[%mul3A_2, %dma_wait3A_65] : memref<64x32768xf32, #tpu.memory_space<hbm>> -> memref<1x8192xf32, #tpu.memory_space<hbm>>
    %dma_wait3A_67 = tpu.memref_squeeze %dma_wait3A_66 : memref<1x8192xf32, #tpu.memory_space<hbm>> -> memref<8192xf32, #tpu.memory_space<hbm>>
    %dma_wait3A_68 = arith.constant 8192 : i32
    %dma_wait3A_69 = tpu.memref_slice %arg4[%dma_wait3A_68] : memref<32768xf32, #tpu.memory_space<vmem>> -> memref<8192xf32, #tpu.memory_space<vmem>>
    %dma_wait3A_70 = arith.constant 8192 : i32
    %dma_wait3A_71 = tpu.memref_slice %arg2[%mul3A_2, %dma_wait3A_70] : memref<64x32768xf32, #tpu.memory_space<hbm>> -> memref<1x8192xf32, #tpu.memory_space<hbm>>
    %dma_wait3A_72 = tpu.memref_squeeze %dma_wait3A_71 : memref<1x8192xf32, #tpu.memory_space<hbm>> -> memref<8192xf32, #tpu.memory_space<hbm>>
    tpu.wait_dma2 semaphore(%arg9 : memref<!tpu.dma_semaphore, #tpu.memory_space<semaphore_mem>>) src(%dma_wait3A_72 : memref<8192xf32, #tpu.memory_space<hbm>>) dst(%dma_wait3A_69 : memref<8192xf32, #tpu.memory_space<vmem>>)
    %parallel_loop3A_73 = arith.constant 64 : i32
    %parallel_loop3A_74 = arith.constant 128 : i32
    %parallel_loop3A_75 = arith.constant 1 : i32
    %parallel_loop3A_76 = scf.for %parallel_loop3A_477 = %parallel_loop3A_73 to %parallel_loop3A_74 step %parallel_loop3A_75 iter_args(%parallel_loop3A_478 = %parallel_loop3A_62) -> (vector<16xf32>)  : i32 {
      %parallel_loop3A_479 = arith.constant 128 : i32
      %parallel_loop3A_480 = arith.muli %parallel_loop3A_477, %parallel_loop3A_479 : i32
      %parallel_loop3A_481 = arith.index_cast %parallel_loop3A_480 : i32 to index
      %parallel_loop3A_482 = tpu.vector_load %arg4[%parallel_loop3A_481] {strides = array<i32>} : memref<32768xf32, #tpu.memory_space<vmem>>, vector<16xf32>,
      %parallel_loop3A_483 = arith.constant 16 : i32
      %parallel_loop3A_484 = arith.addi %parallel_loop3A_480, %parallel_loop3A_483 : i32
      %parallel_loop3A_485 = arith.index_cast %parallel_loop3A_484 : i32 to index
      %parallel_loop3A_486 = tpu.vector_load %arg4[%parallel_loop3A_485] {strides = array<i32>} : memref<32768xf32, #tpu.memory_space<vmem>>, vector<16xf32>,
      %parallel_loop3A_487 = arith.maximumf %parallel_loop3A_482, %parallel_loop3A_486 : vector<16xf32>
      %parallel_loop3A_488 = arith.constant 32 : i32
      %parallel_loop3A_489 = arith.addi %parallel_loop3A_480, %parallel_loop3A_488 : i32
      %parallel_loop3A_490 = arith.index_cast %parallel_loop3A_489 : i32 to index
      %parallel_loop3A_491 = tpu.vector_load %arg4[%parallel_loop3A_490] {strides = array<i32>} : memref<32768xf32, #tpu.memory_space<vmem>>, vector<16xf32>,
      %parallel_loop3A_492 = arith.maximumf %parallel_loop3A_487, %parallel_loop3A_491 : vector<16xf32>
      %parallel_loop3A_493 = arith.constant 48 : i32
      %parallel_loop3A_494 = arith.addi %parallel_loop3A_480, %parallel_loop3A_493 : i32
      %parallel_loop3A_495 = arith.index_cast %parallel_loop3A_494 : i32 to index
      %parallel_loop3A_496 = tpu.vector_load %arg4[%parallel_loop3A_495] {strides = array<i32>} : memref<32768xf32, #tpu.memory_space<vmem>>, vector<16xf32>,
      %parallel_loop3A_497 = arith.maximumf %parallel_loop3A_492, %parallel_loop3A_496 : vector<16xf32>
      %parallel_loop3A_498 = arith.constant 64 : i32
      %parallel_loop3A_499 = arith.addi %parallel_loop3A_480, %parallel_loop3A_498 : i32
      %parallel_loop3A_500 = arith.index_cast %parallel_loop3A_499 : i32 to index
      %parallel_loop3A_501 = tpu.vector_load %arg4[%parallel_loop3A_500] {strides = array<i32>} : memref<32768xf32, #tpu.memory_space<vmem>>, vector<16xf32>,
      %parallel_loop3A_502 = arith.maximumf %parallel_loop3A_497, %parallel_loop3A_501 : vector<16xf32>
      %parallel_loop3A_503 = arith.constant 80 : i32
      %parallel_loop3A_504 = arith.addi %parallel_loop3A_480, %parallel_loop3A_503 : i32
      %parallel_loop3A_505 = arith.index_cast %parallel_loop3A_504 : i32 to index
      %parallel_loop3A_506 = tpu.vector_load %arg4[%parallel_loop3A_505] {strides = array<i32>} : memref<32768xf32, #tpu.memory_space<vmem>>, vector<16xf32>,
      %parallel_loop3A_507 = arith.maximumf %parallel_loop3A_502, %parallel_loop3A_506 : vector<16xf32>
      %parallel_loop3A_508 = arith.constant 96 : i32
      %parallel_loop3A_509 = arith.addi %parallel_loop3A_480, %parallel_loop3A_508 : i32
      %parallel_loop3A_510 = arith.index_cast %parallel_loop3A_509 : i32 to index
      %parallel_loop3A_511 = tpu.vector_load %arg4[%parallel_loop3A_510] {strides = array<i32>} : memref<32768xf32, #tpu.memory_space<vmem>>, vector<16xf32>,
      %parallel_loop3A_512 = arith.maximumf %parallel_loop3A_507, %parallel_loop3A_511 : vector<16xf32>
      %parallel_loop3A_513 = arith.constant 112 : i32
      %parallel_loop3A_514 = arith.addi %parallel_loop3A_480, %parallel_loop3A_513 : i32
      %parallel_loop3A_515 = arith.index_cast %parallel_loop3A_514 : i32 to index
      %parallel_loop3A_516 = tpu.vector_load %arg4[%parallel_loop3A_515] {strides = array<i32>} : memref<32768xf32, #tpu.memory_space<vmem>>, vector<16xf32>,
      %parallel_loop3A_517 = arith.maximumf %parallel_loop3A_512, %parallel_loop3A_516 : vector<16xf32>
      %parallel_loop3A_518 = arith.constant true
      %parallel_loop3A_519 = vector.broadcast %parallel_loop3A_518 : i1 to vector<16xi1>
      %parallel_loop3A_520 = tpu.scan <max>, %parallel_loop3A_517 masked %parallel_loop3A_519 : vector<16xf32>, vector<16xi1> -> vector<16xf32>
      %parallel_loop3A_521 = vector.extract %parallel_loop3A_520[15] : f32 from vector<16xf32>
      %parallel_loop3A_522 = arith.index_cast %parallel_loop3A_477 : i32 to index
      %parallel_loop3A_523 = memref.load %arg7[%parallel_loop3A_522] : memref<256xf32, #tpu.memory_space<smem>>
      memref.store %parallel_loop3A_521, %arg7[%parallel_loop3A_522] : memref<256xf32, #tpu.memory_space<smem>>
      %parallel_loop3A_524 = arith.maximumf %parallel_loop3A_478, %parallel_loop3A_517 : vector<16xf32>
      scf.yield %parallel_loop3A_524 : vector<16xf32>
    } {sc.loop_unroll_factor = 2 : i64, sc.parallel_access}
    %dma_wait3A_77 = arith.constant 16384 : i32
    %dma_wait3A_78 = tpu.memref_slice %arg4[%dma_wait3A_77] : memref<32768xf32, #tpu.memory_space<vmem>> -> memref<8192xf32, #tpu.memory_space<vmem>>
    %dma_wait3A_79 = arith.constant 16384 : i32
    %dma_wait3A_80 = tpu.memref_slice %arg2[%mul3A_2, %dma_wait3A_79] : memref<64x32768xf32, #tpu.memory_space<hbm>> -> memref<1x8192xf32, #tpu.memory_space<hbm>>
    %dma_wait3A_81 = tpu.memref_squeeze %dma_wait3A_80 : memref<1x8192xf32, #tpu.memory_space<hbm>> -> memref<8192xf32, #tpu.memory_space<hbm>>
    %dma_wait3A_82 = arith.constant 16384 : i32
    %dma_wait3A_83 = tpu.memref_slice %arg4[%dma_wait3A_82] : memref<32768xf32, #tpu.memory_space<vmem>> -> memref<8192xf32, #tpu.memory_space<vmem>>
    %dma_wait3A_84 = arith.constant 16384 : i32
    %dma_wait3A_85 = tpu.memref_slice %arg2[%mul3A_2, %dma_wait3A_84] : memref<64x32768xf32, #tpu.memory_space<hbm>> -> memref<1x8192xf32, #tpu.memory_space<hbm>>
    %dma_wait3A_86 = tpu.memref_squeeze %dma_wait3A_85 : memref<1x8192xf32, #tpu.memory_space<hbm>> -> memref<8192xf32, #tpu.memory_space<hbm>>
    tpu.wait_dma2 semaphore(%arg9 : memref<!tpu.dma_semaphore, #tpu.memory_space<semaphore_mem>>) src(%dma_wait3A_86 : memref<8192xf32, #tpu.memory_space<hbm>>) dst(%dma_wait3A_83 : memref<8192xf32, #tpu.memory_space<vmem>>)
    %parallel_loop3A_87 = arith.constant 128 : i32
    %parallel_loop3A_88 = arith.constant 192 : i32
    %parallel_loop3A_89 = arith.constant 1 : i32
    %parallel_loop3A_90 = scf.for %parallel_loop3A_477 = %parallel_loop3A_87 to %parallel_loop3A_88 step %parallel_loop3A_89 iter_args(%parallel_loop3A_478 = %parallel_loop3A_76) -> (vector<16xf32>)  : i32 {
      %parallel_loop3A_479 = arith.constant 128 : i32
      %parallel_loop3A_480 = arith.muli %parallel_loop3A_477, %parallel_loop3A_479 : i32
      %parallel_loop3A_481 = arith.index_cast %parallel_loop3A_480 : i32 to index
      %parallel_loop3A_482 = tpu.vector_load %arg4[%parallel_loop3A_481] {strides = array<i32>} : memref<32768xf32, #tpu.memory_space<vmem>>, vector<16xf32>,
      %parallel_loop3A_483 = arith.constant 16 : i32
      %parallel_loop3A_484 = arith.addi %parallel_loop3A_480, %parallel_loop3A_483 : i32
      %parallel_loop3A_485 = arith.index_cast %parallel_loop3A_484 : i32 to index
      %parallel_loop3A_486 = tpu.vector_load %arg4[%parallel_loop3A_485] {strides = array<i32>} : memref<32768xf32, #tpu.memory_space<vmem>>, vector<16xf32>,
      %parallel_loop3A_487 = arith.maximumf %parallel_loop3A_482, %parallel_loop3A_486 : vector<16xf32>
      %parallel_loop3A_488 = arith.constant 32 : i32
      %parallel_loop3A_489 = arith.addi %parallel_loop3A_480, %parallel_loop3A_488 : i32
      %parallel_loop3A_490 = arith.index_cast %parallel_loop3A_489 : i32 to index
      %parallel_loop3A_491 = tpu.vector_load %arg4[%parallel_loop3A_490] {strides = array<i32>} : memref<32768xf32, #tpu.memory_space<vmem>>, vector<16xf32>,
      %parallel_loop3A_492 = arith.maximumf %parallel_loop3A_487, %parallel_loop3A_491 : vector<16xf32>
      %parallel_loop3A_493 = arith.constant 48 : i32
      %parallel_loop3A_494 = arith.addi %parallel_loop3A_480, %parallel_loop3A_493 : i32
      %parallel_loop3A_495 = arith.index_cast %parallel_loop3A_494 : i32 to index
      %parallel_loop3A_496 = tpu.vector_load %arg4[%parallel_loop3A_495] {strides = array<i32>} : memref<32768xf32, #tpu.memory_space<vmem>>, vector<16xf32>,
      %parallel_loop3A_497 = arith.maximumf %parallel_loop3A_492, %parallel_loop3A_496 : vector<16xf32>
      %parallel_loop3A_498 = arith.constant 64 : i32
      %parallel_loop3A_499 = arith.addi %parallel_loop3A_480, %parallel_loop3A_498 : i32
      %parallel_loop3A_500 = arith.index_cast %parallel_loop3A_499 : i32 to index
      %parallel_loop3A_501 = tpu.vector_load %arg4[%parallel_loop3A_500] {strides = array<i32>} : memref<32768xf32, #tpu.memory_space<vmem>>, vector<16xf32>,
      %parallel_loop3A_502 = arith.maximumf %parallel_loop3A_497, %parallel_loop3A_501 : vector<16xf32>
      %parallel_loop3A_503 = arith.constant 80 : i32
      %parallel_loop3A_504 = arith.addi %parallel_loop3A_480, %parallel_loop3A_503 : i32
      %parallel_loop3A_505 = arith.index_cast %parallel_loop3A_504 : i32 to index
      %parallel_loop3A_506 = tpu.vector_load %arg4[%parallel_loop3A_505] {strides = array<i32>} : memref<32768xf32, #tpu.memory_space<vmem>>, vector<16xf32>,
      %parallel_loop3A_507 = arith.maximumf %parallel_loop3A_502, %parallel_loop3A_506 : vector<16xf32>
      %parallel_loop3A_508 = arith.constant 96 : i32
      %parallel_loop3A_509 = arith.addi %parallel_loop3A_480, %parallel_loop3A_508 : i32
      %parallel_loop3A_510 = arith.index_cast %parallel_loop3A_509 : i32 to index
      %parallel_loop3A_511 = tpu.vector_load %arg4[%parallel_loop3A_510] {strides = array<i32>} : memref<32768xf32, #tpu.memory_space<vmem>>, vector<16xf32>,
      %parallel_loop3A_512 = arith.maximumf %parallel_loop3A_507, %parallel_loop3A_511 : vector<16xf32>
      %parallel_loop3A_513 = arith.constant 112 : i32
      %parallel_loop3A_514 = arith.addi %parallel_loop3A_480, %parallel_loop3A_513 : i32
      %parallel_loop3A_515 = arith.index_cast %parallel_loop3A_514 : i32 to index
      %parallel_loop3A_516 = tpu.vector_load %arg4[%parallel_loop3A_515] {strides = array<i32>} : memref<32768xf32, #tpu.memory_space<vmem>>, vector<16xf32>,
      %parallel_loop3A_517 = arith.maximumf %parallel_loop3A_512, %parallel_loop3A_516 : vector<16xf32>
      %parallel_loop3A_518 = arith.constant true
      %parallel_loop3A_519 = vector.broadcast %parallel_loop3A_518 : i1 to vector<16xi1>
      %parallel_loop3A_520 = tpu.scan <max>, %parallel_loop3A_517 masked %parallel_loop3A_519 : vector<16xf32>, vector<16xi1> -> vector<16xf32>
      %parallel_loop3A_521 = vector.extract %parallel_loop3A_520[15] : f32 from vector<16xf32>
      %parallel_loop3A_522 = arith.index_cast %parallel_loop3A_477 : i32 to index
      %parallel_loop3A_523 = memref.load %arg7[%parallel_loop3A_522] : memref<256xf32, #tpu.memory_space<smem>>
      memref.store %parallel_loop3A_521, %arg7[%parallel_loop3A_522] : memref<256xf32, #tpu.memory_space<smem>>
      %parallel_loop3A_524 = arith.maximumf %parallel_loop3A_478, %parallel_loop3A_517 : vector<16xf32>
      scf.yield %parallel_loop3A_524 : vector<16xf32>
    } {sc.loop_unroll_factor = 2 : i64, sc.parallel_access}
    %dma_wait3A_91 = arith.constant 24576 : i32
    %dma_wait3A_92 = tpu.memref_slice %arg4[%dma_wait3A_91] : memref<32768xf32, #tpu.memory_space<vmem>> -> memref<8192xf32, #tpu.memory_space<vmem>>
    %dma_wait3A_93 = arith.constant 24576 : i32
    %dma_wait3A_94 = tpu.memref_slice %arg2[%mul3A_2, %dma_wait3A_93] : memref<64x32768xf32, #tpu.memory_space<hbm>> -> memref<1x8192xf32, #tpu.memory_space<hbm>>
    %dma_wait3A_95 = tpu.memref_squeeze %dma_wait3A_94 : memref<1x8192xf32, #tpu.memory_space<hbm>> -> memref<8192xf32, #tpu.memory_space<hbm>>
    %dma_wait3A_96 = arith.constant 24576 : i32
    %dma_wait3A_97 = tpu.memref_slice %arg4[%dma_wait3A_96] : memref<32768xf32, #tpu.memory_space<vmem>> -> memref<8192xf32, #tpu.memory_space<vmem>>
    %dma_wait3A_98 = arith.constant 24576 : i32
    %dma_wait3A_99 = tpu.memref_slice %arg2[%mul3A_2, %dma_wait3A_98] : memref<64x32768xf32, #tpu.memory_space<hbm>> -> memref<1x8192xf32, #tpu.memory_space<hbm>>
    %dma_wait3A_100 = tpu.memref_squeeze %dma_wait3A_99 : memref<1x8192xf32, #tpu.memory_space<hbm>> -> memref<8192xf32, #tpu.memory_space<hbm>>
    tpu.wait_dma2 semaphore(%arg9 : memref<!tpu.dma_semaphore, #tpu.memory_space<semaphore_mem>>) src(%dma_wait3A_100 : memref<8192xf32, #tpu.memory_space<hbm>>) dst(%dma_wait3A_97 : memref<8192xf32, #tpu.memory_space<vmem>>)
    %parallel_loop3A_101 = arith.constant 192 : i32
    %parallel_loop3A_102 = arith.constant 256 : i32
    %parallel_loop3A_103 = arith.constant 1 : i32
    %parallel_loop3A_104 = scf.for %parallel_loop3A_477 = %parallel_loop3A_101 to %parallel_loop3A_102 step %parallel_loop3A_103 iter_args(%parallel_loop3A_478 = %parallel_loop3A_90) -> (vector<16xf32>)  : i32 {
      %parallel_loop3A_479 = arith.constant 128 : i32
      %parallel_loop3A_480 = arith.muli %parallel_loop3A_477, %parallel_loop3A_479 : i32
      %parallel_loop3A_481 = arith.index_cast %parallel_loop3A_480 : i32 to index
      %parallel_loop3A_482 = tpu.vector_load %arg4[%parallel_loop3A_481] {strides = array<i32>} : memref<32768xf32, #tpu.memory_space<vmem>>, vector<16xf32>,
      %parallel_loop3A_483 = arith.constant 16 : i32
      %parallel_loop3A_484 = arith.addi %parallel_loop3A_480, %parallel_loop3A_483 : i32
      %parallel_loop3A_485 = arith.index_cast %parallel_loop3A_484 : i32 to index
      %parallel_loop3A_486 = tpu.vector_load %arg4[%parallel_loop3A_485] {strides = array<i32>} : memref<32768xf32, #tpu.memory_space<vmem>>, vector<16xf32>,
      %parallel_loop3A_487 = arith.maximumf %parallel_loop3A_482, %parallel_loop3A_486 : vector<16xf32>
      %parallel_loop3A_488 = arith.constant 32 : i32
      %parallel_loop3A_489 = arith.addi %parallel_loop3A_480, %parallel_loop3A_488 : i32
      %parallel_loop3A_490 = arith.index_cast %parallel_loop3A_489 : i32 to index
      %parallel_loop3A_491 = tpu.vector_load %arg4[%parallel_loop3A_490] {strides = array<i32>} : memref<32768xf32, #tpu.memory_space<vmem>>, vector<16xf32>,
      %parallel_loop3A_492 = arith.maximumf %parallel_loop3A_487, %parallel_loop3A_491 : vector<16xf32>
      %parallel_loop3A_493 = arith.constant 48 : i32
      %parallel_loop3A_494 = arith.addi %parallel_loop3A_480, %parallel_loop3A_493 : i32
      %parallel_loop3A_495 = arith.index_cast %parallel_loop3A_494 : i32 to index
      %parallel_loop3A_496 = tpu.vector_load %arg4[%parallel_loop3A_495] {strides = array<i32>} : memref<32768xf32, #tpu.memory_space<vmem>>, vector<16xf32>,
      %parallel_loop3A_497 = arith.maximumf %parallel_loop3A_492, %parallel_loop3A_496 : vector<16xf32>
      %parallel_loop3A_498 = arith.constant 64 : i32
      %parallel_loop3A_499 = arith.addi %parallel_loop3A_480, %parallel_loop3A_498 : i32
      %parallel_loop3A_500 = arith.index_cast %parallel_loop3A_499 : i32 to index
      %parallel_loop3A_501 = tpu.vector_load %arg4[%parallel_loop3A_500] {strides = array<i32>} : memref<32768xf32, #tpu.memory_space<vmem>>, vector<16xf32>,
      %parallel_loop3A_502 = arith.maximumf %parallel_loop3A_497, %parallel_loop3A_501 : vector<16xf32>
      %parallel_loop3A_503 = arith.constant 80 : i32
      %parallel_loop3A_504 = arith.addi %parallel_loop3A_480, %parallel_loop3A_503 : i32
      %parallel_loop3A_505 = arith.index_cast %parallel_loop3A_504 : i32 to index
      %parallel_loop3A_506 = tpu.vector_load %arg4[%parallel_loop3A_505] {strides = array<i32>} : memref<32768xf32, #tpu.memory_space<vmem>>, vector<16xf32>,
      %parallel_loop3A_507 = arith.maximumf %parallel_loop3A_502, %parallel_loop3A_506 : vector<16xf32>
      %parallel_loop3A_508 = arith.constant 96 : i32
      %parallel_loop3A_509 = arith.addi %parallel_loop3A_480, %parallel_loop3A_508 : i32
      %parallel_loop3A_510 = arith.index_cast %parallel_loop3A_509 : i32 to index
      %parallel_loop3A_511 = tpu.vector_load %arg4[%parallel_loop3A_510] {strides = array<i32>} : memref<32768xf32, #tpu.memory_space<vmem>>, vector<16xf32>,
      %parallel_loop3A_512 = arith.maximumf %parallel_loop3A_507, %parallel_loop3A_511 : vector<16xf32>
      %parallel_loop3A_513 = arith.constant 112 : i32
      %parallel_loop3A_514 = arith.addi %parallel_loop3A_480, %parallel_loop3A_513 : i32
      %parallel_loop3A_515 = arith.index_cast %parallel_loop3A_514 : i32 to index
      %parallel_loop3A_516 = tpu.vector_load %arg4[%parallel_loop3A_515] {strides = array<i32>} : memref<32768xf32, #tpu.memory_space<vmem>>, vector<16xf32>,
      %parallel_loop3A_517 = arith.maximumf %parallel_loop3A_512, %parallel_loop3A_516 : vector<16xf32>
      %parallel_loop3A_518 = arith.constant true
      %parallel_loop3A_519 = vector.broadcast %parallel_loop3A_518 : i1 to vector<16xi1>
      %parallel_loop3A_520 = tpu.scan <max>, %parallel_loop3A_517 masked %parallel_loop3A_519 : vector<16xf32>, vector<16xi1> -> vector<16xf32>
      %parallel_loop3A_521 = vector.extract %parallel_loop3A_520[15] : f32 from vector<16xf32>
      %parallel_loop3A_522 = arith.index_cast %parallel_loop3A_477 : i32 to index
      %parallel_loop3A_523 = memref.load %arg7[%parallel_loop3A_522] : memref<256xf32, #tpu.memory_space<smem>>
      memref.store %parallel_loop3A_521, %arg7[%parallel_loop3A_522] : memref<256xf32, #tpu.memory_space<smem>>
      %parallel_loop3A_524 = arith.maximumf %parallel_loop3A_478, %parallel_loop3A_517 : vector<16xf32>
      scf.yield %parallel_loop3A_524 : vector<16xf32>
    } {sc.loop_unroll_factor = 2 : i64, sc.parallel_access}
    "tpu.trace_stop"() : () -> ()
    %reduce_max3A = arith.constant true
    %reduce_max3A_105 = vector.broadcast %reduce_max3A : i1 to vector<16xi1>
    %reduce_max3A_106 = tpu.scan <max>, %parallel_loop3A_104 masked %reduce_max3A_105 : vector<16xf32>, vector<16xi1> -> vector<16xf32>
    %reduce_max3A_107 = vector.extract %reduce_max3A_106[15] : f32 from vector<16xf32>
    %sub3A = arith.constant 1.000000e+00 : f32
    %sub3A_108 = arith.subf %reduce_max3A_107, %sub3A : f32
    "tpu.trace_start"() <{level = 10 : i32, message = "p2a_select"}> : () -> ()
    %scan3A = arith.constant 0 : i32
    %scan3A_109 = arith.constant 0 : i32
    %scan3A_110 = arith.constant 256 : i32
    %scan3A_111 = arith.addi %scan3A_109, %scan3A_110 : i32
    %scan3A_112 = arith.constant 4 : i32
    %scan3A_113 = scf.for %scan3A_477 = %scan3A_109 to %scan3A_111 step %scan3A_112 iter_args(%scan3A_478 = %scan3A) -> (i32)  : i32 {
      %swap3A_479 = arith.index_cast %scan3A_478 : i32 to index
      %swap3A_480 = memref.load %arg8[%swap3A_479] : memref<257xi32, #tpu.memory_space<smem>>
      memref.store %scan3A_477, %arg8[%swap3A_479] : memref<257xi32, #tpu.memory_space<smem>>
      %get3A = arith.index_cast %scan3A_477 : i32 to index
      %get3A_481 = memref.load %arg7[%get3A] : memref<256xf32, #tpu.memory_space<smem>>
      %ge3A = arith.cmpf oge, %get3A_481, %sub3A_108 : f32
      %jit3A_482 = arith.constant 1 : i32
      %jit3A_483 = arith.constant 0 : i32
      %select_n3A_484 = arith.select %ge3A, %jit3A_482, %jit3A_483 : i32
      %add3A_485 = arith.addi %scan3A_478, %select_n3A_484 : i32
      %scan3A_486 = arith.constant 1 : i32
      %scan3A_487 = arith.addi %scan3A_477, %scan3A_486 : i32
      %swap3A_488 = arith.index_cast %add3A_485 : i32 to index
      %swap3A_489 = memref.load %arg8[%swap3A_488] : memref<257xi32, #tpu.memory_space<smem>>
      memref.store %scan3A_487, %arg8[%swap3A_488] : memref<257xi32, #tpu.memory_space<smem>>
      %get3A_490 = arith.index_cast %scan3A_487 : i32 to index
      %get3A_491 = memref.load %arg7[%get3A_490] : memref<256xf32, #tpu.memory_space<smem>>
      %ge3A_492 = arith.cmpf oge, %get3A_491, %sub3A_108 : f32
      %jit3A_493 = arith.constant 1 : i32
      %jit3A_494 = arith.constant 0 : i32
      %select_n3A_495 = arith.select %ge3A_492, %jit3A_493, %jit3A_494 : i32
      %add3A_496 = arith.addi %add3A_485, %select_n3A_495 : i32
      %scan3A_497 = arith.constant 2 : i32
      %scan3A_498 = arith.addi %scan3A_477, %scan3A_497 : i32
      %swap3A_499 = arith.index_cast %add3A_496 : i32 to index
      %swap3A_500 = memref.load %arg8[%swap3A_499] : memref<257xi32, #tpu.memory_space<smem>>
      memref.store %scan3A_498, %arg8[%swap3A_499] : memref<257xi32, #tpu.memory_space<smem>>
      %get3A_501 = arith.index_cast %scan3A_498 : i32 to index
      %get3A_502 = memref.load %arg7[%get3A_501] : memref<256xf32, #tpu.memory_space<smem>>
      %ge3A_503 = arith.cmpf oge, %get3A_502, %sub3A_108 : f32
      %jit3A_504 = arith.constant 1 : i32
      %jit3A_505 = arith.constant 0 : i32
      %select_n3A_506 = arith.select %ge3A_503, %jit3A_504, %jit3A_505 : i32
      %add3A_507 = arith.addi %add3A_496, %select_n3A_506 : i32
      %scan3A_508 = arith.constant 3 : i32
      %scan3A_509 = arith.addi %scan3A_477, %scan3A_508 : i32
      %swap3A_510 = arith.index_cast %add3A_507 : i32 to index
      %swap3A_511 = memref.load %arg8[%swap3A_510] : memref<257xi32, #tpu.memory_space<smem>>
      memref.store %scan3A_509, %arg8[%swap3A_510] : memref<257xi32, #tpu.memory_space<smem>>
      %get3A_512 = arith.index_cast %scan3A_509 : i32 to index
      %get3A_513 = memref.load %arg7[%get3A_512] : memref<256xf32, #tpu.memory_space<smem>>
      %ge3A_514 = arith.cmpf oge, %get3A_513, %sub3A_108 : f32
      %jit3A_515 = arith.constant 1 : i32
      %jit3A_516 = arith.constant 0 : i32
      %select_n3A_517 = arith.select %ge3A_514, %jit3A_515, %jit3A_516 : i32
      %add3A_518 = arith.addi %add3A_507, %select_n3A_517 : i32
      scf.yield %add3A_518 : i32
    }
    %scan3A_114 = arith.constant 256 : i32
    %while3A = arith.constant 0 : i32
    %while3A_115 = arith.constant 0 : i32
    "tpu.trace_stop"() : () -> ()
    "tpu.trace_start"() <{level = 10 : i32, message = "p2b_compact"}> : () -> ()
    %while3A_116 = arith.subi %scan3A_113, %while3A : i32
    %while3A_117 = arith.addi %while3A, %while3A_116 : i32
    %while3A_118 = arith.constant 1 : i32
    %while3A_119 = arith.divsi %while3A_116, %while3A_118 : i32
    %while3A_120 = arith.muli %while3A_119, %while3A_118 : i32
    %while3A_121 = arith.addi %while3A, %while3A_120 : i32
    %while3A_122 = arith.constant 1 : i32
    %while3A_123 = scf.for %while3A_477 = %while3A to %while3A_121 step %while3A_122 iter_args(%while3A_478 = %while3A_115) -> (i32)  : i32 {
      %get3A = arith.index_cast %while3A_477 : i32 to index
      %get3A_479 = memref.load %arg8[%get3A] : memref<257xi32, #tpu.memory_space<smem>>
      %mul3A_480 = arith.constant 128 : i32
      %mul3A_481 = arith.muli %get3A_479, %mul3A_480 : i32
      %add3A_482 = arith.constant 0 : i32
      %add3A_483 = arith.addi %mul3A_481, %add3A_482 : i32
      %get3A_484 = arith.index_cast %add3A_483 : i32 to index
      %get3A_485 = tpu.vector_load %arg4[%get3A_484] {strides = array<i32>} : memref<32768xf32, #tpu.memory_space<vmem>>, vector<16xf32>,
      %ge3A = vector.broadcast %sub3A_108 : f32 to vector<16xf32>
      %ge3A_486 = arith.cmpf oge, %get3A_485, %ge3A : vector<16xf32>
      %swap3A_487 = arith.index_cast %while3A_478 : i32 to index
      %swap3A_488 = tpu.vector_load %arg6[%swap3A_487] masked %ge3A_486 {strides = array<i32>} : memref<32784xf32, #tpu.memory_space<vmem>>, vector<16xf32>, vector<16xi1>
      tpu.vector_store %arg6[%swap3A_487], %get3A_485 masked %ge3A_486 {strides = array<i32>} : memref<32784xf32, #tpu.memory_space<vmem>>, vector<16xf32>, vector<16xi1>
      %all_reduce_population_count3A = tpu.all_reduce %ge3A_486 {dim = 0 : i64, kind = #tpu.reduction_kind<sum>} : vector<16xi1> -> vector<16xi32>
      %slice3A = vector.extract_strided_slice %all_reduce_population_count3A {offsets = [0], sizes = [1], strides = [1]} : vector<16xi32> to vector<1xi32>
      %squeeze3A = vector.extract %slice3A[0] : i32 from vector<1xi32>
      %add3A_489 = arith.addi %while3A_478, %squeeze3A : i32
      %add3A_490 = arith.constant 16 : i32
      %add3A_491 = arith.addi %mul3A_481, %add3A_490 : i32
      %get3A_492 = arith.index_cast %add3A_491 : i32 to index
      %get3A_493 = tpu.vector_load %arg4[%get3A_492] {strides = array<i32>} : memref<32768xf32, #tpu.memory_space<vmem>>, vector<16xf32>,
      %ge3A_494 = vector.broadcast %sub3A_108 : f32 to vector<16xf32>
      %ge3A_495 = arith.cmpf oge, %get3A_493, %ge3A_494 : vector<16xf32>
      %swap3A_496 = arith.index_cast %add3A_489 : i32 to index
      %swap3A_497 = tpu.vector_load %arg6[%swap3A_496] masked %ge3A_495 {strides = array<i32>} : memref<32784xf32, #tpu.memory_space<vmem>>, vector<16xf32>, vector<16xi1>
      tpu.vector_store %arg6[%swap3A_496], %get3A_493 masked %ge3A_495 {strides = array<i32>} : memref<32784xf32, #tpu.memory_space<vmem>>, vector<16xf32>, vector<16xi1>
      %all_reduce_population_count3A_498 = tpu.all_reduce %ge3A_495 {dim = 0 : i64, kind = #tpu.reduction_kind<sum>} : vector<16xi1> -> vector<16xi32>
      %slice3A_499 = vector.extract_strided_slice %all_reduce_population_count3A_498 {offsets = [0], sizes = [1], strides = [1]} : vector<16xi32> to vector<1xi32>
      %squeeze3A_500 = vector.extract %slice3A_499[0] : i32 from vector<1xi32>
      %add3A_501 = arith.addi %add3A_489, %squeeze3A_500 : i32
      %add3A_502 = arith.constant 32 : i32
      %add3A_503 = arith.addi %mul3A_481, %add3A_502 : i32
      %get3A_504 = arith.index_cast %add3A_503 : i32 to index
      %get3A_505 = tpu.vector_load %arg4[%get3A_504] {strides = array<i32>} : memref<32768xf32, #tpu.memory_space<vmem>>, vector<16xf32>,
      %ge3A_506 = vector.broadcast %sub3A_108 : f32 to vector<16xf32>
      %ge3A_507 = arith.cmpf oge, %get3A_505, %ge3A_506 : vector<16xf32>
      %swap3A_508 = arith.index_cast %add3A_501 : i32 to index
      %swap3A_509 = tpu.vector_load %arg6[%swap3A_508] masked %ge3A_507 {strides = array<i32>} : memref<32784xf32, #tpu.memory_space<vmem>>, vector<16xf32>, vector<16xi1>
      tpu.vector_store %arg6[%swap3A_508], %get3A_505 masked %ge3A_507 {strides = array<i32>} : memref<32784xf32, #tpu.memory_space<vmem>>, vector<16xf32>, vector<16xi1>
      %all_reduce_population_count3A_510 = tpu.all_reduce %ge3A_507 {dim = 0 : i64, kind = #tpu.reduction_kind<sum>} : vector<16xi1> -> vector<16xi32>
      %slice3A_511 = vector.extract_strided_slice %all_reduce_population_count3A_510 {offsets = [0], sizes = [1], strides = [1]} : vector<16xi32> to vector<1xi32>
      %squeeze3A_512 = vector.extract %slice3A_511[0] : i32 from vector<1xi32>
      %add3A_513 = arith.addi %add3A_501, %squeeze3A_512 : i32
      %add3A_514 = arith.constant 48 : i32
      %add3A_515 = arith.addi %mul3A_481, %add3A_514 : i32
      %get3A_516 = arith.index_cast %add3A_515 : i32 to index
      %get3A_517 = tpu.vector_load %arg4[%get3A_516] {strides = array<i32>} : memref<32768xf32, #tpu.memory_space<vmem>>, vector<16xf32>,
      %ge3A_518 = vector.broadcast %sub3A_108 : f32 to vector<16xf32>
      %ge3A_519 = arith.cmpf oge, %get3A_517, %ge3A_518 : vector<16xf32>
      %swap3A_520 = arith.index_cast %add3A_513 : i32 to index
      %swap3A_521 = tpu.vector_load %arg6[%swap3A_520] masked %ge3A_519 {strides = array<i32>} : memref<32784xf32, #tpu.memory_space<vmem>>, vector<16xf32>, vector<16xi1>
      tpu.vector_store %arg6[%swap3A_520], %get3A_517 masked %ge3A_519 {strides = array<i32>} : memref<32784xf32, #tpu.memory_space<vmem>>, vector<16xf32>, vector<16xi1>
      %all_reduce_population_count3A_522 = tpu.all_reduce %ge3A_519 {dim = 0 : i64, kind = #tpu.reduction_kind<sum>} : vector<16xi1> -> vector<16xi32>
      %slice3A_523 = vector.extract_strided_slice %all_reduce_population_count3A_522 {offsets = [0], sizes = [1], strides = [1]} : vector<16xi32> to vector<1xi32>
      %squeeze3A_524 = vector.extract %slice3A_523[0] : i32 from vector<1xi32>
      %add3A_525 = arith.addi %add3A_513, %squeeze3A_524 : i32
      %add3A_526 = arith.constant 64 : i32
      %add3A_527 = arith.addi %mul3A_481, %add3A_526 : i32
      %get3A_528 = arith.index_cast %add3A_527 : i32 to index
      %get3A_529 = tpu.vector_load %arg4[%get3A_528] {strides = array<i32>} : memref<32768xf32, #tpu.memory_space<vmem>>, vector<16xf32>,
      %ge3A_530 = vector.broadcast %sub3A_108 : f32 to vector<16xf32>
      %ge3A_531 = arith.cmpf oge, %get3A_529, %ge3A_530 : vector<16xf32>
      %swap3A_532 = arith.index_cast %add3A_525 : i32 to index
      %swap3A_533 = tpu.vector_load %arg6[%swap3A_532] masked %ge3A_531 {strides = array<i32>} : memref<32784xf32, #tpu.memory_space<vmem>>, vector<16xf32>, vector<16xi1>
      tpu.vector_store %arg6[%swap3A_532], %get3A_529 masked %ge3A_531 {strides = array<i32>} : memref<32784xf32, #tpu.memory_space<vmem>>, vector<16xf32>, vector<16xi1>
      %all_reduce_population_count3A_534 = tpu.all_reduce %ge3A_531 {dim = 0 : i64, kind = #tpu.reduction_kind<sum>} : vector<16xi1> -> vector<16xi32>
      %slice3A_535 = vector.extract_strided_slice %all_reduce_population_count3A_534 {offsets = [0], sizes = [1], strides = [1]} : vector<16xi32> to vector<1xi32>
      %squeeze3A_536 = vector.extract %slice3A_535[0] : i32 from vector<1xi32>
      %add3A_537 = arith.addi %add3A_525, %squeeze3A_536 : i32
      %add3A_538 = arith.constant 80 : i32
      %add3A_539 = arith.addi %mul3A_481, %add3A_538 : i32
      %get3A_540 = arith.index_cast %add3A_539 : i32 to index
      %get3A_541 = tpu.vector_load %arg4[%get3A_540] {strides = array<i32>} : memref<32768xf32, #tpu.memory_space<vmem>>, vector<16xf32>,
      %ge3A_542 = vector.broadcast %sub3A_108 : f32 to vector<16xf32>
      %ge3A_543 = arith.cmpf oge, %get3A_541, %ge3A_542 : vector<16xf32>
      %swap3A_544 = arith.index_cast %add3A_537 : i32 to index
      %swap3A_545 = tpu.vector_load %arg6[%swap3A_544] masked %ge3A_543 {strides = array<i32>} : memref<32784xf32, #tpu.memory_space<vmem>>, vector<16xf32>, vector<16xi1>
      tpu.vector_store %arg6[%swap3A_544], %get3A_541 masked %ge3A_543 {strides = array<i32>} : memref<32784xf32, #tpu.memory_space<vmem>>, vector<16xf32>, vector<16xi1>
      %all_reduce_population_count3A_546 = tpu.all_reduce %ge3A_543 {dim = 0 : i64, kind = #tpu.reduction_kind<sum>} : vector<16xi1> -> vector<16xi32>
      %slice3A_547 = vector.extract_strided_slice %all_reduce_population_count3A_546 {offsets = [0], sizes = [1], strides = [1]} : vector<16xi32> to vector<1xi32>
      %squeeze3A_548 = vector.extract %slice3A_547[0] : i32 from vector<1xi32>
      %add3A_549 = arith.addi %add3A_537, %squeeze3A_548 : i32
      %add3A_550 = arith.constant 96 : i32
      %add3A_551 = arith.addi %mul3A_481, %add3A_550 : i32
      %get3A_552 = arith.index_cast %add3A_551 : i32 to index
      %get3A_553 = tpu.vector_load %arg4[%get3A_552] {strides = array<i32>} : memref<32768xf32, #tpu.memory_space<vmem>>, vector<16xf32>,
      %ge3A_554 = vector.broadcast %sub3A_108 : f32 to vector<16xf32>
      %ge3A_555 = arith.cmpf oge, %get3A_553, %ge3A_554 : vector<16xf32>
      %swap3A_556 = arith.index_cast %add3A_549 : i32 to index
      %swap3A_557 = tpu.vector_load %arg6[%swap3A_556] masked %ge3A_555 {strides = array<i32>} : memref<32784xf32, #tpu.memory_space<vmem>>, vector<16xf32>, vector<16xi1>
      tpu.vector_store %arg6[%swap3A_556], %get3A_553 masked %ge3A_555 {strides = array<i32>} : memref<32784xf32, #tpu.memory_space<vmem>>, vector<16xf32>, vector<16xi1>
      %all_reduce_population_count3A_558 = tpu.all_reduce %ge3A_555 {dim = 0 : i64, kind = #tpu.reduction_kind<sum>} : vector<16xi1> -> vector<16xi32>
      %slice3A_559 = vector.extract_strided_slice %all_reduce_population_count3A_558 {offsets = [0], sizes = [1], strides = [1]} : vector<16xi32> to vector<1xi32>
      %squeeze3A_560 = vector.extract %slice3A_559[0] : i32 from vector<1xi32>
      %add3A_561 = arith.addi %add3A_549, %squeeze3A_560 : i32
      %add3A_562 = arith.constant 112 : i32
      %add3A_563 = arith.addi %mul3A_481, %add3A_562 : i32
      %get3A_564 = arith.index_cast %add3A_563 : i32 to index
      %get3A_565 = tpu.vector_load %arg4[%get3A_564] {strides = array<i32>} : memref<32768xf32, #tpu.memory_space<vmem>>, vector<16xf32>,
      %ge3A_566 = vector.broadcast %sub3A_108 : f32 to vector<16xf32>
      %ge3A_567 = arith.cmpf oge, %get3A_565, %ge3A_566 : vector<16xf32>
      %swap3A_568 = arith.index_cast %add3A_561 : i32 to index
      %swap3A_569 = tpu.vector_load %arg6[%swap3A_568] masked %ge3A_567 {strides = array<i32>} : memref<32784xf32, #tpu.memory_space<vmem>>, vector<16xf32>, vector<16xi1>
      tpu.vector_store %arg6[%swap3A_568], %get3A_565 masked %ge3A_567 {strides = array<i32>} : memref<32784xf32, #tpu.memory_space<vmem>>, vector<16xf32>, vector<16xi1>
      %all_reduce_population_count3A_570 = tpu.all_reduce %ge3A_567 {dim = 0 : i64, kind = #tpu.reduction_kind<sum>} : vector<16xi1> -> vector<16xi32>
      %slice3A_571 = vector.extract_strided_slice %all_reduce_population_count3A_570 {offsets = [0], sizes = [1], strides = [1]} : vector<16xi32> to vector<1xi32>
      %squeeze3A_572 = vector.extract %slice3A_571[0] : i32 from vector<1xi32>
      %add3A_573 = arith.addi %add3A_561, %squeeze3A_572 : i32
      scf.yield %add3A_573 : i32
    }
    %while3A_124 = arith.constant 1 : i32
    %while3A_125 = scf.for %while3A_477 = %while3A_121 to %while3A_117 step %while3A_124 iter_args(%while3A_478 = %while3A_123) -> (i32)  : i32 {
      %get3A = arith.index_cast %while3A_477 : i32 to index
      %get3A_479 = memref.load %arg8[%get3A] : memref<257xi32, #tpu.memory_space<smem>>
      %mul3A_480 = arith.constant 128 : i32
      %mul3A_481 = arith.muli %get3A_479, %mul3A_480 : i32
      %add3A_482 = arith.constant 0 : i32
      %add3A_483 = arith.addi %mul3A_481, %add3A_482 : i32
      %get3A_484 = arith.index_cast %add3A_483 : i32 to index
      %get3A_485 = tpu.vector_load %arg4[%get3A_484] {strides = array<i32>} : memref<32768xf32, #tpu.memory_space<vmem>>, vector<16xf32>,
      %ge3A = vector.broadcast %sub3A_108 : f32 to vector<16xf32>
      %ge3A_486 = arith.cmpf oge, %get3A_485, %ge3A : vector<16xf32>
      %swap3A_487 = arith.index_cast %while3A_478 : i32 to index
      %swap3A_488 = tpu.vector_load %arg6[%swap3A_487] masked %ge3A_486 {strides = array<i32>} : memref<32784xf32, #tpu.memory_space<vmem>>, vector<16xf32>, vector<16xi1>
      tpu.vector_store %arg6[%swap3A_487], %get3A_485 masked %ge3A_486 {strides = array<i32>} : memref<32784xf32, #tpu.memory_space<vmem>>, vector<16xf32>, vector<16xi1>
      %all_reduce_population_count3A = tpu.all_reduce %ge3A_486 {dim = 0 : i64, kind = #tpu.reduction_kind<sum>} : vector<16xi1> -> vector<16xi32>
      %slice3A = vector.extract_strided_slice %all_reduce_population_count3A {offsets = [0], sizes = [1], strides = [1]} : vector<16xi32> to vector<1xi32>
      %squeeze3A = vector.extract %slice3A[0] : i32 from vector<1xi32>
      %add3A_489 = arith.addi %while3A_478, %squeeze3A : i32
      %add3A_490 = arith.constant 16 : i32
      %add3A_491 = arith.addi %mul3A_481, %add3A_490 : i32
      %get3A_492 = arith.index_cast %add3A_491 : i32 to index
      %get3A_493 = tpu.vector_load %arg4[%get3A_492] {strides = array<i32>} : memref<32768xf32, #tpu.memory_space<vmem>>, vector<16xf32>,
      %ge3A_494 = vector.broadcast %sub3A_108 : f32 to vector<16xf32>
      %ge3A_495 = arith.cmpf oge, %get3A_493, %ge3A_494 : vector<16xf32>
      %swap3A_496 = arith.index_cast %add3A_489 : i32 to index
      %swap3A_497 = tpu.vector_load %arg6[%swap3A_496] masked %ge3A_495 {strides = array<i32>} : memref<32784xf32, #tpu.memory_space<vmem>>, vector<16xf32>, vector<16xi1>
      tpu.vector_store %arg6[%swap3A_496], %get3A_493 masked %ge3A_495 {strides = array<i32>} : memref<32784xf32, #tpu.memory_space<vmem>>, vector<16xf32>, vector<16xi1>
      %all_reduce_population_count3A_498 = tpu.all_reduce %ge3A_495 {dim = 0 : i64, kind = #tpu.reduction_kind<sum>} : vector<16xi1> -> vector<16xi32>
      %slice3A_499 = vector.extract_strided_slice %all_reduce_population_count3A_498 {offsets = [0], sizes = [1], strides = [1]} : vector<16xi32> to vector<1xi32>
      %squeeze3A_500 = vector.extract %slice3A_499[0] : i32 from vector<1xi32>
      %add3A_501 = arith.addi %add3A_489, %squeeze3A_500 : i32
      %add3A_502 = arith.constant 32 : i32
      %add3A_503 = arith.addi %mul3A_481, %add3A_502 : i32
      %get3A_504 = arith.index_cast %add3A_503 : i32 to index
      %get3A_505 = tpu.vector_load %arg4[%get3A_504] {strides = array<i32>} : memref<32768xf32, #tpu.memory_space<vmem>>, vector<16xf32>,
      %ge3A_506 = vector.broadcast %sub3A_108 : f32 to vector<16xf32>
      %ge3A_507 = arith.cmpf oge, %get3A_505, %ge3A_506 : vector<16xf32>
      %swap3A_508 = arith.index_cast %add3A_501 : i32 to index
      %swap3A_509 = tpu.vector_load %arg6[%swap3A_508] masked %ge3A_507 {strides = array<i32>} : memref<32784xf32, #tpu.memory_space<vmem>>, vector<16xf32>, vector<16xi1>
      tpu.vector_store %arg6[%swap3A_508], %get3A_505 masked %ge3A_507 {strides = array<i32>} : memref<32784xf32, #tpu.memory_space<vmem>>, vector<16xf32>, vector<16xi1>
      %all_reduce_population_count3A_510 = tpu.all_reduce %ge3A_507 {dim = 0 : i64, kind = #tpu.reduction_kind<sum>} : vector<16xi1> -> vector<16xi32>
      %slice3A_511 = vector.extract_strided_slice %all_reduce_population_count3A_510 {offsets = [0], sizes = [1], strides = [1]} : vector<16xi32> to vector<1xi32>
      %squeeze3A_512 = vector.extract %slice3A_511[0] : i32 from vector<1xi32>
      %add3A_513 = arith.addi %add3A_501, %squeeze3A_512 : i32
      %add3A_514 = arith.constant 48 : i32
      %add3A_515 = arith.addi %mul3A_481, %add3A_514 : i32
      %get3A_516 = arith.index_cast %add3A_515 : i32 to index
      %get3A_517 = tpu.vector_load %arg4[%get3A_516] {strides = array<i32>} : memref<32768xf32, #tpu.memory_space<vmem>>, vector<16xf32>,
      %ge3A_518 = vector.broadcast %sub3A_108 : f32 to vector<16xf32>
      %ge3A_519 = arith.cmpf oge, %get3A_517, %ge3A_518 : vector<16xf32>
      %swap3A_520 = arith.index_cast %add3A_513 : i32 to index
      %swap3A_521 = tpu.vector_load %arg6[%swap3A_520] masked %ge3A_519 {strides = array<i32>} : memref<32784xf32, #tpu.memory_space<vmem>>, vector<16xf32>, vector<16xi1>
      tpu.vector_store %arg6[%swap3A_520], %get3A_517 masked %ge3A_519 {strides = array<i32>} : memref<32784xf32, #tpu.memory_space<vmem>>, vector<16xf32>, vector<16xi1>
      %all_reduce_population_count3A_522 = tpu.all_reduce %ge3A_519 {dim = 0 : i64, kind = #tpu.reduction_kind<sum>} : vector<16xi1> -> vector<16xi32>
      %slice3A_523 = vector.extract_strided_slice %all_reduce_population_count3A_522 {offsets = [0], sizes = [1], strides = [1]} : vector<16xi32> to vector<1xi32>
      %squeeze3A_524 = vector.extract %slice3A_523[0] : i32 from vector<1xi32>
      %add3A_525 = arith.addi %add3A_513, %squeeze3A_524 : i32
      %add3A_526 = arith.constant 64 : i32
      %add3A_527 = arith.addi %mul3A_481, %add3A_526 : i32
      %get3A_528 = arith.index_cast %add3A_527 : i32 to index
      %get3A_529 = tpu.vector_load %arg4[%get3A_528] {strides = array<i32>} : memref<32768xf32, #tpu.memory_space<vmem>>, vector<16xf32>,
      %ge3A_530 = vector.broadcast %sub3A_108 : f32 to vector<16xf32>
      %ge3A_531 = arith.cmpf oge, %get3A_529, %ge3A_530 : vector<16xf32>
      %swap3A_532 = arith.index_cast %add3A_525 : i32 to index
      %swap3A_533 = tpu.vector_load %arg6[%swap3A_532] masked %ge3A_531 {strides = array<i32>} : memref<32784xf32, #tpu.memory_space<vmem>>, vector<16xf32>, vector<16xi1>
      tpu.vector_store %arg6[%swap3A_532], %get3A_529 masked %ge3A_531 {strides = array<i32>} : memref<32784xf32, #tpu.memory_space<vmem>>, vector<16xf32>, vector<16xi1>
      %all_reduce_population_count3A_534 = tpu.all_reduce %ge3A_531 {dim = 0 : i64, kind = #tpu.reduction_kind<sum>} : vector<16xi1> -> vector<16xi32>
      %slice3A_535 = vector.extract_strided_slice %all_reduce_population_count3A_534 {offsets = [0], sizes = [1], strides = [1]} : vector<16xi32> to vector<1xi32>
      %squeeze3A_536 = vector.extract %slice3A_535[0] : i32 from vector<1xi32>
      %add3A_537 = arith.addi %add3A_525, %squeeze3A_536 : i32
      %add3A_538 = arith.constant 80 : i32
      %add3A_539 = arith.addi %mul3A_481, %add3A_538 : i32
      %get3A_540 = arith.index_cast %add3A_539 : i32 to index
      %get3A_541 = tpu.vector_load %arg4[%get3A_540] {strides = array<i32>} : memref<32768xf32, #tpu.memory_space<vmem>>, vector<16xf32>,
      %ge3A_542 = vector.broadcast %sub3A_108 : f32 to vector<16xf32>
      %ge3A_543 = arith.cmpf oge, %get3A_541, %ge3A_542 : vector<16xf32>
      %swap3A_544 = arith.index_cast %add3A_537 : i32 to index
      %swap3A_545 = tpu.vector_load %arg6[%swap3A_544] masked %ge3A_543 {strides = array<i32>} : memref<32784xf32, #tpu.memory_space<vmem>>, vector<16xf32>, vector<16xi1>
      tpu.vector_store %arg6[%swap3A_544], %get3A_541 masked %ge3A_543 {strides = array<i32>} : memref<32784xf32, #tpu.memory_space<vmem>>, vector<16xf32>, vector<16xi1>
      %all_reduce_population_count3A_546 = tpu.all_reduce %ge3A_543 {dim = 0 : i64, kind = #tpu.reduction_kind<sum>} : vector<16xi1> -> vector<16xi32>
      %slice3A_547 = vector.extract_strided_slice %all_reduce_population_count3A_546 {offsets = [0], sizes = [1], strides = [1]} : vector<16xi32> to vector<1xi32>
      %squeeze3A_548 = vector.extract %slice3A_547[0] : i32 from vector<1xi32>
      %add3A_549 = arith.addi %add3A_537, %squeeze3A_548 : i32
      %add3A_550 = arith.constant 96 : i32
      %add3A_551 = arith.addi %mul3A_481, %add3A_550 : i32
      %get3A_552 = arith.index_cast %add3A_551 : i32 to index
      %get3A_553 = tpu.vector_load %arg4[%get3A_552] {strides = array<i32>} : memref<32768xf32, #tpu.memory_space<vmem>>, vector<16xf32>,
      %ge3A_554 = vector.broadcast %sub3A_108 : f32 to vector<16xf32>
      %ge3A_555 = arith.cmpf oge, %get3A_553, %ge3A_554 : vector<16xf32>
      %swap3A_556 = arith.index_cast %add3A_549 : i32 to index
      %swap3A_557 = tpu.vector_load %arg6[%swap3A_556] masked %ge3A_555 {strides = array<i32>} : memref<32784xf32, #tpu.memory_space<vmem>>, vector<16xf32>, vector<16xi1>
      tpu.vector_store %arg6[%swap3A_556], %get3A_553 masked %ge3A_555 {strides = array<i32>} : memref<32784xf32, #tpu.memory_space<vmem>>, vector<16xf32>, vector<16xi1>
      %all_reduce_population_count3A_558 = tpu.all_reduce %ge3A_555 {dim = 0 : i64, kind = #tpu.reduction_kind<sum>} : vector<16xi1> -> vector<16xi32>
      %slice3A_559 = vector.extract_strided_slice %all_reduce_population_count3A_558 {offsets = [0], sizes = [1], strides = [1]} : vector<16xi32> to vector<1xi32>
      %squeeze3A_560 = vector.extract %slice3A_559[0] : i32 from vector<1xi32>
      %add3A_561 = arith.addi %add3A_549, %squeeze3A_560 : i32
      %add3A_562 = arith.constant 112 : i32
      %add3A_563 = arith.addi %mul3A_481, %add3A_562 : i32
      %get3A_564 = arith.index_cast %add3A_563 : i32 to index
      %get3A_565 = tpu.vector_load %arg4[%get3A_564] {strides = array<i32>} : memref<32768xf32, #tpu.memory_space<vmem>>, vector<16xf32>,
      %ge3A_566 = vector.broadcast %sub3A_108 : f32 to vector<16xf32>
      %ge3A_567 = arith.cmpf oge, %get3A_565, %ge3A_566 : vector<16xf32>
      %swap3A_568 = arith.index_cast %add3A_561 : i32 to index
      %swap3A_569 = tpu.vector_load %arg6[%swap3A_568] masked %ge3A_567 {strides = array<i32>} : memref<32784xf32, #tpu.memory_space<vmem>>, vector<16xf32>, vector<16xi1>
      tpu.vector_store %arg6[%swap3A_568], %get3A_565 masked %ge3A_567 {strides = array<i32>} : memref<32784xf32, #tpu.memory_space<vmem>>, vector<16xf32>, vector<16xi1>
      %all_reduce_population_count3A_570 = tpu.all_reduce %ge3A_567 {dim = 0 : i64, kind = #tpu.reduction_kind<sum>} : vector<16xi1> -> vector<16xi32>
      %slice3A_571 = vector.extract_strided_slice %all_reduce_population_count3A_570 {offsets = [0], sizes = [1], strides = [1]} : vector<16xi32> to vector<1xi32>
      %squeeze3A_572 = vector.extract %slice3A_571[0] : i32 from vector<1xi32>
      %add3A_573 = arith.addi %add3A_561, %squeeze3A_572 : i32
      scf.yield %add3A_573 : i32
    }
    %broadcast_in_dim3A_126 = arith.constant 0xFF800000 : f32
    "tpu.trace_stop"() : () -> ()
    %broadcast_in_dim3A_127 = vector.broadcast %broadcast_in_dim3A_126 : f32 to vector<16xf32>
    %swap3A = arith.index_cast %while3A_125 : i32 to index
    %swap3A_128 = tpu.vector_load %arg6[%swap3A] {strides = array<i32>} : memref<32784xf32, #tpu.memory_space<vmem>>, vector<16xf32>,
    tpu.vector_store %arg6[%swap3A], %broadcast_in_dim3A_127 {strides = array<i32>} : memref<32784xf32, #tpu.memory_space<vmem>>, vector<16xf32>,
    %add3A_129 = arith.constant 15 : i32
    %add3A_130 = arith.addi %while3A_125, %add3A_129 : i32
    %jit3A = arith.constant 16 : i32
    %div3A = arith.divsi %add3A_130, %jit3A : i32
    %sign3A = arith.constant 0 : i32
    %sign3A_131 = arith.cmpi sgt, %add3A_130, %sign3A : i32
    %sign3A_132 = arith.extui %sign3A_131 : i1 to i32
    %sign3A_133 = arith.constant 0 : i32
    %sign3A_134 = arith.cmpi slt, %add3A_130, %sign3A_133 : i32
    %sign3A_135 = arith.extui %sign3A_134 : i1 to i32
    %sign3A_136 = arith.subi %sign3A_132, %sign3A_135 : i32
    %sign3A_137 = arith.constant 0 : i32
    %sign3A_138 = arith.cmpi sgt, %jit3A, %sign3A_137 : i32
    %sign3A_139 = arith.extui %sign3A_138 : i1 to i32
    %sign3A_140 = arith.constant 0 : i32
    %sign3A_141 = arith.cmpi slt, %jit3A, %sign3A_140 : i32
    %sign3A_142 = arith.extui %sign3A_141 : i1 to i32
    %sign3A_143 = arith.subi %sign3A_139, %sign3A_142 : i32
    %ne3A = arith.cmpi ne, %sign3A_136, %sign3A_143 : i32
    %rem3A = arith.remsi %add3A_130, %jit3A : i32
    %ne3A_144 = arith.constant 0 : i32
    %ne3A_145 = arith.cmpi ne, %rem3A, %ne3A_144 : i32
    %and3A = arith.andi %ne3A, %ne3A_145 : i1
    %sub3A_146 = arith.constant 1 : i32
    %sub3A_147 = arith.subi %div3A, %sub3A_146 : i32
    %select_n3A = arith.select %and3A, %sub3A_147, %div3A : i32
    "tpu.trace_start"() <{level = 10 : i32, message = "p3_bisect"}> : () -> ()
    %scan3A_148 = arith.constant 0 : i32
    %scan3A_149 = arith.constant 30 : i32
    %scan3A_150 = arith.addi %scan3A_148, %scan3A_149 : i32
    %scan3A_151 = arith.constant 1 : i32
    %scan3A_152:2 = scf.for %scan3A_477 = %scan3A_148 to %scan3A_150 step %scan3A_151 iter_args(%scan3A_478 = %sub3A_108, %scan3A_479 = %reduce_max3A_107) -> (f32, f32)  : i32 {
      %add3A_480 = arith.addf %scan3A_478, %scan3A_479 : f32
      %mul3A_481 = arith.constant 5.000000e-01 : f32
      %mul3A_482 = arith.mulf %mul3A_481, %add3A_480 : f32
      %broadcast_in_dim3A_483 = arith.constant 0.000000e+00 : f32
      %broadcast_in_dim3A_484 = vector.broadcast %broadcast_in_dim3A_483 : f32 to vector<16xf32>
      %while3A_485 = arith.constant 0 : i32
      %while3A_486 = arith.subi %select_n3A, %while3A_485 : i32
      %while3A_487 = arith.addi %while3A_485, %while3A_486 : i32
      %while3A_488 = arith.constant 1 : i32
      %while3A_489 = arith.divsi %while3A_486, %while3A_488 : i32
      %while3A_490 = arith.muli %while3A_489, %while3A_488 : i32
      %while3A_491 = arith.addi %while3A_485, %while3A_490 : i32
      %while3A_492 = arith.constant 1 : i32
      %while3A_493 = scf.for %while3A_503 = %while3A_485 to %while3A_491 step %while3A_492 iter_args(%while3A_504 = %broadcast_in_dim3A_484) -> (vector<16xf32>)  : i32 {
        %mul3A_505 = arith.constant 16 : i32
        %mul3A_506 = arith.muli %while3A_503, %mul3A_505 : i32
        %get3A = arith.index_cast %mul3A_506 : i32 to index
        %get3A_507 = tpu.vector_load %arg6[%get3A] {strides = array<i32>} : memref<32784xf32, #tpu.memory_space<vmem>>, vector<16xf32>,
        %sub3A_508 = vector.broadcast %mul3A_482 : f32 to vector<16xf32>
        %sub3A_509 = arith.subf %get3A_507, %sub3A_508 : vector<16xf32>
        %max3A_510 = arith.constant 0.000000e+00 : f32
        %max3A_511 = vector.broadcast %max3A_510 : f32 to vector<16xf32>
        %max3A_512 = arith.maximumf %sub3A_509, %max3A_511 : vector<16xf32>
        %add3A_513 = arith.addf %while3A_504, %max3A_512 : vector<16xf32>
        scf.yield %add3A_513 : vector<16xf32>
      }
      %while3A_494 = arith.constant 1 : i32
      %while3A_495 = scf.for %while3A_503 = %while3A_491 to %while3A_487 step %while3A_494 iter_args(%while3A_504 = %while3A_493) -> (vector<16xf32>)  : i32 {
        %mul3A_505 = arith.constant 16 : i32
        %mul3A_506 = arith.muli %while3A_503, %mul3A_505 : i32
        %get3A = arith.index_cast %mul3A_506 : i32 to index
        %get3A_507 = tpu.vector_load %arg6[%get3A] {strides = array<i32>} : memref<32784xf32, #tpu.memory_space<vmem>>, vector<16xf32>,
        %sub3A_508 = vector.broadcast %mul3A_482 : f32 to vector<16xf32>
        %sub3A_509 = arith.subf %get3A_507, %sub3A_508 : vector<16xf32>
        %max3A_510 = arith.constant 0.000000e+00 : f32
        %max3A_511 = vector.broadcast %max3A_510 : f32 to vector<16xf32>
        %max3A_512 = arith.maximumf %sub3A_509, %max3A_511 : vector<16xf32>
        %add3A_513 = arith.addf %while3A_504, %max3A_512 : vector<16xf32>
        scf.yield %add3A_513 : vector<16xf32>
      }
      %reduce_sum3A_496 = arith.constant true
      %reduce_sum3A_497 = vector.broadcast %reduce_sum3A_496 : i1 to vector<16xi1>
      %reduce_sum3A_498 = tpu.scan <sum>, %while3A_495 masked %reduce_sum3A_497 : vector<16xf32>, vector<16xi1> -> vector<16xf32>
      %reduce_sum3A_499 = vector.extract %reduce_sum3A_498[15] : f32 from vector<16xf32>
      %ge3A = arith.constant 1.000000e+00 : f32
      %ge3A_500 = arith.cmpf oge, %reduce_sum3A_499, %ge3A : f32
      %select_n3A_501 = arith.select %ge3A_500, %mul3A_482, %scan3A_478 : f32
      %select_n3A_502 = arith.select %ge3A_500, %scan3A_479, %mul3A_482 : f32
      scf.yield %select_n3A_501, %select_n3A_502 : f32, f32
    }
    %scan3A_153 = arith.constant 30 : i32
    %broadcast_in_dim3A_154 = arith.constant 0.000000e+00 : f32
    "tpu.trace_stop"() : () -> ()
    %broadcast_in_dim3A_155 = vector.broadcast %broadcast_in_dim3A_154 : f32 to vector<16xf32>
    %broadcast_in_dim3A_156 = arith.constant 0.000000e+00 : f32
    %broadcast_in_dim3A_157 = vector.broadcast %broadcast_in_dim3A_156 : f32 to vector<16xf32>
    %while3A_158 = arith.constant 0 : i32
    %while3A_159 = arith.subi %select_n3A, %while3A_158 : i32
    %while3A_160 = arith.addi %while3A_158, %while3A_159 : i32
    %while3A_161 = arith.constant 1 : i32
    %while3A_162 = arith.divsi %while3A_159, %while3A_161 : i32
    %while3A_163 = arith.muli %while3A_162, %while3A_161 : i32
    %while3A_164 = arith.addi %while3A_158, %while3A_163 : i32
    %while3A_165 = arith.constant 1 : i32
    %while3A_166:2 = scf.for %while3A_477 = %while3A_158 to %while3A_164 step %while3A_165 iter_args(%while3A_478 = %broadcast_in_dim3A_155, %while3A_479 = %broadcast_in_dim3A_157) -> (vector<16xf32>, vector<16xf32>)  : i32 {
      %mul3A_480 = arith.constant 16 : i32
      %mul3A_481 = arith.muli %while3A_477, %mul3A_480 : i32
      %get3A = arith.index_cast %mul3A_481 : i32 to index
      %get3A_482 = tpu.vector_load %arg6[%get3A] {strides = array<i32>} : memref<32784xf32, #tpu.memory_space<vmem>>, vector<16xf32>,
      %gt3A = vector.broadcast %scan3A_152#0 : f32 to vector<16xf32>
      %gt3A_483 = arith.cmpf ogt, %get3A_482, %gt3A : vector<16xf32>
      %jit3A_484 = arith.constant 0.000000e+00 : f32
      %broadcast_in_dim3A_485 = vector.broadcast %jit3A_484 : f32 to vector<16xf32>
      %select_n3A_486 = arith.select %gt3A_483, %get3A_482, %broadcast_in_dim3A_485 : vector<16xi1>, vector<16xf32>
      %add3A_487 = arith.addf %while3A_478, %select_n3A_486 : vector<16xf32>
      %jit3A_488 = arith.constant 1.000000e+00 : f32
      %jit3A_489 = arith.constant 0.000000e+00 : f32
      %broadcast_in_dim3A_490 = vector.broadcast %jit3A_488 : f32 to vector<16xf32>
      %broadcast_in_dim3A_491 = vector.broadcast %jit3A_489 : f32 to vector<16xf32>
      %select_n3A_492 = arith.select %gt3A_483, %broadcast_in_dim3A_490, %broadcast_in_dim3A_491 : vector<16xi1>, vector<16xf32>
      %add3A_493 = arith.addf %while3A_479, %select_n3A_492 : vector<16xf32>
      scf.yield %add3A_487, %add3A_493 : vector<16xf32>, vector<16xf32>
    }
    %while3A_167 = arith.constant 1 : i32
    %while3A_168:2 = scf.for %while3A_477 = %while3A_164 to %while3A_160 step %while3A_167 iter_args(%while3A_478 = %while3A_166#0, %while3A_479 = %while3A_166#1) -> (vector<16xf32>, vector<16xf32>)  : i32 {
      %mul3A_480 = arith.constant 16 : i32
      %mul3A_481 = arith.muli %while3A_477, %mul3A_480 : i32
      %get3A = arith.index_cast %mul3A_481 : i32 to index
      %get3A_482 = tpu.vector_load %arg6[%get3A] {strides = array<i32>} : memref<32784xf32, #tpu.memory_space<vmem>>, vector<16xf32>,
      %gt3A = vector.broadcast %scan3A_152#0 : f32 to vector<16xf32>
      %gt3A_483 = arith.cmpf ogt, %get3A_482, %gt3A : vector<16xf32>
      %jit3A_484 = arith.constant 0.000000e+00 : f32
      %broadcast_in_dim3A_485 = vector.broadcast %jit3A_484 : f32 to vector<16xf32>
      %select_n3A_486 = arith.select %gt3A_483, %get3A_482, %broadcast_in_dim3A_485 : vector<16xi1>, vector<16xf32>
      %add3A_487 = arith.addf %while3A_478, %select_n3A_486 : vector<16xf32>
      %jit3A_488 = arith.constant 1.000000e+00 : f32
      %jit3A_489 = arith.constant 0.000000e+00 : f32
      %broadcast_in_dim3A_490 = vector.broadcast %jit3A_488 : f32 to vector<16xf32>
      %broadcast_in_dim3A_491 = vector.broadcast %jit3A_489 : f32 to vector<16xf32>
      %select_n3A_492 = arith.select %gt3A_483, %broadcast_in_dim3A_490, %broadcast_in_dim3A_491 : vector<16xi1>, vector<16xf32>
      %add3A_493 = arith.addf %while3A_479, %select_n3A_492 : vector<16xf32>
      scf.yield %add3A_487, %add3A_493 : vector<16xf32>, vector<16xf32>
    }
    %reduce_sum3A = arith.constant true
    %reduce_sum3A_169 = vector.broadcast %reduce_sum3A : i1 to vector<16xi1>
    %reduce_sum3A_170 = tpu.scan <sum>, %while3A_168#0 masked %reduce_sum3A_169 : vector<16xf32>, vector<16xi1> -> vector<16xf32>
    %reduce_sum3A_171 = vector.extract %reduce_sum3A_170[15] : f32 from vector<16xf32>
    %sub3A_172 = arith.constant 1.000000e+00 : f32
    %sub3A_173 = arith.subf %reduce_sum3A_171, %sub3A_172 : f32
    %broadcast_in_dim3A_174 = vector.broadcast %sub3A_173 : f32 to vector<16xf32>
    %reduce_sum3A_175 = arith.constant true
    %reduce_sum3A_176 = vector.broadcast %reduce_sum3A_175 : i1 to vector<16xi1>
    %reduce_sum3A_177 = tpu.scan <sum>, %while3A_168#1 masked %reduce_sum3A_176 : vector<16xf32>, vector<16xi1> -> vector<16xf32>
    %reduce_sum3A_178 = vector.extract %reduce_sum3A_177[15] : f32 from vector<16xf32>
    %max3A = arith.constant 1.000000e+00 : f32
    %max3A_179 = arith.maximumf %reduce_sum3A_178, %max3A : f32
    %broadcast_in_dim3A_180 = vector.broadcast %max3A_179 : f32 to vector<16xf32>
    %div3A_181 = arith.divf %broadcast_in_dim3A_174, %broadcast_in_dim3A_180 : vector<16xf32>
    %reduce_max3A_182 = arith.constant true
    %reduce_max3A_183 = vector.broadcast %reduce_max3A_182 : i1 to vector<16xi1>
    %reduce_max3A_184 = tpu.scan <max>, %div3A_181 masked %reduce_max3A_183 : vector<16xf32>, vector<16xi1> -> vector<16xf32>
    %reduce_max3A_185 = vector.extract %reduce_max3A_184[15] : f32 from vector<16xf32>
    %parallel_loop3A_186 = arith.constant 0 : i32
    %parallel_loop3A_187 = arith.constant 8192 : i32
    %parallel_loop3A_188 = arith.constant 16 : i32
    "tpu.trace_start"() <{level = 10 : i32, message = "p5_out"}> : () -> ()
    scf.for %parallel_loop3A_477 = %parallel_loop3A_186 to %parallel_loop3A_187 step %parallel_loop3A_188  : i32 {
      %parallel_loop3A_478 = arith.index_cast %parallel_loop3A_477 : i32 to index
      %parallel_loop3A_479 = tpu.vector_load %arg4[%parallel_loop3A_478] {strides = array<i32>} : memref<32768xf32, #tpu.memory_space<vmem>>, vector<16xf32>,
      %parallel_loop3A_480 = vector.broadcast %reduce_max3A_185 : f32 to vector<16xf32>
      %parallel_loop3A_481 = arith.subf %parallel_loop3A_479, %parallel_loop3A_480 : vector<16xf32>
      %parallel_loop3A_482 = arith.constant 0.000000e+00 : f32
      %parallel_loop3A_483 = vector.broadcast %parallel_loop3A_482 : f32 to vector<16xf32>
      %parallel_loop3A_484 = arith.maximumf %parallel_loop3A_481, %parallel_loop3A_483 : vector<16xf32>
      %parallel_loop3A_485 = arith.index_cast %parallel_loop3A_477 : i32 to index
      %parallel_loop3A_486 = tpu.vector_load %arg4[%parallel_loop3A_485] {strides = array<i32>} : memref<32768xf32, #tpu.memory_space<vmem>>, vector<16xf32>,
      tpu.vector_store %arg4[%parallel_loop3A_485], %parallel_loop3A_484 {strides = array<i32>} : memref<32768xf32, #tpu.memory_space<vmem>>, vector<16xf32>,
    } {sc.loop_unroll_factor = 8 : i64, sc.parallel_access}
    %dma_start3A_189 = arith.constant 0 : i32
    %dma_start3A_190 = tpu.memref_slice %arg4[%dma_start3A_189] : memref<32768xf32, #tpu.memory_space<vmem>> -> memref<8192xf32, #tpu.memory_space<vmem>>
    %dma_start3A_191 = arith.constant 0 : i32
    %dma_start3A_192 = tpu.memref_slice %arg3[%mul3A_2, %dma_start3A_191] : memref<64x32768xf32, #tpu.memory_space<hbm>> -> memref<1x8192xf32, #tpu.memory_space<hbm>>
    %dma_start3A_193 = tpu.memref_squeeze %dma_start3A_192 : memref<1x8192xf32, #tpu.memory_space<hbm>> -> memref<8192xf32, #tpu.memory_space<hbm>>
    %dma_start3A_194 = arith.constant 0 : i32
    %dma_start3A_195 = tpu.memref_slice %arg3[%mul3A_2, %dma_start3A_194] : memref<64x32768xf32, #tpu.memory_space<hbm>> -> memref<1x8192xf32, #tpu.memory_space<hbm>>
    %dma_start3A_196 = tpu.memref_squeeze %dma_start3A_195 : memref<1x8192xf32, #tpu.memory_space<hbm>> -> memref<8192xf32, #tpu.memory_space<hbm>>
    %dma_start3A_197 = arith.constant 0 : i32
    %dma_start3A_198 = tpu.memref_slice %arg4[%dma_start3A_197] : memref<32768xf32, #tpu.memory_space<vmem>> -> memref<8192xf32, #tpu.memory_space<vmem>>
    tpu.enqueue_dma source(%dma_start3A_198 : memref<8192xf32, #tpu.memory_space<vmem>>) target(%dma_start3A_196 : memref<8192xf32, #tpu.memory_space<hbm>>) target_semaphore(%arg11 : memref<!tpu.dma_semaphore, #tpu.memory_space<semaphore_mem>>)
    %parallel_loop3A_199 = arith.constant 8192 : i32
    %parallel_loop3A_200 = arith.constant 16384 : i32
    %parallel_loop3A_201 = arith.constant 16 : i32
    scf.for %parallel_loop3A_477 = %parallel_loop3A_199 to %parallel_loop3A_200 step %parallel_loop3A_201  : i32 {
      %parallel_loop3A_478 = arith.index_cast %parallel_loop3A_477 : i32 to index
      %parallel_loop3A_479 = tpu.vector_load %arg4[%parallel_loop3A_478] {strides = array<i32>} : memref<32768xf32, #tpu.memory_space<vmem>>, vector<16xf32>,
      %parallel_loop3A_480 = vector.broadcast %reduce_max3A_185 : f32 to vector<16xf32>
      %parallel_loop3A_481 = arith.subf %parallel_loop3A_479, %parallel_loop3A_480 : vector<16xf32>
      %parallel_loop3A_482 = arith.constant 0.000000e+00 : f32
      %parallel_loop3A_483 = vector.broadcast %parallel_loop3A_482 : f32 to vector<16xf32>
      %parallel_loop3A_484 = arith.maximumf %parallel_loop3A_481, %parallel_loop3A_483 : vector<16xf32>
      %parallel_loop3A_485 = arith.index_cast %parallel_loop3A_477 : i32 to index
      %parallel_loop3A_486 = tpu.vector_load %arg4[%parallel_loop3A_485] {strides = array<i32>} : memref<32768xf32, #tpu.memory_space<vmem>>, vector<16xf32>,
      tpu.vector_store %arg4[%parallel_loop3A_485], %parallel_loop3A_484 {strides = array<i32>} : memref<32768xf32, #tpu.memory_space<vmem>>, vector<16xf32>,
    } {sc.loop_unroll_factor = 8 : i64, sc.parallel_access}
    %dma_start3A_202 = arith.constant 8192 : i32
    %dma_start3A_203 = tpu.memref_slice %arg4[%dma_start3A_202] : memref<32768xf32, #tpu.memory_space<vmem>> -> memref<8192xf32, #tpu.memory_space<vmem>>
    %dma_start3A_204 = arith.constant 8192 : i32
    %dma_start3A_205 = tpu.memref_slice %arg3[%mul3A_2, %dma_start3A_204] : memref<64x32768xf32, #tpu.memory_space<hbm>> -> memref<1x8192xf32, #tpu.memory_space<hbm>>
    %dma_start3A_206 = tpu.memref_squeeze %dma_start3A_205 : memref<1x8192xf32, #tpu.memory_space<hbm>> -> memref<8192xf32, #tpu.memory_space<hbm>>
    %dma_start3A_207 = arith.constant 8192 : i32
    %dma_start3A_208 = tpu.memref_slice %arg3[%mul3A_2, %dma_start3A_207] : memref<64x32768xf32, #tpu.memory_space<hbm>> -> memref<1x8192xf32, #tpu.memory_space<hbm>>
    %dma_start3A_209 = tpu.memref_squeeze %dma_start3A_208 : memref<1x8192xf32, #tpu.memory_space<hbm>> -> memref<8192xf32, #tpu.memory_space<hbm>>
    %dma_start3A_210 = arith.constant 8192 : i32
    %dma_start3A_211 = tpu.memref_slice %arg4[%dma_start3A_210] : memref<32768xf32, #tpu.memory_space<vmem>> -> memref<8192xf32, #tpu.memory_space<vmem>>
    tpu.enqueue_dma source(%dma_start3A_211 : memref<8192xf32, #tpu.memory_space<vmem>>) target(%dma_start3A_209 : memref<8192xf32, #tpu.memory_space<hbm>>) target_semaphore(%arg11 : memref<!tpu.dma_semaphore, #tpu.memory_space<semaphore_mem>>)
    %parallel_loop3A_212 = arith.constant 16384 : i32
    %parallel_loop3A_213 = arith.constant 24576 : i32
    %parallel_loop3A_214 = arith.constant 16 : i32
    scf.for %parallel_loop3A_477 = %parallel_loop3A_212 to %parallel_loop3A_213 step %parallel_loop3A_214  : i32 {
      %parallel_loop3A_478 = arith.index_cast %parallel_loop3A_477 : i32 to index
      %parallel_loop3A_479 = tpu.vector_load %arg4[%parallel_loop3A_478] {strides = array<i32>} : memref<32768xf32, #tpu.memory_space<vmem>>, vector<16xf32>,
      %parallel_loop3A_480 = vector.broadcast %reduce_max3A_185 : f32 to vector<16xf32>
      %parallel_loop3A_481 = arith.subf %parallel_loop3A_479, %parallel_loop3A_480 : vector<16xf32>
      %parallel_loop3A_482 = arith.constant 0.000000e+00 : f32
      %parallel_loop3A_483 = vector.broadcast %parallel_loop3A_482 : f32 to vector<16xf32>
      %parallel_loop3A_484 = arith.maximumf %parallel_loop3A_481, %parallel_loop3A_483 : vector<16xf32>
      %parallel_loop3A_485 = arith.index_cast %parallel_loop3A_477 : i32 to index
      %parallel_loop3A_486 = tpu.vector_load %arg4[%parallel_loop3A_485] {strides = array<i32>} : memref<32768xf32, #tpu.memory_space<vmem>>, vector<16xf32>,
      tpu.vector_store %arg4[%parallel_loop3A_485], %parallel_loop3A_484 {strides = array<i32>} : memref<32768xf32, #tpu.memory_space<vmem>>, vector<16xf32>,
    } {sc.loop_unroll_factor = 8 : i64, sc.parallel_access}
    %dma_start3A_215 = arith.constant 16384 : i32
    %dma_start3A_216 = tpu.memref_slice %arg4[%dma_start3A_215] : memref<32768xf32, #tpu.memory_space<vmem>> -> memref<8192xf32, #tpu.memory_space<vmem>>
    %dma_start3A_217 = arith.constant 16384 : i32
    %dma_start3A_218 = tpu.memref_slice %arg3[%mul3A_2, %dma_start3A_217] : memref<64x32768xf32, #tpu.memory_space<hbm>> -> memref<1x8192xf32, #tpu.memory_space<hbm>>
    %dma_start3A_219 = tpu.memref_squeeze %dma_start3A_218 : memref<1x8192xf32, #tpu.memory_space<hbm>> -> memref<8192xf32, #tpu.memory_space<hbm>>
    %dma_start3A_220 = arith.constant 16384 : i32
    %dma_start3A_221 = tpu.memref_slice %arg3[%mul3A_2, %dma_start3A_220] : memref<64x32768xf32, #tpu.memory_space<hbm>> -> memref<1x8192xf32, #tpu.memory_space<hbm>>
    %dma_start3A_222 = tpu.memref_squeeze %dma_start3A_221 : memref<1x8192xf32, #tpu.memory_space<hbm>> -> memref<8192xf32, #tpu.memory_space<hbm>>
    %dma_start3A_223 = arith.constant 16384 : i32
    %dma_start3A_224 = tpu.memref_slice %arg4[%dma_start3A_223] : memref<32768xf32, #tpu.memory_space<vmem>> -> memref<8192xf32, #tpu.memory_space<vmem>>
    tpu.enqueue_dma source(%dma_start3A_224 : memref<8192xf32, #tpu.memory_space<vmem>>) target(%dma_start3A_222 : memref<8192xf32, #tpu.memory_space<hbm>>) target_semaphore(%arg11 : memref<!tpu.dma_semaphore, #tpu.memory_space<semaphore_mem>>)
    %parallel_loop3A_225 = arith.constant 24576 : i32
    %parallel_loop3A_226 = arith.constant 32768 : i32
    %parallel_loop3A_227 = arith.constant 16 : i32
    scf.for %parallel_loop3A_477 = %parallel_loop3A_225 to %parallel_loop3A_226 step %parallel_loop3A_227  : i32 {
      %parallel_loop3A_478 = arith.index_cast %parallel_loop3A_477 : i32 to index
      %parallel_loop3A_479 = tpu.vector_load %arg4[%parallel_loop3A_478] {strides = array<i32>} : memref<32768xf32, #tpu.memory_space<vmem>>, vector<16xf32>,
      %parallel_loop3A_480 = vector.broadcast %reduce_max3A_185 : f32 to vector<16xf32>
      %parallel_loop3A_481 = arith.subf %parallel_loop3A_479, %parallel_loop3A_480 : vector<16xf32>
      %parallel_loop3A_482 = arith.constant 0.000000e+00 : f32
      %parallel_loop3A_483 = vector.broadcast %parallel_loop3A_482 : f32 to vector<16xf32>
      %parallel_loop3A_484 = arith.maximumf %parallel_loop3A_481, %parallel_loop3A_483 : vector<16xf32>
      %parallel_loop3A_485 = arith.index_cast %parallel_loop3A_477 : i32 to index
      %parallel_loop3A_486 = tpu.vector_load %arg4[%parallel_loop3A_485] {strides = array<i32>} : memref<32768xf32, #tpu.memory_space<vmem>>, vector<16xf32>,
      tpu.vector_store %arg4[%parallel_loop3A_485], %parallel_loop3A_484 {strides = array<i32>} : memref<32768xf32, #tpu.memory_space<vmem>>, vector<16xf32>,
    } {sc.loop_unroll_factor = 8 : i64, sc.parallel_access}
    %dma_start3A_228 = arith.constant 24576 : i32
    %dma_start3A_229 = tpu.memref_slice %arg4[%dma_start3A_228] : memref<32768xf32, #tpu.memory_space<vmem>> -> memref<8192xf32, #tpu.memory_space<vmem>>
    %dma_start3A_230 = arith.constant 24576 : i32
    %dma_start3A_231 = tpu.memref_slice %arg3[%mul3A_2, %dma_start3A_230] : memref<64x32768xf32, #tpu.memory_space<hbm>> -> memref<1x8192xf32, #tpu.memory_space<hbm>>
    %dma_start3A_232 = tpu.memref_squeeze %dma_start3A_231 : memref<1x8192xf32, #tpu.memory_space<hbm>> -> memref<8192xf32, #tpu.memory_space<hbm>>
    %dma_start3A_233 = arith.constant 24576 : i32
    %dma_start3A_234 = tpu.memref_slice %arg3[%mul3A_2, %dma_start3A_233] : memref<64x32768xf32, #tpu.memory_space<hbm>> -> memref<1x8192xf32, #tpu.memory_space<hbm>>
    %dma_start3A_235 = tpu.memref_squeeze %dma_start3A_234 : memref<1x8192xf32, #tpu.memory_space<hbm>> -> memref<8192xf32, #tpu.memory_space<hbm>>
    %dma_start3A_236 = arith.constant 24576 : i32
    %dma_start3A_237 = tpu.memref_slice %arg4[%dma_start3A_236] : memref<32768xf32, #tpu.memory_space<vmem>> -> memref<8192xf32, #tpu.memory_space<vmem>>
    tpu.enqueue_dma source(%dma_start3A_237 : memref<8192xf32, #tpu.memory_space<vmem>>) target(%dma_start3A_235 : memref<8192xf32, #tpu.memory_space<hbm>>) target_semaphore(%arg11 : memref<!tpu.dma_semaphore, #tpu.memory_space<semaphore_mem>>)
    "tpu.trace_stop"() : () -> ()
    %dma_wait3A_238 = arith.constant 0 : i32
    %dma_wait3A_239 = tpu.memref_slice %arg2[%add3A_4, %dma_wait3A_238] : memref<64x32768xf32, #tpu.memory_space<hbm>> -> memref<1x32768xf32, #tpu.memory_space<hbm>>
    %dma_wait3A_240 = tpu.memref_squeeze %dma_wait3A_239 : memref<1x32768xf32, #tpu.memory_space<hbm>> -> memref<32768xf32, #tpu.memory_space<hbm>>
    %dma_wait3A_241 = arith.constant 0 : i32
    %dma_wait3A_242 = tpu.memref_slice %arg2[%add3A_4, %dma_wait3A_241] : memref<64x32768xf32, #tpu.memory_space<hbm>> -> memref<1x32768xf32, #tpu.memory_space<hbm>>
    %dma_wait3A_243 = tpu.memref_squeeze %dma_wait3A_242 : memref<1x32768xf32, #tpu.memory_space<hbm>> -> memref<32768xf32, #tpu.memory_space<hbm>>
    tpu.wait_dma2 semaphore(%arg10 : memref<!tpu.dma_semaphore, #tpu.memory_space<semaphore_mem>>) src(%dma_wait3A_243 : memref<32768xf32, #tpu.memory_space<hbm>>) dst(%arg5 : memref<32768xf32, #tpu.memory_space<vmem>>)
    %broadcast_in_dim3A_244 = arith.constant 0xFF800000 : f32
    "tpu.trace_start"() <{level = 10 : i32, message = "p1_max"}> : () -> ()
    %broadcast_in_dim3A_245 = vector.broadcast %broadcast_in_dim3A_244 : f32 to vector<16xf32>
    %parallel_loop3A_246 = arith.constant 0 : i32
    %parallel_loop3A_247 = arith.constant 256 : i32
    %parallel_loop3A_248 = arith.constant 1 : i32
    %parallel_loop3A_249 = scf.for %parallel_loop3A_477 = %parallel_loop3A_246 to %parallel_loop3A_247 step %parallel_loop3A_248 iter_args(%parallel_loop3A_478 = %broadcast_in_dim3A_245) -> (vector<16xf32>)  : i32 {
      %parallel_loop3A_479 = arith.constant 128 : i32
      %parallel_loop3A_480 = arith.muli %parallel_loop3A_477, %parallel_loop3A_479 : i32
      %parallel_loop3A_481 = arith.index_cast %parallel_loop3A_480 : i32 to index
      %parallel_loop3A_482 = tpu.vector_load %arg5[%parallel_loop3A_481] {strides = array<i32>} : memref<32768xf32, #tpu.memory_space<vmem>>, vector<16xf32>,
      %parallel_loop3A_483 = arith.constant 16 : i32
      %parallel_loop3A_484 = arith.addi %parallel_loop3A_480, %parallel_loop3A_483 : i32
      %parallel_loop3A_485 = arith.index_cast %parallel_loop3A_484 : i32 to index
      %parallel_loop3A_486 = tpu.vector_load %arg5[%parallel_loop3A_485] {strides = array<i32>} : memref<32768xf32, #tpu.memory_space<vmem>>, vector<16xf32>,
      %parallel_loop3A_487 = arith.maximumf %parallel_loop3A_482, %parallel_loop3A_486 : vector<16xf32>
      %parallel_loop3A_488 = arith.constant 32 : i32
      %parallel_loop3A_489 = arith.addi %parallel_loop3A_480, %parallel_loop3A_488 : i32
      %parallel_loop3A_490 = arith.index_cast %parallel_loop3A_489 : i32 to index
      %parallel_loop3A_491 = tpu.vector_load %arg5[%parallel_loop3A_490] {strides = array<i32>} : memref<32768xf32, #tpu.memory_space<vmem>>, vector<16xf32>,
      %parallel_loop3A_492 = arith.maximumf %parallel_loop3A_487, %parallel_loop3A_491 : vector<16xf32>
      %parallel_loop3A_493 = arith.constant 48 : i32
      %parallel_loop3A_494 = arith.addi %parallel_loop3A_480, %parallel_loop3A_493 : i32
      %parallel_loop3A_495 = arith.index_cast %parallel_loop3A_494 : i32 to index
      %parallel_loop3A_496 = tpu.vector_load %arg5[%parallel_loop3A_495] {strides = array<i32>} : memref<32768xf32, #tpu.memory_space<vmem>>, vector<16xf32>,
      %parallel_loop3A_497 = arith.maximumf %parallel_loop3A_492, %parallel_loop3A_496 : vector<16xf32>
      %parallel_loop3A_498 = arith.constant 64 : i32
      %parallel_loop3A_499 = arith.addi %parallel_loop3A_480, %parallel_loop3A_498 : i32
      %parallel_loop3A_500 = arith.index_cast %parallel_loop3A_499 : i32 to index
      %parallel_loop3A_501 = tpu.vector_load %arg5[%parallel_loop3A_500] {strides = array<i32>} : memref<32768xf32, #tpu.memory_space<vmem>>, vector<16xf32>,
      %parallel_loop3A_502 = arith.maximumf %parallel_loop3A_497, %parallel_loop3A_501 : vector<16xf32>
      %parallel_loop3A_503 = arith.constant 80 : i32
      %parallel_loop3A_504 = arith.addi %parallel_loop3A_480, %parallel_loop3A_503 : i32
      %parallel_loop3A_505 = arith.index_cast %parallel_loop3A_504 : i32 to index
      %parallel_loop3A_506 = tpu.vector_load %arg5[%parallel_loop3A_505] {strides = array<i32>} : memref<32768xf32, #tpu.memory_space<vmem>>, vector<16xf32>,
      %parallel_loop3A_507 = arith.maximumf %parallel_loop3A_502, %parallel_loop3A_506 : vector<16xf32>
      %parallel_loop3A_508 = arith.constant 96 : i32
      %parallel_loop3A_509 = arith.addi %parallel_loop3A_480, %parallel_loop3A_508 : i32
      %parallel_loop3A_510 = arith.index_cast %parallel_loop3A_509 : i32 to index
      %parallel_loop3A_511 = tpu.vector_load %arg5[%parallel_loop3A_510] {strides = array<i32>} : memref<32768xf32, #tpu.memory_space<vmem>>, vector<16xf32>,
      %parallel_loop3A_512 = arith.maximumf %parallel_loop3A_507, %parallel_loop3A_511 : vector<16xf32>
      %parallel_loop3A_513 = arith.constant 112 : i32
      %parallel_loop3A_514 = arith.addi %parallel_loop3A_480, %parallel_loop3A_513 : i32
      %parallel_loop3A_515 = arith.index_cast %parallel_loop3A_514 : i32 to index
      %parallel_loop3A_516 = tpu.vector_load %arg5[%parallel_loop3A_515] {strides = array<i32>} : memref<32768xf32, #tpu.memory_space<vmem>>, vector<16xf32>,
      %parallel_loop3A_517 = arith.maximumf %parallel_loop3A_512, %parallel_loop3A_516 : vector<16xf32>
      %parallel_loop3A_518 = arith.constant true
      %parallel_loop3A_519 = vector.broadcast %parallel_loop3A_518 : i1 to vector<16xi1>
      %parallel_loop3A_520 = tpu.scan <max>, %parallel_loop3A_517 masked %parallel_loop3A_519 : vector<16xf32>, vector<16xi1> -> vector<16xf32>
      %parallel_loop3A_521 = vector.extract %parallel_loop3A_520[15] : f32 from vector<16xf32>
      %parallel_loop3A_522 = arith.index_cast %parallel_loop3A_477 : i32 to index
      %parallel_loop3A_523 = memref.load %arg7[%parallel_loop3A_522] : memref<256xf32, #tpu.memory_space<smem>>
      memref.store %parallel_loop3A_521, %arg7[%parallel_loop3A_522] : memref<256xf32, #tpu.memory_space<smem>>
      %parallel_loop3A_524 = arith.maximumf %parallel_loop3A_478, %parallel_loop3A_517 : vector<16xf32>
      scf.yield %parallel_loop3A_524 : vector<16xf32>
    } {sc.loop_unroll_factor = 2 : i64, sc.parallel_access}
    "tpu.trace_stop"() : () -> ()
    %reduce_max3A_250 = arith.constant true
    %reduce_max3A_251 = vector.broadcast %reduce_max3A_250 : i1 to vector<16xi1>
    %reduce_max3A_252 = tpu.scan <max>, %parallel_loop3A_249 masked %reduce_max3A_251 : vector<16xf32>, vector<16xi1> -> vector<16xf32>
    %reduce_max3A_253 = vector.extract %reduce_max3A_252[15] : f32 from vector<16xf32>
    %sub3A_254 = arith.constant 1.000000e+00 : f32
    %sub3A_255 = arith.subf %reduce_max3A_253, %sub3A_254 : f32
    "tpu.trace_start"() <{level = 10 : i32, message = "p2a_select"}> : () -> ()
    %scan3A_256 = arith.constant 0 : i32
    %scan3A_257 = arith.constant 0 : i32
    %scan3A_258 = arith.constant 256 : i32
    %scan3A_259 = arith.addi %scan3A_257, %scan3A_258 : i32
    %scan3A_260 = arith.constant 4 : i32
    %scan3A_261 = scf.for %scan3A_477 = %scan3A_257 to %scan3A_259 step %scan3A_260 iter_args(%scan3A_478 = %scan3A_256) -> (i32)  : i32 {
      %swap3A_479 = arith.index_cast %scan3A_478 : i32 to index
      %swap3A_480 = memref.load %arg8[%swap3A_479] : memref<257xi32, #tpu.memory_space<smem>>
      memref.store %scan3A_477, %arg8[%swap3A_479] : memref<257xi32, #tpu.memory_space<smem>>
      %get3A = arith.index_cast %scan3A_477 : i32 to index
      %get3A_481 = memref.load %arg7[%get3A] : memref<256xf32, #tpu.memory_space<smem>>
      %ge3A = arith.cmpf oge, %get3A_481, %sub3A_255 : f32
      %jit3A_482 = arith.constant 1 : i32
      %jit3A_483 = arith.constant 0 : i32
      %select_n3A_484 = arith.select %ge3A, %jit3A_482, %jit3A_483 : i32
      %add3A_485 = arith.addi %scan3A_478, %select_n3A_484 : i32
      %scan3A_486 = arith.constant 1 : i32
      %scan3A_487 = arith.addi %scan3A_477, %scan3A_486 : i32
      %swap3A_488 = arith.index_cast %add3A_485 : i32 to index
      %swap3A_489 = memref.load %arg8[%swap3A_488] : memref<257xi32, #tpu.memory_space<smem>>
      memref.store %scan3A_487, %arg8[%swap3A_488] : memref<257xi32, #tpu.memory_space<smem>>
      %get3A_490 = arith.index_cast %scan3A_487 : i32 to index
      %get3A_491 = memref.load %arg7[%get3A_490] : memref<256xf32, #tpu.memory_space<smem>>
      %ge3A_492 = arith.cmpf oge, %get3A_491, %sub3A_255 : f32
      %jit3A_493 = arith.constant 1 : i32
      %jit3A_494 = arith.constant 0 : i32
      %select_n3A_495 = arith.select %ge3A_492, %jit3A_493, %jit3A_494 : i32
      %add3A_496 = arith.addi %add3A_485, %select_n3A_495 : i32
      %scan3A_497 = arith.constant 2 : i32
      %scan3A_498 = arith.addi %scan3A_477, %scan3A_497 : i32
      %swap3A_499 = arith.index_cast %add3A_496 : i32 to index
      %swap3A_500 = memref.load %arg8[%swap3A_499] : memref<257xi32, #tpu.memory_space<smem>>
      memref.store %scan3A_498, %arg8[%swap3A_499] : memref<257xi32, #tpu.memory_space<smem>>
      %get3A_501 = arith.index_cast %scan3A_498 : i32 to index
      %get3A_502 = memref.load %arg7[%get3A_501] : memref<256xf32, #tpu.memory_space<smem>>
      %ge3A_503 = arith.cmpf oge, %get3A_502, %sub3A_255 : f32
      %jit3A_504 = arith.constant 1 : i32
      %jit3A_505 = arith.constant 0 : i32
      %select_n3A_506 = arith.select %ge3A_503, %jit3A_504, %jit3A_505 : i32
      %add3A_507 = arith.addi %add3A_496, %select_n3A_506 : i32
      %scan3A_508 = arith.constant 3 : i32
      %scan3A_509 = arith.addi %scan3A_477, %scan3A_508 : i32
      %swap3A_510 = arith.index_cast %add3A_507 : i32 to index
      %swap3A_511 = memref.load %arg8[%swap3A_510] : memref<257xi32, #tpu.memory_space<smem>>
      memref.store %scan3A_509, %arg8[%swap3A_510] : memref<257xi32, #tpu.memory_space<smem>>
      %get3A_512 = arith.index_cast %scan3A_509 : i32 to index
      %get3A_513 = memref.load %arg7[%get3A_512] : memref<256xf32, #tpu.memory_space<smem>>
      %ge3A_514 = arith.cmpf oge, %get3A_513, %sub3A_255 : f32
      %jit3A_515 = arith.constant 1 : i32
      %jit3A_516 = arith.constant 0 : i32
      %select_n3A_517 = arith.select %ge3A_514, %jit3A_515, %jit3A_516 : i32
      %add3A_518 = arith.addi %add3A_507, %select_n3A_517 : i32
      scf.yield %add3A_518 : i32
    }
    %scan3A_262 = arith.constant 256 : i32
    %while3A_263 = arith.constant 0 : i32
    %while3A_264 = arith.constant 0 : i32
    "tpu.trace_stop"() : () -> ()
    "tpu.trace_start"() <{level = 10 : i32, message = "p2b_compact"}> : () -> ()
    %while3A_265 = arith.subi %scan3A_261, %while3A_263 : i32
    %while3A_266 = arith.addi %while3A_263, %while3A_265 : i32
    %while3A_267 = arith.constant 1 : i32
    %while3A_268 = arith.divsi %while3A_265, %while3A_267 : i32
    %while3A_269 = arith.muli %while3A_268, %while3A_267 : i32
    %while3A_270 = arith.addi %while3A_263, %while3A_269 : i32
    %while3A_271 = arith.constant 1 : i32
    %while3A_272 = scf.for %while3A_477 = %while3A_263 to %while3A_270 step %while3A_271 iter_args(%while3A_478 = %while3A_264) -> (i32)  : i32 {
      %get3A = arith.index_cast %while3A_477 : i32 to index
      %get3A_479 = memref.load %arg8[%get3A] : memref<257xi32, #tpu.memory_space<smem>>
      %mul3A_480 = arith.constant 128 : i32
      %mul3A_481 = arith.muli %get3A_479, %mul3A_480 : i32
      %add3A_482 = arith.constant 0 : i32
      %add3A_483 = arith.addi %mul3A_481, %add3A_482 : i32
      %get3A_484 = arith.index_cast %add3A_483 : i32 to index
      %get3A_485 = tpu.vector_load %arg5[%get3A_484] {strides = array<i32>} : memref<32768xf32, #tpu.memory_space<vmem>>, vector<16xf32>,
      %ge3A = vector.broadcast %sub3A_255 : f32 to vector<16xf32>
      %ge3A_486 = arith.cmpf oge, %get3A_485, %ge3A : vector<16xf32>
      %swap3A_487 = arith.index_cast %while3A_478 : i32 to index
      %swap3A_488 = tpu.vector_load %arg6[%swap3A_487] masked %ge3A_486 {strides = array<i32>} : memref<32784xf32, #tpu.memory_space<vmem>>, vector<16xf32>, vector<16xi1>
      tpu.vector_store %arg6[%swap3A_487], %get3A_485 masked %ge3A_486 {strides = array<i32>} : memref<32784xf32, #tpu.memory_space<vmem>>, vector<16xf32>, vector<16xi1>
      %all_reduce_population_count3A = tpu.all_reduce %ge3A_486 {dim = 0 : i64, kind = #tpu.reduction_kind<sum>} : vector<16xi1> -> vector<16xi32>
      %slice3A = vector.extract_strided_slice %all_reduce_population_count3A {offsets = [0], sizes = [1], strides = [1]} : vector<16xi32> to vector<1xi32>
      %squeeze3A = vector.extract %slice3A[0] : i32 from vector<1xi32>
      %add3A_489 = arith.addi %while3A_478, %squeeze3A : i32
      %add3A_490 = arith.constant 16 : i32
      %add3A_491 = arith.addi %mul3A_481, %add3A_490 : i32
      %get3A_492 = arith.index_cast %add3A_491 : i32 to index
      %get3A_493 = tpu.vector_load %arg5[%get3A_492] {strides = array<i32>} : memref<32768xf32, #tpu.memory_space<vmem>>, vector<16xf32>,
      %ge3A_494 = vector.broadcast %sub3A_255 : f32 to vector<16xf32>
      %ge3A_495 = arith.cmpf oge, %get3A_493, %ge3A_494 : vector<16xf32>
      %swap3A_496 = arith.index_cast %add3A_489 : i32 to index
      %swap3A_497 = tpu.vector_load %arg6[%swap3A_496] masked %ge3A_495 {strides = array<i32>} : memref<32784xf32, #tpu.memory_space<vmem>>, vector<16xf32>, vector<16xi1>
      tpu.vector_store %arg6[%swap3A_496], %get3A_493 masked %ge3A_495 {strides = array<i32>} : memref<32784xf32, #tpu.memory_space<vmem>>, vector<16xf32>, vector<16xi1>
      %all_reduce_population_count3A_498 = tpu.all_reduce %ge3A_495 {dim = 0 : i64, kind = #tpu.reduction_kind<sum>} : vector<16xi1> -> vector<16xi32>
      %slice3A_499 = vector.extract_strided_slice %all_reduce_population_count3A_498 {offsets = [0], sizes = [1], strides = [1]} : vector<16xi32> to vector<1xi32>
      %squeeze3A_500 = vector.extract %slice3A_499[0] : i32 from vector<1xi32>
      %add3A_501 = arith.addi %add3A_489, %squeeze3A_500 : i32
      %add3A_502 = arith.constant 32 : i32
      %add3A_503 = arith.addi %mul3A_481, %add3A_502 : i32
      %get3A_504 = arith.index_cast %add3A_503 : i32 to index
      %get3A_505 = tpu.vector_load %arg5[%get3A_504] {strides = array<i32>} : memref<32768xf32, #tpu.memory_space<vmem>>, vector<16xf32>,
      %ge3A_506 = vector.broadcast %sub3A_255 : f32 to vector<16xf32>
      %ge3A_507 = arith.cmpf oge, %get3A_505, %ge3A_506 : vector<16xf32>
      %swap3A_508 = arith.index_cast %add3A_501 : i32 to index
      %swap3A_509 = tpu.vector_load %arg6[%swap3A_508] masked %ge3A_507 {strides = array<i32>} : memref<32784xf32, #tpu.memory_space<vmem>>, vector<16xf32>, vector<16xi1>
      tpu.vector_store %arg6[%swap3A_508], %get3A_505 masked %ge3A_507 {strides = array<i32>} : memref<32784xf32, #tpu.memory_space<vmem>>, vector<16xf32>, vector<16xi1>
      %all_reduce_population_count3A_510 = tpu.all_reduce %ge3A_507 {dim = 0 : i64, kind = #tpu.reduction_kind<sum>} : vector<16xi1> -> vector<16xi32>
      %slice3A_511 = vector.extract_strided_slice %all_reduce_population_count3A_510 {offsets = [0], sizes = [1], strides = [1]} : vector<16xi32> to vector<1xi32>
      %squeeze3A_512 = vector.extract %slice3A_511[0] : i32 from vector<1xi32>
      %add3A_513 = arith.addi %add3A_501, %squeeze3A_512 : i32
      %add3A_514 = arith.constant 48 : i32
      %add3A_515 = arith.addi %mul3A_481, %add3A_514 : i32
      %get3A_516 = arith.index_cast %add3A_515 : i32 to index
      %get3A_517 = tpu.vector_load %arg5[%get3A_516] {strides = array<i32>} : memref<32768xf32, #tpu.memory_space<vmem>>, vector<16xf32>,
      %ge3A_518 = vector.broadcast %sub3A_255 : f32 to vector<16xf32>
      %ge3A_519 = arith.cmpf oge, %get3A_517, %ge3A_518 : vector<16xf32>
      %swap3A_520 = arith.index_cast %add3A_513 : i32 to index
      %swap3A_521 = tpu.vector_load %arg6[%swap3A_520] masked %ge3A_519 {strides = array<i32>} : memref<32784xf32, #tpu.memory_space<vmem>>, vector<16xf32>, vector<16xi1>
      tpu.vector_store %arg6[%swap3A_520], %get3A_517 masked %ge3A_519 {strides = array<i32>} : memref<32784xf32, #tpu.memory_space<vmem>>, vector<16xf32>, vector<16xi1>
      %all_reduce_population_count3A_522 = tpu.all_reduce %ge3A_519 {dim = 0 : i64, kind = #tpu.reduction_kind<sum>} : vector<16xi1> -> vector<16xi32>
      %slice3A_523 = vector.extract_strided_slice %all_reduce_population_count3A_522 {offsets = [0], sizes = [1], strides = [1]} : vector<16xi32> to vector<1xi32>
      %squeeze3A_524 = vector.extract %slice3A_523[0] : i32 from vector<1xi32>
      %add3A_525 = arith.addi %add3A_513, %squeeze3A_524 : i32
      %add3A_526 = arith.constant 64 : i32
      %add3A_527 = arith.addi %mul3A_481, %add3A_526 : i32
      %get3A_528 = arith.index_cast %add3A_527 : i32 to index
      %get3A_529 = tpu.vector_load %arg5[%get3A_528] {strides = array<i32>} : memref<32768xf32, #tpu.memory_space<vmem>>, vector<16xf32>,
      %ge3A_530 = vector.broadcast %sub3A_255 : f32 to vector<16xf32>
      %ge3A_531 = arith.cmpf oge, %get3A_529, %ge3A_530 : vector<16xf32>
      %swap3A_532 = arith.index_cast %add3A_525 : i32 to index
      %swap3A_533 = tpu.vector_load %arg6[%swap3A_532] masked %ge3A_531 {strides = array<i32>} : memref<32784xf32, #tpu.memory_space<vmem>>, vector<16xf32>, vector<16xi1>
      tpu.vector_store %arg6[%swap3A_532], %get3A_529 masked %ge3A_531 {strides = array<i32>} : memref<32784xf32, #tpu.memory_space<vmem>>, vector<16xf32>, vector<16xi1>
      %all_reduce_population_count3A_534 = tpu.all_reduce %ge3A_531 {dim = 0 : i64, kind = #tpu.reduction_kind<sum>} : vector<16xi1> -> vector<16xi32>
      %slice3A_535 = vector.extract_strided_slice %all_reduce_population_count3A_534 {offsets = [0], sizes = [1], strides = [1]} : vector<16xi32> to vector<1xi32>
      %squeeze3A_536 = vector.extract %slice3A_535[0] : i32 from vector<1xi32>
      %add3A_537 = arith.addi %add3A_525, %squeeze3A_536 : i32
      %add3A_538 = arith.constant 80 : i32
      %add3A_539 = arith.addi %mul3A_481, %add3A_538 : i32
      %get3A_540 = arith.index_cast %add3A_539 : i32 to index
      %get3A_541 = tpu.vector_load %arg5[%get3A_540] {strides = array<i32>} : memref<32768xf32, #tpu.memory_space<vmem>>, vector<16xf32>,
      %ge3A_542 = vector.broadcast %sub3A_255 : f32 to vector<16xf32>
      %ge3A_543 = arith.cmpf oge, %get3A_541, %ge3A_542 : vector<16xf32>
      %swap3A_544 = arith.index_cast %add3A_537 : i32 to index
      %swap3A_545 = tpu.vector_load %arg6[%swap3A_544] masked %ge3A_543 {strides = array<i32>} : memref<32784xf32, #tpu.memory_space<vmem>>, vector<16xf32>, vector<16xi1>
      tpu.vector_store %arg6[%swap3A_544], %get3A_541 masked %ge3A_543 {strides = array<i32>} : memref<32784xf32, #tpu.memory_space<vmem>>, vector<16xf32>, vector<16xi1>
      %all_reduce_population_count3A_546 = tpu.all_reduce %ge3A_543 {dim = 0 : i64, kind = #tpu.reduction_kind<sum>} : vector<16xi1> -> vector<16xi32>
      %slice3A_547 = vector.extract_strided_slice %all_reduce_population_count3A_546 {offsets = [0], sizes = [1], strides = [1]} : vector<16xi32> to vector<1xi32>
      %squeeze3A_548 = vector.extract %slice3A_547[0] : i32 from vector<1xi32>
      %add3A_549 = arith.addi %add3A_537, %squeeze3A_548 : i32
      %add3A_550 = arith.constant 96 : i32
      %add3A_551 = arith.addi %mul3A_481, %add3A_550 : i32
      %get3A_552 = arith.index_cast %add3A_551 : i32 to index
      %get3A_553 = tpu.vector_load %arg5[%get3A_552] {strides = array<i32>} : memref<32768xf32, #tpu.memory_space<vmem>>, vector<16xf32>,
      %ge3A_554 = vector.broadcast %sub3A_255 : f32 to vector<16xf32>
      %ge3A_555 = arith.cmpf oge, %get3A_553, %ge3A_554 : vector<16xf32>
      %swap3A_556 = arith.index_cast %add3A_549 : i32 to index
      %swap3A_557 = tpu.vector_load %arg6[%swap3A_556] masked %ge3A_555 {strides = array<i32>} : memref<32784xf32, #tpu.memory_space<vmem>>, vector<16xf32>, vector<16xi1>
      tpu.vector_store %arg6[%swap3A_556], %get3A_553 masked %ge3A_555 {strides = array<i32>} : memref<32784xf32, #tpu.memory_space<vmem>>, vector<16xf32>, vector<16xi1>
      %all_reduce_population_count3A_558 = tpu.all_reduce %ge3A_555 {dim = 0 : i64, kind = #tpu.reduction_kind<sum>} : vector<16xi1> -> vector<16xi32>
      %slice3A_559 = vector.extract_strided_slice %all_reduce_population_count3A_558 {offsets = [0], sizes = [1], strides = [1]} : vector<16xi32> to vector<1xi32>
      %squeeze3A_560 = vector.extract %slice3A_559[0] : i32 from vector<1xi32>
      %add3A_561 = arith.addi %add3A_549, %squeeze3A_560 : i32
      %add3A_562 = arith.constant 112 : i32
      %add3A_563 = arith.addi %mul3A_481, %add3A_562 : i32
      %get3A_564 = arith.index_cast %add3A_563 : i32 to index
      %get3A_565 = tpu.vector_load %arg5[%get3A_564] {strides = array<i32>} : memref<32768xf32, #tpu.memory_space<vmem>>, vector<16xf32>,
      %ge3A_566 = vector.broadcast %sub3A_255 : f32 to vector<16xf32>
      %ge3A_567 = arith.cmpf oge, %get3A_565, %ge3A_566 : vector<16xf32>
      %swap3A_568 = arith.index_cast %add3A_561 : i32 to index
      %swap3A_569 = tpu.vector_load %arg6[%swap3A_568] masked %ge3A_567 {strides = array<i32>} : memref<32784xf32, #tpu.memory_space<vmem>>, vector<16xf32>, vector<16xi1>
      tpu.vector_store %arg6[%swap3A_568], %get3A_565 masked %ge3A_567 {strides = array<i32>} : memref<32784xf32, #tpu.memory_space<vmem>>, vector<16xf32>, vector<16xi1>
      %all_reduce_population_count3A_570 = tpu.all_reduce %ge3A_567 {dim = 0 : i64, kind = #tpu.reduction_kind<sum>} : vector<16xi1> -> vector<16xi32>
      %slice3A_571 = vector.extract_strided_slice %all_reduce_population_count3A_570 {offsets = [0], sizes = [1], strides = [1]} : vector<16xi32> to vector<1xi32>
      %squeeze3A_572 = vector.extract %slice3A_571[0] : i32 from vector<1xi32>
      %add3A_573 = arith.addi %add3A_561, %squeeze3A_572 : i32
      scf.yield %add3A_573 : i32
    }
    %while3A_273 = arith.constant 1 : i32
    %while3A_274 = scf.for %while3A_477 = %while3A_270 to %while3A_266 step %while3A_273 iter_args(%while3A_478 = %while3A_272) -> (i32)  : i32 {
      %get3A = arith.index_cast %while3A_477 : i32 to index
      %get3A_479 = memref.load %arg8[%get3A] : memref<257xi32, #tpu.memory_space<smem>>
      %mul3A_480 = arith.constant 128 : i32
      %mul3A_481 = arith.muli %get3A_479, %mul3A_480 : i32
      %add3A_482 = arith.constant 0 : i32
      %add3A_483 = arith.addi %mul3A_481, %add3A_482 : i32
      %get3A_484 = arith.index_cast %add3A_483 : i32 to index
      %get3A_485 = tpu.vector_load %arg5[%get3A_484] {strides = array<i32>} : memref<32768xf32, #tpu.memory_space<vmem>>, vector<16xf32>,
      %ge3A = vector.broadcast %sub3A_255 : f32 to vector<16xf32>
      %ge3A_486 = arith.cmpf oge, %get3A_485, %ge3A : vector<16xf32>
      %swap3A_487 = arith.index_cast %while3A_478 : i32 to index
      %swap3A_488 = tpu.vector_load %arg6[%swap3A_487] masked %ge3A_486 {strides = array<i32>} : memref<32784xf32, #tpu.memory_space<vmem>>, vector<16xf32>, vector<16xi1>
      tpu.vector_store %arg6[%swap3A_487], %get3A_485 masked %ge3A_486 {strides = array<i32>} : memref<32784xf32, #tpu.memory_space<vmem>>, vector<16xf32>, vector<16xi1>
      %all_reduce_population_count3A = tpu.all_reduce %ge3A_486 {dim = 0 : i64, kind = #tpu.reduction_kind<sum>} : vector<16xi1> -> vector<16xi32>
      %slice3A = vector.extract_strided_slice %all_reduce_population_count3A {offsets = [0], sizes = [1], strides = [1]} : vector<16xi32> to vector<1xi32>
      %squeeze3A = vector.extract %slice3A[0] : i32 from vector<1xi32>
      %add3A_489 = arith.addi %while3A_478, %squeeze3A : i32
      %add3A_490 = arith.constant 16 : i32
      %add3A_491 = arith.addi %mul3A_481, %add3A_490 : i32
      %get3A_492 = arith.index_cast %add3A_491 : i32 to index
      %get3A_493 = tpu.vector_load %arg5[%get3A_492] {strides = array<i32>} : memref<32768xf32, #tpu.memory_space<vmem>>, vector<16xf32>,
      %ge3A_494 = vector.broadcast %sub3A_255 : f32 to vector<16xf32>
      %ge3A_495 = arith.cmpf oge, %get3A_493, %ge3A_494 : vector<16xf32>
      %swap3A_496 = arith.index_cast %add3A_489 : i32 to index
      %swap3A_497 = tpu.vector_load %arg6[%swap3A_496] masked %ge3A_495 {strides = array<i32>} : memref<32784xf32, #tpu.memory_space<vmem>>, vector<16xf32>, vector<16xi1>
      tpu.vector_store %arg6[%swap3A_496], %get3A_493 masked %ge3A_495 {strides = array<i32>} : memref<32784xf32, #tpu.memory_space<vmem>>, vector<16xf32>, vector<16xi1>
      %all_reduce_population_count3A_498 = tpu.all_reduce %ge3A_495 {dim = 0 : i64, kind = #tpu.reduction_kind<sum>} : vector<16xi1> -> vector<16xi32>
      %slice3A_499 = vector.extract_strided_slice %all_reduce_population_count3A_498 {offsets = [0], sizes = [1], strides = [1]} : vector<16xi32> to vector<1xi32>
      %squeeze3A_500 = vector.extract %slice3A_499[0] : i32 from vector<1xi32>
      %add3A_501 = arith.addi %add3A_489, %squeeze3A_500 : i32
      %add3A_502 = arith.constant 32 : i32
      %add3A_503 = arith.addi %mul3A_481, %add3A_502 : i32
      %get3A_504 = arith.index_cast %add3A_503 : i32 to index
      %get3A_505 = tpu.vector_load %arg5[%get3A_504] {strides = array<i32>} : memref<32768xf32, #tpu.memory_space<vmem>>, vector<16xf32>,
      %ge3A_506 = vector.broadcast %sub3A_255 : f32 to vector<16xf32>
      %ge3A_507 = arith.cmpf oge, %get3A_505, %ge3A_506 : vector<16xf32>
      %swap3A_508 = arith.index_cast %add3A_501 : i32 to index
      %swap3A_509 = tpu.vector_load %arg6[%swap3A_508] masked %ge3A_507 {strides = array<i32>} : memref<32784xf32, #tpu.memory_space<vmem>>, vector<16xf32>, vector<16xi1>
      tpu.vector_store %arg6[%swap3A_508], %get3A_505 masked %ge3A_507 {strides = array<i32>} : memref<32784xf32, #tpu.memory_space<vmem>>, vector<16xf32>, vector<16xi1>
      %all_reduce_population_count3A_510 = tpu.all_reduce %ge3A_507 {dim = 0 : i64, kind = #tpu.reduction_kind<sum>} : vector<16xi1> -> vector<16xi32>
      %slice3A_511 = vector.extract_strided_slice %all_reduce_population_count3A_510 {offsets = [0], sizes = [1], strides = [1]} : vector<16xi32> to vector<1xi32>
      %squeeze3A_512 = vector.extract %slice3A_511[0] : i32 from vector<1xi32>
      %add3A_513 = arith.addi %add3A_501, %squeeze3A_512 : i32
      %add3A_514 = arith.constant 48 : i32
      %add3A_515 = arith.addi %mul3A_481, %add3A_514 : i32
      %get3A_516 = arith.index_cast %add3A_515 : i32 to index
      %get3A_517 = tpu.vector_load %arg5[%get3A_516] {strides = array<i32>} : memref<32768xf32, #tpu.memory_space<vmem>>, vector<16xf32>,
      %ge3A_518 = vector.broadcast %sub3A_255 : f32 to vector<16xf32>
      %ge3A_519 = arith.cmpf oge, %get3A_517, %ge3A_518 : vector<16xf32>
      %swap3A_520 = arith.index_cast %add3A_513 : i32 to index
      %swap3A_521 = tpu.vector_load %arg6[%swap3A_520] masked %ge3A_519 {strides = array<i32>} : memref<32784xf32, #tpu.memory_space<vmem>>, vector<16xf32>, vector<16xi1>
      tpu.vector_store %arg6[%swap3A_520], %get3A_517 masked %ge3A_519 {strides = array<i32>} : memref<32784xf32, #tpu.memory_space<vmem>>, vector<16xf32>, vector<16xi1>
      %all_reduce_population_count3A_522 = tpu.all_reduce %ge3A_519 {dim = 0 : i64, kind = #tpu.reduction_kind<sum>} : vector<16xi1> -> vector<16xi32>
      %slice3A_523 = vector.extract_strided_slice %all_reduce_population_count3A_522 {offsets = [0], sizes = [1], strides = [1]} : vector<16xi32> to vector<1xi32>
      %squeeze3A_524 = vector.extract %slice3A_523[0] : i32 from vector<1xi32>
      %add3A_525 = arith.addi %add3A_513, %squeeze3A_524 : i32
      %add3A_526 = arith.constant 64 : i32
      %add3A_527 = arith.addi %mul3A_481, %add3A_526 : i32
      %get3A_528 = arith.index_cast %add3A_527 : i32 to index
      %get3A_529 = tpu.vector_load %arg5[%get3A_528] {strides = array<i32>} : memref<32768xf32, #tpu.memory_space<vmem>>, vector<16xf32>,
      %ge3A_530 = vector.broadcast %sub3A_255 : f32 to vector<16xf32>
      %ge3A_531 = arith.cmpf oge, %get3A_529, %ge3A_530 : vector<16xf32>
      %swap3A_532 = arith.index_cast %add3A_525 : i32 to index
      %swap3A_533 = tpu.vector_load %arg6[%swap3A_532] masked %ge3A_531 {strides = array<i32>} : memref<32784xf32, #tpu.memory_space<vmem>>, vector<16xf32>, vector<16xi1>
      tpu.vector_store %arg6[%swap3A_532], %get3A_529 masked %ge3A_531 {strides = array<i32>} : memref<32784xf32, #tpu.memory_space<vmem>>, vector<16xf32>, vector<16xi1>
      %all_reduce_population_count3A_534 = tpu.all_reduce %ge3A_531 {dim = 0 : i64, kind = #tpu.reduction_kind<sum>} : vector<16xi1> -> vector<16xi32>
      %slice3A_535 = vector.extract_strided_slice %all_reduce_population_count3A_534 {offsets = [0], sizes = [1], strides = [1]} : vector<16xi32> to vector<1xi32>
      %squeeze3A_536 = vector.extract %slice3A_535[0] : i32 from vector<1xi32>
      %add3A_537 = arith.addi %add3A_525, %squeeze3A_536 : i32
      %add3A_538 = arith.constant 80 : i32
      %add3A_539 = arith.addi %mul3A_481, %add3A_538 : i32
      %get3A_540 = arith.index_cast %add3A_539 : i32 to index
      %get3A_541 = tpu.vector_load %arg5[%get3A_540] {strides = array<i32>} : memref<32768xf32, #tpu.memory_space<vmem>>, vector<16xf32>,
      %ge3A_542 = vector.broadcast %sub3A_255 : f32 to vector<16xf32>
      %ge3A_543 = arith.cmpf oge, %get3A_541, %ge3A_542 : vector<16xf32>
      %swap3A_544 = arith.index_cast %add3A_537 : i32 to index
      %swap3A_545 = tpu.vector_load %arg6[%swap3A_544] masked %ge3A_543 {strides = array<i32>} : memref<32784xf32, #tpu.memory_space<vmem>>, vector<16xf32>, vector<16xi1>
      tpu.vector_store %arg6[%swap3A_544], %get3A_541 masked %ge3A_543 {strides = array<i32>} : memref<32784xf32, #tpu.memory_space<vmem>>, vector<16xf32>, vector<16xi1>
      %all_reduce_population_count3A_546 = tpu.all_reduce %ge3A_543 {dim = 0 : i64, kind = #tpu.reduction_kind<sum>} : vector<16xi1> -> vector<16xi32>
      %slice3A_547 = vector.extract_strided_slice %all_reduce_population_count3A_546 {offsets = [0], sizes = [1], strides = [1]} : vector<16xi32> to vector<1xi32>
      %squeeze3A_548 = vector.extract %slice3A_547[0] : i32 from vector<1xi32>
      %add3A_549 = arith.addi %add3A_537, %squeeze3A_548 : i32
      %add3A_550 = arith.constant 96 : i32
      %add3A_551 = arith.addi %mul3A_481, %add3A_550 : i32
      %get3A_552 = arith.index_cast %add3A_551 : i32 to index
      %get3A_553 = tpu.vector_load %arg5[%get3A_552] {strides = array<i32>} : memref<32768xf32, #tpu.memory_space<vmem>>, vector<16xf32>,
      %ge3A_554 = vector.broadcast %sub3A_255 : f32 to vector<16xf32>
      %ge3A_555 = arith.cmpf oge, %get3A_553, %ge3A_554 : vector<16xf32>
      %swap3A_556 = arith.index_cast %add3A_549 : i32 to index
      %swap3A_557 = tpu.vector_load %arg6[%swap3A_556] masked %ge3A_555 {strides = array<i32>} : memref<32784xf32, #tpu.memory_space<vmem>>, vector<16xf32>, vector<16xi1>
      tpu.vector_store %arg6[%swap3A_556], %get3A_553 masked %ge3A_555 {strides = array<i32>} : memref<32784xf32, #tpu.memory_space<vmem>>, vector<16xf32>, vector<16xi1>
      %all_reduce_population_count3A_558 = tpu.all_reduce %ge3A_555 {dim = 0 : i64, kind = #tpu.reduction_kind<sum>} : vector<16xi1> -> vector<16xi32>
      %slice3A_559 = vector.extract_strided_slice %all_reduce_population_count3A_558 {offsets = [0], sizes = [1], strides = [1]} : vector<16xi32> to vector<1xi32>
      %squeeze3A_560 = vector.extract %slice3A_559[0] : i32 from vector<1xi32>
      %add3A_561 = arith.addi %add3A_549, %squeeze3A_560 : i32
      %add3A_562 = arith.constant 112 : i32
      %add3A_563 = arith.addi %mul3A_481, %add3A_562 : i32
      %get3A_564 = arith.index_cast %add3A_563 : i32 to index
      %get3A_565 = tpu.vector_load %arg5[%get3A_564] {strides = array<i32>} : memref<32768xf32, #tpu.memory_space<vmem>>, vector<16xf32>,
      %ge3A_566 = vector.broadcast %sub3A_255 : f32 to vector<16xf32>
      %ge3A_567 = arith.cmpf oge, %get3A_565, %ge3A_566 : vector<16xf32>
      %swap3A_568 = arith.index_cast %add3A_561 : i32 to index
      %swap3A_569 = tpu.vector_load %arg6[%swap3A_568] masked %ge3A_567 {strides = array<i32>} : memref<32784xf32, #tpu.memory_space<vmem>>, vector<16xf32>, vector<16xi1>
      tpu.vector_store %arg6[%swap3A_568], %get3A_565 masked %ge3A_567 {strides = array<i32>} : memref<32784xf32, #tpu.memory_space<vmem>>, vector<16xf32>, vector<16xi1>
      %all_reduce_population_count3A_570 = tpu.all_reduce %ge3A_567 {dim = 0 : i64, kind = #tpu.reduction_kind<sum>} : vector<16xi1> -> vector<16xi32>
      %slice3A_571 = vector.extract_strided_slice %all_reduce_population_count3A_570 {offsets = [0], sizes = [1], strides = [1]} : vector<16xi32> to vector<1xi32>
      %squeeze3A_572 = vector.extract %slice3A_571[0] : i32 from vector<1xi32>
      %add3A_573 = arith.addi %add3A_561, %squeeze3A_572 : i32
      scf.yield %add3A_573 : i32
    }
    %broadcast_in_dim3A_275 = arith.constant 0xFF800000 : f32
    "tpu.trace_stop"() : () -> ()
    %broadcast_in_dim3A_276 = vector.broadcast %broadcast_in_dim3A_275 : f32 to vector<16xf32>
    %swap3A_277 = arith.index_cast %while3A_274 : i32 to index
    %swap3A_278 = tpu.vector_load %arg6[%swap3A_277] {strides = array<i32>} : memref<32784xf32, #tpu.memory_space<vmem>>, vector<16xf32>,
    tpu.vector_store %arg6[%swap3A_277], %broadcast_in_dim3A_276 {strides = array<i32>} : memref<32784xf32, #tpu.memory_space<vmem>>, vector<16xf32>,
    %add3A_279 = arith.constant 15 : i32
    %add3A_280 = arith.addi %while3A_274, %add3A_279 : i32
    %jit3A_281 = arith.constant 16 : i32
    %div3A_282 = arith.divsi %add3A_280, %jit3A_281 : i32
    %sign3A_283 = arith.constant 0 : i32
    %sign3A_284 = arith.cmpi sgt, %add3A_280, %sign3A_283 : i32
    %sign3A_285 = arith.extui %sign3A_284 : i1 to i32
    %sign3A_286 = arith.constant 0 : i32
    %sign3A_287 = arith.cmpi slt, %add3A_280, %sign3A_286 : i32
    %sign3A_288 = arith.extui %sign3A_287 : i1 to i32
    %sign3A_289 = arith.subi %sign3A_285, %sign3A_288 : i32
    %sign3A_290 = arith.constant 0 : i32
    %sign3A_291 = arith.cmpi sgt, %jit3A_281, %sign3A_290 : i32
    %sign3A_292 = arith.extui %sign3A_291 : i1 to i32
    %sign3A_293 = arith.constant 0 : i32
    %sign3A_294 = arith.cmpi slt, %jit3A_281, %sign3A_293 : i32
    %sign3A_295 = arith.extui %sign3A_294 : i1 to i32
    %sign3A_296 = arith.subi %sign3A_292, %sign3A_295 : i32
    %ne3A_297 = arith.cmpi ne, %sign3A_289, %sign3A_296 : i32
    %rem3A_298 = arith.remsi %add3A_280, %jit3A_281 : i32
    %ne3A_299 = arith.constant 0 : i32
    %ne3A_300 = arith.cmpi ne, %rem3A_298, %ne3A_299 : i32
    %and3A_301 = arith.andi %ne3A_297, %ne3A_300 : i1
    %sub3A_302 = arith.constant 1 : i32
    %sub3A_303 = arith.subi %div3A_282, %sub3A_302 : i32
    %select_n3A_304 = arith.select %and3A_301, %sub3A_303, %div3A_282 : i32
    "tpu.trace_start"() <{level = 10 : i32, message = "p3_bisect"}> : () -> ()
    %scan3A_305 = arith.constant 0 : i32
    %scan3A_306 = arith.constant 30 : i32
    %scan3A_307 = arith.addi %scan3A_305, %scan3A_306 : i32
    %scan3A_308 = arith.constant 1 : i32
    %scan3A_309:2 = scf.for %scan3A_477 = %scan3A_305 to %scan3A_307 step %scan3A_308 iter_args(%scan3A_478 = %sub3A_255, %scan3A_479 = %reduce_max3A_253) -> (f32, f32)  : i32 {
      %add3A_480 = arith.addf %scan3A_478, %scan3A_479 : f32
      %mul3A_481 = arith.constant 5.000000e-01 : f32
      %mul3A_482 = arith.mulf %mul3A_481, %add3A_480 : f32
      %broadcast_in_dim3A_483 = arith.constant 0.000000e+00 : f32
      %broadcast_in_dim3A_484 = vector.broadcast %broadcast_in_dim3A_483 : f32 to vector<16xf32>
      %while3A_485 = arith.constant 0 : i32
      %while3A_486 = arith.subi %select_n3A_304, %while3A_485 : i32
      %while3A_487 = arith.addi %while3A_485, %while3A_486 : i32
      %while3A_488 = arith.constant 1 : i32
      %while3A_489 = arith.divsi %while3A_486, %while3A_488 : i32
      %while3A_490 = arith.muli %while3A_489, %while3A_488 : i32
      %while3A_491 = arith.addi %while3A_485, %while3A_490 : i32
      %while3A_492 = arith.constant 1 : i32
      %while3A_493 = scf.for %while3A_503 = %while3A_485 to %while3A_491 step %while3A_492 iter_args(%while3A_504 = %broadcast_in_dim3A_484) -> (vector<16xf32>)  : i32 {
        %mul3A_505 = arith.constant 16 : i32
        %mul3A_506 = arith.muli %while3A_503, %mul3A_505 : i32
        %get3A = arith.index_cast %mul3A_506 : i32 to index
        %get3A_507 = tpu.vector_load %arg6[%get3A] {strides = array<i32>} : memref<32784xf32, #tpu.memory_space<vmem>>, vector<16xf32>,
        %sub3A_508 = vector.broadcast %mul3A_482 : f32 to vector<16xf32>
        %sub3A_509 = arith.subf %get3A_507, %sub3A_508 : vector<16xf32>
        %max3A_510 = arith.constant 0.000000e+00 : f32
        %max3A_511 = vector.broadcast %max3A_510 : f32 to vector<16xf32>
        %max3A_512 = arith.maximumf %sub3A_509, %max3A_511 : vector<16xf32>
        %add3A_513 = arith.addf %while3A_504, %max3A_512 : vector<16xf32>
        scf.yield %add3A_513 : vector<16xf32>
      }
      %while3A_494 = arith.constant 1 : i32
      %while3A_495 = scf.for %while3A_503 = %while3A_491 to %while3A_487 step %while3A_494 iter_args(%while3A_504 = %while3A_493) -> (vector<16xf32>)  : i32 {
        %mul3A_505 = arith.constant 16 : i32
        %mul3A_506 = arith.muli %while3A_503, %mul3A_505 : i32
        %get3A = arith.index_cast %mul3A_506 : i32 to index
        %get3A_507 = tpu.vector_load %arg6[%get3A] {strides = array<i32>} : memref<32784xf32, #tpu.memory_space<vmem>>, vector<16xf32>,
        %sub3A_508 = vector.broadcast %mul3A_482 : f32 to vector<16xf32>
        %sub3A_509 = arith.subf %get3A_507, %sub3A_508 : vector<16xf32>
        %max3A_510 = arith.constant 0.000000e+00 : f32
        %max3A_511 = vector.broadcast %max3A_510 : f32 to vector<16xf32>
        %max3A_512 = arith.maximumf %sub3A_509, %max3A_511 : vector<16xf32>
        %add3A_513 = arith.addf %while3A_504, %max3A_512 : vector<16xf32>
        scf.yield %add3A_513 : vector<16xf32>
      }
      %reduce_sum3A_496 = arith.constant true
      %reduce_sum3A_497 = vector.broadcast %reduce_sum3A_496 : i1 to vector<16xi1>
      %reduce_sum3A_498 = tpu.scan <sum>, %while3A_495 masked %reduce_sum3A_497 : vector<16xf32>, vector<16xi1> -> vector<16xf32>
      %reduce_sum3A_499 = vector.extract %reduce_sum3A_498[15] : f32 from vector<16xf32>
      %ge3A = arith.constant 1.000000e+00 : f32
      %ge3A_500 = arith.cmpf oge, %reduce_sum3A_499, %ge3A : f32
      %select_n3A_501 = arith.select %ge3A_500, %mul3A_482, %scan3A_478 : f32
      %select_n3A_502 = arith.select %ge3A_500, %scan3A_479, %mul3A_482 : f32
      scf.yield %select_n3A_501, %select_n3A_502 : f32, f32
    }
    %scan3A_310 = arith.constant 30 : i32
    %broadcast_in_dim3A_311 = arith.constant 0.000000e+00 : f32
    "tpu.trace_stop"() : () -> ()
    %broadcast_in_dim3A_312 = vector.broadcast %broadcast_in_dim3A_311 : f32 to vector<16xf32>
    %broadcast_in_dim3A_313 = arith.constant 0.000000e+00 : f32
    %broadcast_in_dim3A_314 = vector.broadcast %broadcast_in_dim3A_313 : f32 to vector<16xf32>
    %while3A_315 = arith.constant 0 : i32
    %while3A_316 = arith.subi %select_n3A_304, %while3A_315 : i32
    %while3A_317 = arith.addi %while3A_315, %while3A_316 : i32
    %while3A_318 = arith.constant 1 : i32
    %while3A_319 = arith.divsi %while3A_316, %while3A_318 : i32
    %while3A_320 = arith.muli %while3A_319, %while3A_318 : i32
    %while3A_321 = arith.addi %while3A_315, %while3A_320 : i32
    %while3A_322 = arith.constant 1 : i32
    %while3A_323:2 = scf.for %while3A_477 = %while3A_315 to %while3A_321 step %while3A_322 iter_args(%while3A_478 = %broadcast_in_dim3A_312, %while3A_479 = %broadcast_in_dim3A_314) -> (vector<16xf32>, vector<16xf32>)  : i32 {
      %mul3A_480 = arith.constant 16 : i32
      %mul3A_481 = arith.muli %while3A_477, %mul3A_480 : i32
      %get3A = arith.index_cast %mul3A_481 : i32 to index
      %get3A_482 = tpu.vector_load %arg6[%get3A] {strides = array<i32>} : memref<32784xf32, #tpu.memory_space<vmem>>, vector<16xf32>,
      %gt3A = vector.broadcast %scan3A_309#0 : f32 to vector<16xf32>
      %gt3A_483 = arith.cmpf ogt, %get3A_482, %gt3A : vector<16xf32>
      %jit3A_484 = arith.constant 0.000000e+00 : f32
      %broadcast_in_dim3A_485 = vector.broadcast %jit3A_484 : f32 to vector<16xf32>
      %select_n3A_486 = arith.select %gt3A_483, %get3A_482, %broadcast_in_dim3A_485 : vector<16xi1>, vector<16xf32>
      %add3A_487 = arith.addf %while3A_478, %select_n3A_486 : vector<16xf32>
      %jit3A_488 = arith.constant 1.000000e+00 : f32
      %jit3A_489 = arith.constant 0.000000e+00 : f32
      %broadcast_in_dim3A_490 = vector.broadcast %jit3A_488 : f32 to vector<16xf32>
      %broadcast_in_dim3A_491 = vector.broadcast %jit3A_489 : f32 to vector<16xf32>
      %select_n3A_492 = arith.select %gt3A_483, %broadcast_in_dim3A_490, %broadcast_in_dim3A_491 : vector<16xi1>, vector<16xf32>
      %add3A_493 = arith.addf %while3A_479, %select_n3A_492 : vector<16xf32>
      scf.yield %add3A_487, %add3A_493 : vector<16xf32>, vector<16xf32>
    }
    %while3A_324 = arith.constant 1 : i32
    %while3A_325:2 = scf.for %while3A_477 = %while3A_321 to %while3A_317 step %while3A_324 iter_args(%while3A_478 = %while3A_323#0, %while3A_479 = %while3A_323#1) -> (vector<16xf32>, vector<16xf32>)  : i32 {
      %mul3A_480 = arith.constant 16 : i32
      %mul3A_481 = arith.muli %while3A_477, %mul3A_480 : i32
      %get3A = arith.index_cast %mul3A_481 : i32 to index
      %get3A_482 = tpu.vector_load %arg6[%get3A] {strides = array<i32>} : memref<32784xf32, #tpu.memory_space<vmem>>, vector<16xf32>,
      %gt3A = vector.broadcast %scan3A_309#0 : f32 to vector<16xf32>
      %gt3A_483 = arith.cmpf ogt, %get3A_482, %gt3A : vector<16xf32>
      %jit3A_484 = arith.constant 0.000000e+00 : f32
      %broadcast_in_dim3A_485 = vector.broadcast %jit3A_484 : f32 to vector<16xf32>
      %select_n3A_486 = arith.select %gt3A_483, %get3A_482, %broadcast_in_dim3A_485 : vector<16xi1>, vector<16xf32>
      %add3A_487 = arith.addf %while3A_478, %select_n3A_486 : vector<16xf32>
      %jit3A_488 = arith.constant 1.000000e+00 : f32
      %jit3A_489 = arith.constant 0.000000e+00 : f32
      %broadcast_in_dim3A_490 = vector.broadcast %jit3A_488 : f32 to vector<16xf32>
      %broadcast_in_dim3A_491 = vector.broadcast %jit3A_489 : f32 to vector<16xf32>
      %select_n3A_492 = arith.select %gt3A_483, %broadcast_in_dim3A_490, %broadcast_in_dim3A_491 : vector<16xi1>, vector<16xf32>
      %add3A_493 = arith.addf %while3A_479, %select_n3A_492 : vector<16xf32>
      scf.yield %add3A_487, %add3A_493 : vector<16xf32>, vector<16xf32>
    }
    %reduce_sum3A_326 = arith.constant true
    %reduce_sum3A_327 = vector.broadcast %reduce_sum3A_326 : i1 to vector<16xi1>
    %reduce_sum3A_328 = tpu.scan <sum>, %while3A_325#0 masked %reduce_sum3A_327 : vector<16xf32>, vector<16xi1> -> vector<16xf32>
    %reduce_sum3A_329 = vector.extract %reduce_sum3A_328[15] : f32 from vector<16xf32>
    %sub3A_330 = arith.constant 1.000000e+00 : f32
    %sub3A_331 = arith.subf %reduce_sum3A_329, %sub3A_330 : f32
    %broadcast_in_dim3A_332 = vector.broadcast %sub3A_331 : f32 to vector<16xf32>
    %reduce_sum3A_333 = arith.constant true
    %reduce_sum3A_334 = vector.broadcast %reduce_sum3A_333 : i1 to vector<16xi1>
    %reduce_sum3A_335 = tpu.scan <sum>, %while3A_325#1 masked %reduce_sum3A_334 : vector<16xf32>, vector<16xi1> -> vector<16xf32>
    %reduce_sum3A_336 = vector.extract %reduce_sum3A_335[15] : f32 from vector<16xf32>
    %max3A_337 = arith.constant 1.000000e+00 : f32
    %max3A_338 = arith.maximumf %reduce_sum3A_336, %max3A_337 : f32
    %broadcast_in_dim3A_339 = vector.broadcast %max3A_338 : f32 to vector<16xf32>
    %div3A_340 = arith.divf %broadcast_in_dim3A_332, %broadcast_in_dim3A_339 : vector<16xf32>
    %reduce_max3A_341 = arith.constant true
    %reduce_max3A_342 = vector.broadcast %reduce_max3A_341 : i1 to vector<16xi1>
    %reduce_max3A_343 = tpu.scan <max>, %div3A_340 masked %reduce_max3A_342 : vector<16xf32>, vector<16xi1> -> vector<16xf32>
    %reduce_max3A_344 = vector.extract %reduce_max3A_343[15] : f32 from vector<16xf32>
    %parallel_loop3A_345 = arith.constant 0 : i32
    %parallel_loop3A_346 = arith.constant 8192 : i32
    %parallel_loop3A_347 = arith.constant 16 : i32
    "tpu.trace_start"() <{level = 10 : i32, message = "p5_out"}> : () -> ()
    scf.for %parallel_loop3A_477 = %parallel_loop3A_345 to %parallel_loop3A_346 step %parallel_loop3A_347  : i32 {
      %parallel_loop3A_478 = arith.index_cast %parallel_loop3A_477 : i32 to index
      %parallel_loop3A_479 = tpu.vector_load %arg5[%parallel_loop3A_478] {strides = array<i32>} : memref<32768xf32, #tpu.memory_space<vmem>>, vector<16xf32>,
      %parallel_loop3A_480 = vector.broadcast %reduce_max3A_344 : f32 to vector<16xf32>
      %parallel_loop3A_481 = arith.subf %parallel_loop3A_479, %parallel_loop3A_480 : vector<16xf32>
      %parallel_loop3A_482 = arith.constant 0.000000e+00 : f32
      %parallel_loop3A_483 = vector.broadcast %parallel_loop3A_482 : f32 to vector<16xf32>
      %parallel_loop3A_484 = arith.maximumf %parallel_loop3A_481, %parallel_loop3A_483 : vector<16xf32>
      %parallel_loop3A_485 = arith.index_cast %parallel_loop3A_477 : i32 to index
      %parallel_loop3A_486 = tpu.vector_load %arg5[%parallel_loop3A_485] {strides = array<i32>} : memref<32768xf32, #tpu.memory_space<vmem>>, vector<16xf32>,
      tpu.vector_store %arg5[%parallel_loop3A_485], %parallel_loop3A_484 {strides = array<i32>} : memref<32768xf32, #tpu.memory_space<vmem>>, vector<16xf32>,
    } {sc.loop_unroll_factor = 8 : i64, sc.parallel_access}
    %dma_start3A_348 = arith.constant 0 : i32
    %dma_start3A_349 = tpu.memref_slice %arg5[%dma_start3A_348] : memref<32768xf32, #tpu.memory_space<vmem>> -> memref<8192xf32, #tpu.memory_space<vmem>>
    %dma_start3A_350 = arith.constant 0 : i32
    %dma_start3A_351 = tpu.memref_slice %arg3[%add3A_4, %dma_start3A_350] : memref<64x32768xf32, #tpu.memory_space<hbm>> -> memref<1x8192xf32, #tpu.memory_space<hbm>>
    %dma_start3A_352 = tpu.memref_squeeze %dma_start3A_351 : memref<1x8192xf32, #tpu.memory_space<hbm>> -> memref<8192xf32, #tpu.memory_space<hbm>>
    %dma_start3A_353 = arith.constant 0 : i32
    %dma_start3A_354 = tpu.memref_slice %arg3[%add3A_4, %dma_start3A_353] : memref<64x32768xf32, #tpu.memory_space<hbm>> -> memref<1x8192xf32, #tpu.memory_space<hbm>>
    %dma_start3A_355 = tpu.memref_squeeze %dma_start3A_354 : memref<1x8192xf32, #tpu.memory_space<hbm>> -> memref<8192xf32, #tpu.memory_space<hbm>>
    %dma_start3A_356 = arith.constant 0 : i32
    %dma_start3A_357 = tpu.memref_slice %arg5[%dma_start3A_356] : memref<32768xf32, #tpu.memory_space<vmem>> -> memref<8192xf32, #tpu.memory_space<vmem>>
    tpu.enqueue_dma source(%dma_start3A_357 : memref<8192xf32, #tpu.memory_space<vmem>>) target(%dma_start3A_355 : memref<8192xf32, #tpu.memory_space<hbm>>) target_semaphore(%arg12 : memref<!tpu.dma_semaphore, #tpu.memory_space<semaphore_mem>>)
    %parallel_loop3A_358 = arith.constant 8192 : i32
    %parallel_loop3A_359 = arith.constant 16384 : i32
    %parallel_loop3A_360 = arith.constant 16 : i32
    scf.for %parallel_loop3A_477 = %parallel_loop3A_358 to %parallel_loop3A_359 step %parallel_loop3A_360  : i32 {
      %parallel_loop3A_478 = arith.index_cast %parallel_loop3A_477 : i32 to index
      %parallel_loop3A_479 = tpu.vector_load %arg5[%parallel_loop3A_478] {strides = array<i32>} : memref<32768xf32, #tpu.memory_space<vmem>>, vector<16xf32>,
      %parallel_loop3A_480 = vector.broadcast %reduce_max3A_344 : f32 to vector<16xf32>
      %parallel_loop3A_481 = arith.subf %parallel_loop3A_479, %parallel_loop3A_480 : vector<16xf32>
      %parallel_loop3A_482 = arith.constant 0.000000e+00 : f32
      %parallel_loop3A_483 = vector.broadcast %parallel_loop3A_482 : f32 to vector<16xf32>
      %parallel_loop3A_484 = arith.maximumf %parallel_loop3A_481, %parallel_loop3A_483 : vector<16xf32>
      %parallel_loop3A_485 = arith.index_cast %parallel_loop3A_477 : i32 to index
      %parallel_loop3A_486 = tpu.vector_load %arg5[%parallel_loop3A_485] {strides = array<i32>} : memref<32768xf32, #tpu.memory_space<vmem>>, vector<16xf32>,
      tpu.vector_store %arg5[%parallel_loop3A_485], %parallel_loop3A_484 {strides = array<i32>} : memref<32768xf32, #tpu.memory_space<vmem>>, vector<16xf32>,
    } {sc.loop_unroll_factor = 8 : i64, sc.parallel_access}
    %dma_start3A_361 = arith.constant 8192 : i32
    %dma_start3A_362 = tpu.memref_slice %arg5[%dma_start3A_361] : memref<32768xf32, #tpu.memory_space<vmem>> -> memref<8192xf32, #tpu.memory_space<vmem>>
    %dma_start3A_363 = arith.constant 8192 : i32
    %dma_start3A_364 = tpu.memref_slice %arg3[%add3A_4, %dma_start3A_363] : memref<64x32768xf32, #tpu.memory_space<hbm>> -> memref<1x8192xf32, #tpu.memory_space<hbm>>
    %dma_start3A_365 = tpu.memref_squeeze %dma_start3A_364 : memref<1x8192xf32, #tpu.memory_space<hbm>> -> memref<8192xf32, #tpu.memory_space<hbm>>
    %dma_start3A_366 = arith.constant 8192 : i32
    %dma_start3A_367 = tpu.memref_slice %arg3[%add3A_4, %dma_start3A_366] : memref<64x32768xf32, #tpu.memory_space<hbm>> -> memref<1x8192xf32, #tpu.memory_space<hbm>>
    %dma_start3A_368 = tpu.memref_squeeze %dma_start3A_367 : memref<1x8192xf32, #tpu.memory_space<hbm>> -> memref<8192xf32, #tpu.memory_space<hbm>>
    %dma_start3A_369 = arith.constant 8192 : i32
    %dma_start3A_370 = tpu.memref_slice %arg5[%dma_start3A_369] : memref<32768xf32, #tpu.memory_space<vmem>> -> memref<8192xf32, #tpu.memory_space<vmem>>
    tpu.enqueue_dma source(%dma_start3A_370 : memref<8192xf32, #tpu.memory_space<vmem>>) target(%dma_start3A_368 : memref<8192xf32, #tpu.memory_space<hbm>>) target_semaphore(%arg12 : memref<!tpu.dma_semaphore, #tpu.memory_space<semaphore_mem>>)
    %parallel_loop3A_371 = arith.constant 16384 : i32
    %parallel_loop3A_372 = arith.constant 24576 : i32
    %parallel_loop3A_373 = arith.constant 16 : i32
    scf.for %parallel_loop3A_477 = %parallel_loop3A_371 to %parallel_loop3A_372 step %parallel_loop3A_373  : i32 {
      %parallel_loop3A_478 = arith.index_cast %parallel_loop3A_477 : i32 to index
      %parallel_loop3A_479 = tpu.vector_load %arg5[%parallel_loop3A_478] {strides = array<i32>} : memref<32768xf32, #tpu.memory_space<vmem>>, vector<16xf32>,
      %parallel_loop3A_480 = vector.broadcast %reduce_max3A_344 : f32 to vector<16xf32>
      %parallel_loop3A_481 = arith.subf %parallel_loop3A_479, %parallel_loop3A_480 : vector<16xf32>
      %parallel_loop3A_482 = arith.constant 0.000000e+00 : f32
      %parallel_loop3A_483 = vector.broadcast %parallel_loop3A_482 : f32 to vector<16xf32>
      %parallel_loop3A_484 = arith.maximumf %parallel_loop3A_481, %parallel_loop3A_483 : vector<16xf32>
      %parallel_loop3A_485 = arith.index_cast %parallel_loop3A_477 : i32 to index
      %parallel_loop3A_486 = tpu.vector_load %arg5[%parallel_loop3A_485] {strides = array<i32>} : memref<32768xf32, #tpu.memory_space<vmem>>, vector<16xf32>,
      tpu.vector_store %arg5[%parallel_loop3A_485], %parallel_loop3A_484 {strides = array<i32>} : memref<32768xf32, #tpu.memory_space<vmem>>, vector<16xf32>,
    } {sc.loop_unroll_factor = 8 : i64, sc.parallel_access}
    %dma_start3A_374 = arith.constant 16384 : i32
    %dma_start3A_375 = tpu.memref_slice %arg5[%dma_start3A_374] : memref<32768xf32, #tpu.memory_space<vmem>> -> memref<8192xf32, #tpu.memory_space<vmem>>
    %dma_start3A_376 = arith.constant 16384 : i32
    %dma_start3A_377 = tpu.memref_slice %arg3[%add3A_4, %dma_start3A_376] : memref<64x32768xf32, #tpu.memory_space<hbm>> -> memref<1x8192xf32, #tpu.memory_space<hbm>>
    %dma_start3A_378 = tpu.memref_squeeze %dma_start3A_377 : memref<1x8192xf32, #tpu.memory_space<hbm>> -> memref<8192xf32, #tpu.memory_space<hbm>>
    %dma_start3A_379 = arith.constant 16384 : i32
    %dma_start3A_380 = tpu.memref_slice %arg3[%add3A_4, %dma_start3A_379] : memref<64x32768xf32, #tpu.memory_space<hbm>> -> memref<1x8192xf32, #tpu.memory_space<hbm>>
    %dma_start3A_381 = tpu.memref_squeeze %dma_start3A_380 : memref<1x8192xf32, #tpu.memory_space<hbm>> -> memref<8192xf32, #tpu.memory_space<hbm>>
    %dma_start3A_382 = arith.constant 16384 : i32
    %dma_start3A_383 = tpu.memref_slice %arg5[%dma_start3A_382] : memref<32768xf32, #tpu.memory_space<vmem>> -> memref<8192xf32, #tpu.memory_space<vmem>>
    tpu.enqueue_dma source(%dma_start3A_383 : memref<8192xf32, #tpu.memory_space<vmem>>) target(%dma_start3A_381 : memref<8192xf32, #tpu.memory_space<hbm>>) target_semaphore(%arg12 : memref<!tpu.dma_semaphore, #tpu.memory_space<semaphore_mem>>)
    %parallel_loop3A_384 = arith.constant 24576 : i32
    %parallel_loop3A_385 = arith.constant 32768 : i32
    %parallel_loop3A_386 = arith.constant 16 : i32
    scf.for %parallel_loop3A_477 = %parallel_loop3A_384 to %parallel_loop3A_385 step %parallel_loop3A_386  : i32 {
      %parallel_loop3A_478 = arith.index_cast %parallel_loop3A_477 : i32 to index
      %parallel_loop3A_479 = tpu.vector_load %arg5[%parallel_loop3A_478] {strides = array<i32>} : memref<32768xf32, #tpu.memory_space<vmem>>, vector<16xf32>,
      %parallel_loop3A_480 = vector.broadcast %reduce_max3A_344 : f32 to vector<16xf32>
      %parallel_loop3A_481 = arith.subf %parallel_loop3A_479, %parallel_loop3A_480 : vector<16xf32>
      %parallel_loop3A_482 = arith.constant 0.000000e+00 : f32
      %parallel_loop3A_483 = vector.broadcast %parallel_loop3A_482 : f32 to vector<16xf32>
      %parallel_loop3A_484 = arith.maximumf %parallel_loop3A_481, %parallel_loop3A_483 : vector<16xf32>
      %parallel_loop3A_485 = arith.index_cast %parallel_loop3A_477 : i32 to index
      %parallel_loop3A_486 = tpu.vector_load %arg5[%parallel_loop3A_485] {strides = array<i32>} : memref<32768xf32, #tpu.memory_space<vmem>>, vector<16xf32>,
      tpu.vector_store %arg5[%parallel_loop3A_485], %parallel_loop3A_484 {strides = array<i32>} : memref<32768xf32, #tpu.memory_space<vmem>>, vector<16xf32>,
    } {sc.loop_unroll_factor = 8 : i64, sc.parallel_access}
    %dma_start3A_387 = arith.constant 24576 : i32
    %dma_start3A_388 = tpu.memref_slice %arg5[%dma_start3A_387] : memref<32768xf32, #tpu.memory_space<vmem>> -> memref<8192xf32, #tpu.memory_space<vmem>>
    %dma_start3A_389 = arith.constant 24576 : i32
    %dma_start3A_390 = tpu.memref_slice %arg3[%add3A_4, %dma_start3A_389] : memref<64x32768xf32, #tpu.memory_space<hbm>> -> memref<1x8192xf32, #tpu.memory_space<hbm>>
    %dma_start3A_391 = tpu.memref_squeeze %dma_start3A_390 : memref<1x8192xf32, #tpu.memory_space<hbm>> -> memref<8192xf32, #tpu.memory_space<hbm>>
    %dma_start3A_392 = arith.constant 24576 : i32
    %dma_start3A_393 = tpu.memref_slice %arg3[%add3A_4, %dma_start3A_392] : memref<64x32768xf32, #tpu.memory_space<hbm>> -> memref<1x8192xf32, #tpu.memory_space<hbm>>
    %dma_start3A_394 = tpu.memref_squeeze %dma_start3A_393 : memref<1x8192xf32, #tpu.memory_space<hbm>> -> memref<8192xf32, #tpu.memory_space<hbm>>
    %dma_start3A_395 = arith.constant 24576 : i32
    %dma_start3A_396 = tpu.memref_slice %arg5[%dma_start3A_395] : memref<32768xf32, #tpu.memory_space<vmem>> -> memref<8192xf32, #tpu.memory_space<vmem>>
    tpu.enqueue_dma source(%dma_start3A_396 : memref<8192xf32, #tpu.memory_space<vmem>>) target(%dma_start3A_394 : memref<8192xf32, #tpu.memory_space<hbm>>) target_semaphore(%arg12 : memref<!tpu.dma_semaphore, #tpu.memory_space<semaphore_mem>>)
    "tpu.trace_stop"() : () -> ()
    %dma_wait3A_397 = arith.constant 0 : i32
    %dma_wait3A_398 = tpu.memref_slice %arg4[%dma_wait3A_397] : memref<32768xf32, #tpu.memory_space<vmem>> -> memref<8192xf32, #tpu.memory_space<vmem>>
    %dma_wait3A_399 = arith.constant 0 : i32
    %dma_wait3A_400 = tpu.memref_slice %arg3[%mul3A_2, %dma_wait3A_399] : memref<64x32768xf32, #tpu.memory_space<hbm>> -> memref<1x8192xf32, #tpu.memory_space<hbm>>
    %dma_wait3A_401 = tpu.memref_squeeze %dma_wait3A_400 : memref<1x8192xf32, #tpu.memory_space<hbm>> -> memref<8192xf32, #tpu.memory_space<hbm>>
    %dma_wait3A_402 = arith.constant 0 : i32
    %dma_wait3A_403 = tpu.memref_slice %arg3[%mul3A_2, %dma_wait3A_402] : memref<64x32768xf32, #tpu.memory_space<hbm>> -> memref<1x8192xf32, #tpu.memory_space<hbm>>
    %dma_wait3A_404 = tpu.memref_squeeze %dma_wait3A_403 : memref<1x8192xf32, #tpu.memory_space<hbm>> -> memref<8192xf32, #tpu.memory_space<hbm>>
    %dma_wait3A_405 = arith.constant 0 : i32
    %dma_wait3A_406 = tpu.memref_slice %arg4[%dma_wait3A_405] : memref<32768xf32, #tpu.memory_space<vmem>> -> memref<8192xf32, #tpu.memory_space<vmem>>
    tpu.wait_dma2 semaphore(%arg11 : memref<!tpu.dma_semaphore, #tpu.memory_space<semaphore_mem>>) src(%dma_wait3A_406 : memref<8192xf32, #tpu.memory_space<vmem>>) dst(%dma_wait3A_404 : memref<8192xf32, #tpu.memory_space<hbm>>)
    %dma_wait3A_407 = arith.constant 8192 : i32
    %dma_wait3A_408 = tpu.memref_slice %arg4[%dma_wait3A_407] : memref<32768xf32, #tpu.memory_space<vmem>> -> memref<8192xf32, #tpu.memory_space<vmem>>
    %dma_wait3A_409 = arith.constant 8192 : i32
    %dma_wait3A_410 = tpu.memref_slice %arg3[%mul3A_2, %dma_wait3A_409] : memref<64x32768xf32, #tpu.memory_space<hbm>> -> memref<1x8192xf32, #tpu.memory_space<hbm>>
    %dma_wait3A_411 = tpu.memref_squeeze %dma_wait3A_410 : memref<1x8192xf32, #tpu.memory_space<hbm>> -> memref<8192xf32, #tpu.memory_space<hbm>>
    %dma_wait3A_412 = arith.constant 8192 : i32
    %dma_wait3A_413 = tpu.memref_slice %arg3[%mul3A_2, %dma_wait3A_412] : memref<64x32768xf32, #tpu.memory_space<hbm>> -> memref<1x8192xf32, #tpu.memory_space<hbm>>
    %dma_wait3A_414 = tpu.memref_squeeze %dma_wait3A_413 : memref<1x8192xf32, #tpu.memory_space<hbm>> -> memref<8192xf32, #tpu.memory_space<hbm>>
    %dma_wait3A_415 = arith.constant 8192 : i32
    %dma_wait3A_416 = tpu.memref_slice %arg4[%dma_wait3A_415] : memref<32768xf32, #tpu.memory_space<vmem>> -> memref<8192xf32, #tpu.memory_space<vmem>>
    tpu.wait_dma2 semaphore(%arg11 : memref<!tpu.dma_semaphore, #tpu.memory_space<semaphore_mem>>) src(%dma_wait3A_416 : memref<8192xf32, #tpu.memory_space<vmem>>) dst(%dma_wait3A_414 : memref<8192xf32, #tpu.memory_space<hbm>>)
    %dma_wait3A_417 = arith.constant 16384 : i32
    %dma_wait3A_418 = tpu.memref_slice %arg4[%dma_wait3A_417] : memref<32768xf32, #tpu.memory_space<vmem>> -> memref<8192xf32, #tpu.memory_space<vmem>>
    %dma_wait3A_419 = arith.constant 16384 : i32
    %dma_wait3A_420 = tpu.memref_slice %arg3[%mul3A_2, %dma_wait3A_419] : memref<64x32768xf32, #tpu.memory_space<hbm>> -> memref<1x8192xf32, #tpu.memory_space<hbm>>
    %dma_wait3A_421 = tpu.memref_squeeze %dma_wait3A_420 : memref<1x8192xf32, #tpu.memory_space<hbm>> -> memref<8192xf32, #tpu.memory_space<hbm>>
    %dma_wait3A_422 = arith.constant 16384 : i32
    %dma_wait3A_423 = tpu.memref_slice %arg3[%mul3A_2, %dma_wait3A_422] : memref<64x32768xf32, #tpu.memory_space<hbm>> -> memref<1x8192xf32, #tpu.memory_space<hbm>>
    %dma_wait3A_424 = tpu.memref_squeeze %dma_wait3A_423 : memref<1x8192xf32, #tpu.memory_space<hbm>> -> memref<8192xf32, #tpu.memory_space<hbm>>
    %dma_wait3A_425 = arith.constant 16384 : i32
    %dma_wait3A_426 = tpu.memref_slice %arg4[%dma_wait3A_425] : memref<32768xf32, #tpu.memory_space<vmem>> -> memref<8192xf32, #tpu.memory_space<vmem>>
    tpu.wait_dma2 semaphore(%arg11 : memref<!tpu.dma_semaphore, #tpu.memory_space<semaphore_mem>>) src(%dma_wait3A_426 : memref<8192xf32, #tpu.memory_space<vmem>>) dst(%dma_wait3A_424 : memref<8192xf32, #tpu.memory_space<hbm>>)
    %dma_wait3A_427 = arith.constant 24576 : i32
    %dma_wait3A_428 = tpu.memref_slice %arg4[%dma_wait3A_427] : memref<32768xf32, #tpu.memory_space<vmem>> -> memref<8192xf32, #tpu.memory_space<vmem>>
    %dma_wait3A_429 = arith.constant 24576 : i32
    %dma_wait3A_430 = tpu.memref_slice %arg3[%mul3A_2, %dma_wait3A_429] : memref<64x32768xf32, #tpu.memory_space<hbm>> -> memref<1x8192xf32, #tpu.memory_space<hbm>>
    %dma_wait3A_431 = tpu.memref_squeeze %dma_wait3A_430 : memref<1x8192xf32, #tpu.memory_space<hbm>> -> memref<8192xf32, #tpu.memory_space<hbm>>
    %dma_wait3A_432 = arith.constant 24576 : i32
    %dma_wait3A_433 = tpu.memref_slice %arg3[%mul3A_2, %dma_wait3A_432] : memref<64x32768xf32, #tpu.memory_space<hbm>> -> memref<1x8192xf32, #tpu.memory_space<hbm>>
    %dma_wait3A_434 = tpu.memref_squeeze %dma_wait3A_433 : memref<1x8192xf32, #tpu.memory_space<hbm>> -> memref<8192xf32, #tpu.memory_space<hbm>>
    %dma_wait3A_435 = arith.constant 24576 : i32
    %dma_wait3A_436 = tpu.memref_slice %arg4[%dma_wait3A_435] : memref<32768xf32, #tpu.memory_space<vmem>> -> memref<8192xf32, #tpu.memory_space<vmem>>
    tpu.wait_dma2 semaphore(%arg11 : memref<!tpu.dma_semaphore, #tpu.memory_space<semaphore_mem>>) src(%dma_wait3A_436 : memref<8192xf32, #tpu.memory_space<vmem>>) dst(%dma_wait3A_434 : memref<8192xf32, #tpu.memory_space<hbm>>)
    %dma_wait3A_437 = arith.constant 0 : i32
    %dma_wait3A_438 = tpu.memref_slice %arg5[%dma_wait3A_437] : memref<32768xf32, #tpu.memory_space<vmem>> -> memref<8192xf32, #tpu.memory_space<vmem>>
    %dma_wait3A_439 = arith.constant 0 : i32
    %dma_wait3A_440 = tpu.memref_slice %arg3[%add3A_4, %dma_wait3A_439] : memref<64x32768xf32, #tpu.memory_space<hbm>> -> memref<1x8192xf32, #tpu.memory_space<hbm>>
    %dma_wait3A_441 = tpu.memref_squeeze %dma_wait3A_440 : memref<1x8192xf32, #tpu.memory_space<hbm>> -> memref<8192xf32, #tpu.memory_space<hbm>>
    %dma_wait3A_442 = arith.constant 0 : i32
    %dma_wait3A_443 = tpu.memref_slice %arg3[%add3A_4, %dma_wait3A_442] : memref<64x32768xf32, #tpu.memory_space<hbm>> -> memref<1x8192xf32, #tpu.memory_space<hbm>>
    %dma_wait3A_444 = tpu.memref_squeeze %dma_wait3A_443 : memref<1x8192xf32, #tpu.memory_space<hbm>> -> memref<8192xf32, #tpu.memory_space<hbm>>
    %dma_wait3A_445 = arith.constant 0 : i32
    %dma_wait3A_446 = tpu.memref_slice %arg5[%dma_wait3A_445] : memref<32768xf32, #tpu.memory_space<vmem>> -> memref<8192xf32, #tpu.memory_space<vmem>>
    tpu.wait_dma2 semaphore(%arg12 : memref<!tpu.dma_semaphore, #tpu.memory_space<semaphore_mem>>) src(%dma_wait3A_446 : memref<8192xf32, #tpu.memory_space<vmem>>) dst(%dma_wait3A_444 : memref<8192xf32, #tpu.memory_space<hbm>>)
    %dma_wait3A_447 = arith.constant 8192 : i32
    %dma_wait3A_448 = tpu.memref_slice %arg5[%dma_wait3A_447] : memref<32768xf32, #tpu.memory_space<vmem>> -> memref<8192xf32, #tpu.memory_space<vmem>>
    %dma_wait3A_449 = arith.constant 8192 : i32
    %dma_wait3A_450 = tpu.memref_slice %arg3[%add3A_4, %dma_wait3A_449] : memref<64x32768xf32, #tpu.memory_space<hbm>> -> memref<1x8192xf32, #tpu.memory_space<hbm>>
    %dma_wait3A_451 = tpu.memref_squeeze %dma_wait3A_450 : memref<1x8192xf32, #tpu.memory_space<hbm>> -> memref<8192xf32, #tpu.memory_space<hbm>>
    %dma_wait3A_452 = arith.constant 8192 : i32
    %dma_wait3A_453 = tpu.memref_slice %arg3[%add3A_4, %dma_wait3A_452] : memref<64x32768xf32, #tpu.memory_space<hbm>> -> memref<1x8192xf32, #tpu.memory_space<hbm>>
    %dma_wait3A_454 = tpu.memref_squeeze %dma_wait3A_453 : memref<1x8192xf32, #tpu.memory_space<hbm>> -> memref<8192xf32, #tpu.memory_space<hbm>>
    %dma_wait3A_455 = arith.constant 8192 : i32
    %dma_wait3A_456 = tpu.memref_slice %arg5[%dma_wait3A_455] : memref<32768xf32, #tpu.memory_space<vmem>> -> memref<8192xf32, #tpu.memory_space<vmem>>
    tpu.wait_dma2 semaphore(%arg12 : memref<!tpu.dma_semaphore, #tpu.memory_space<semaphore_mem>>) src(%dma_wait3A_456 : memref<8192xf32, #tpu.memory_space<vmem>>) dst(%dma_wait3A_454 : memref<8192xf32, #tpu.memory_space<hbm>>)
    %dma_wait3A_457 = arith.constant 16384 : i32
    %dma_wait3A_458 = tpu.memref_slice %arg5[%dma_wait3A_457] : memref<32768xf32, #tpu.memory_space<vmem>> -> memref<8192xf32, #tpu.memory_space<vmem>>
    %dma_wait3A_459 = arith.constant 16384 : i32
    %dma_wait3A_460 = tpu.memref_slice %arg3[%add3A_4, %dma_wait3A_459] : memref<64x32768xf32, #tpu.memory_space<hbm>> -> memref<1x8192xf32, #tpu.memory_space<hbm>>
    %dma_wait3A_461 = tpu.memref_squeeze %dma_wait3A_460 : memref<1x8192xf32, #tpu.memory_space<hbm>> -> memref<8192xf32, #tpu.memory_space<hbm>>
    %dma_wait3A_462 = arith.constant 16384 : i32
    %dma_wait3A_463 = tpu.memref_slice %arg3[%add3A_4, %dma_wait3A_462] : memref<64x32768xf32, #tpu.memory_space<hbm>> -> memref<1x8192xf32, #tpu.memory_space<hbm>>
    %dma_wait3A_464 = tpu.memref_squeeze %dma_wait3A_463 : memref<1x8192xf32, #tpu.memory_space<hbm>> -> memref<8192xf32, #tpu.memory_space<hbm>>
    %dma_wait3A_465 = arith.constant 16384 : i32
    %dma_wait3A_466 = tpu.memref_slice %arg5[%dma_wait3A_465] : memref<32768xf32, #tpu.memory_space<vmem>> -> memref<8192xf32, #tpu.memory_space<vmem>>
    tpu.wait_dma2 semaphore(%arg12 : memref<!tpu.dma_semaphore, #tpu.memory_space<semaphore_mem>>) src(%dma_wait3A_466 : memref<8192xf32, #tpu.memory_space<vmem>>) dst(%dma_wait3A_464 : memref<8192xf32, #tpu.memory_space<hbm>>)
    %dma_wait3A_467 = arith.constant 24576 : i32
    %dma_wait3A_468 = tpu.memref_slice %arg5[%dma_wait3A_467] : memref<32768xf32, #tpu.memory_space<vmem>> -> memref<8192xf32, #tpu.memory_space<vmem>>
    %dma_wait3A_469 = arith.constant 24576 : i32
    %dma_wait3A_470 = tpu.memref_slice %arg3[%add3A_4, %dma_wait3A_469] : memref<64x32768xf32, #tpu.memory_space<hbm>> -> memref<1x8192xf32, #tpu.memory_space<hbm>>
    %dma_wait3A_471 = tpu.memref_squeeze %dma_wait3A_470 : memref<1x8192xf32, #tpu.memory_space<hbm>> -> memref<8192xf32, #tpu.memory_space<hbm>>
    %dma_wait3A_472 = arith.constant 24576 : i32
    %dma_wait3A_473 = tpu.memref_slice %arg3[%add3A_4, %dma_wait3A_472] : memref<64x32768xf32, #tpu.memory_space<hbm>> -> memref<1x8192xf32, #tpu.memory_space<hbm>>
    %dma_wait3A_474 = tpu.memref_squeeze %dma_wait3A_473 : memref<1x8192xf32, #tpu.memory_space<hbm>> -> memref<8192xf32, #tpu.memory_space<hbm>>
    %dma_wait3A_475 = arith.constant 24576 : i32
    %dma_wait3A_476 = tpu.memref_slice %arg5[%dma_wait3A_475] : memref<32768xf32, #tpu.memory_space<vmem>> -> memref<8192xf32, #tpu.memory_space<vmem>>
    tpu.wait_dma2 semaphore(%arg12 : memref<!tpu.dma_semaphore, #tpu.memory_space<semaphore_mem>>) src(%dma_wait3A_476 : memref<8192xf32, #tpu.memory_space<vmem>>) dst(%dma_wait3A_474 : memref<8192xf32, #tpu.memory_space<hbm>>)
    return
  }
}

</mosaic_0001>

<sc_bundles>
// kernel: kernel.3.cloned.1.call-start
scs
__scs_entry_jumppad:
0x0: {  	(pc) =	sbr.rel $0x88, $3  }
0x1: {  	(tag) =	ssettag $0x0;
	lr =	simm.s32 $0x1  }
0x2: {  	[smem:$0x3FA0] =	sst lr;
	_ =	strace $0xD0000000  }
0x3: {  	_ = 	snop  }
0x4: {  	_ = 	snop  }
0x5: {  	_ = 	snop  }
0x6: {  	_ = 	snop  }
0x7: {  	_ = 	snop  }
__scs_overlays_trampoline_lowered:
0x8: {  	[smem:$0x3FAF] =	sst s0  }
0x9: {  	[smem:$0x3FB0] =	sst s1  }
0xa: {  	[smem:$0x3FB1] =	sst s2  }
0xb: {  	[smem:$0x3FB2] =	sst s3  }
0xc: {  	[smem:$0x3FB3] =	sst s4  }
0xd: {  	[smem:$0x3FB4] =	sst s5  }
0xe: {  	[smem:$0x3FB5] =	sst s6  }
0xf: {  	[smem:$0x3FB6] =	sst s7  }
0x10: {  	[smem:$0x3FB7] =	sst s8  }
0x11: {  	[smem:$0x3FB8] =	sst s9;
	s0 =	simm.s32 @!p0 $0x0  }
0x12: {  	s1 =	sld [smem:$0x3F9E];
	s0 =	simm.s32 @p0 $0x1  }
0x13: {  	[smem:$0x3FB9] =	sst s0;
	s0 =	simm.s32 @!p1 $0x0  }
0x14: {  	s2 =	sld [smem:$0x3F9D];
	s0 =	simm.s32 @p1 $0x1  }
0x15: {  	[smem:$0x3FBA] =	sst s0;
	s0 =	simm.s32 @!p2 $0x0  }
0x16: {  	s3 =	sld [smem:$0x3FDB];
	s0 =	simm.s32 @p2 $0x1  }
0x17: {  	s4 =	simm.s32 $0x1BF5;
	[smem:$0x3FBC] =	sst s0  }
0x18: {  	s0 =	sld [smem:$0x3F9F];
	_ =	swait.ge [sflag:s4], $0x0  }
0x19: {  	s7 =	sld [smem:$0x3FA0]  }
0x1a: {  	s8 =	sadd.s32 $0xFFFFE003, lr  }
0x1b: {  	s9 =	sadd.s32 $0xFFFFFEF7, lr;
	s5 =	simm.s32 $0xFFFFFFFF;
	p2 =	slt.u32 s8, $0xFFFFF086  }
0x1c: {  	p1 =	slt.u32 s9, $0xF7A;
	s5 =	simm.s32 @!p2 $0x0  }
0x1d: {  	s5 =	simm.s32 @p1 $0x1;
	p0 =	seq.s32 s7, s2  }
0x1e: {  	s7 =	smul.u32 @!p0 $0xF7A, s2;
	p2 =	seq.s32 @!p0 s5, $0x0  }
0x1f: {  	s9 =	smul.u32 $0xF7A, s1;
	s8 =	simm.s32 @!p0 $0x1BF5;
	p2 =	por !p2, p0  }
0x20: {  	[sflag:s8] =	ssyncset.s32 @!p0 $0xFFFFF086;
	s6 =	sadd.s32 @!p0 s3, s7;
	s7 =	simm.s32 @!p0 $0x108  }
0x21: {  	s3 =	sadd.s32 s3, s9;
	s6 =	sadd.s32 @!p0 $0x88, s6;
	s7 =	simm.s32 @p2 $0x1082  }
0x22: {  	[simem:s7], [sflag:s8] =	dma.local @!p0 [hbm:s6], $0xF7A  }
0x23: {  	s9 =	sor.u32 $0xD0000000, s2;
	s6 =	simm.s32 $0x108;
	_ =	swait.ge @!p0 [sflag:s8], $0x0  }
0x24: {  	s3 =	sadd.s32 $0x88, s3;
	s6 =	simm.s32 @!p1 $0x1082;
	[sflag:s4] =	ssyncset.s32 $0xFFFFF086  }
0x25: {  	[simem:s6], [sflag:s4] =	dma.local [hbm:s3], $0xF7A  }
0x26: {  	[smem:$0x3FA0] =	sst s1;
	(tag) =	ssettag s2;
	_ =	strace s9  }
0x27: {  	s1 =	sld [smem:$0x3FB0]  }
0x28: {  	s2 =	sld [smem:$0x3FB1]  }
0x29: {  	s4 =	sld [smem:$0x3FB3]  }
0x2a: {  	p0 =	seq.s32 s5, $0x0;
	s5 =	sld [smem:$0x3FB4]  }
0x2b: {  	s6 =	sld [smem:$0x3FB5]  }
0x2c: {  	s7 =	sld [smem:$0x3FB6]  }
0x2d: {  	s3 =	simm.s32 $0x108;
	s8 =	sld [smem:$0x3FB7]  }
0x2e: {  	s3 =	simm.s32 @!p0 $0x1082;
	s9 =	sld [smem:$0x3FB8]  }
0x2f: {  	lr =	sadd.s32 s0, s3;
	s0 =	sld [smem:$0x3FAF]  }
0x30: {  	s3 =	sld [smem:$0x3FB2]  }
0x31: {  	[smem:$0x3FBB] =	sst s10  }
0x32: {  	s10 =	sld [smem:$0x3FB9];
	_ =	sdelay $0x3  }
0x33: {  	p0 =	seq.s32 s10, $0x1;
	s10 =	sld [smem:$0x3FBB];
	_ =	sdelay $0x3  }
0x34: {  	[smem:$0x3FBB] =	sst s10  }
0x35: {  	s10 =	sld [smem:$0x3FBA];
	_ =	sdelay $0x3  }
0x36: {  	p1 =	seq.s32 s10, $0x1;
	s10 =	sld [smem:$0x3FBB];
	_ =	sdelay $0x3  }
0x37: {  	[smem:$0x3FBB] =	sst s10  }
0x38: {  	s10 =	sld [smem:$0x3FBC]  }
0x39: {  	_ = 	snop;
	(pc) =	sbr.ind lr, $3  }
0x3a: {  	_ = 	snop  }
0x3b: {  	_ = 	snop  }
0x3c: {  	p2 =	seq.s32 s10, $0x1;
	s10 =	sld [smem:$0x3FBB]  }
0x3d: {  	_ =	shalt  }
0x3e: {  	_ =	shalt  }
0x3f: {  	_ =	shalt  }
0x40: {  	_ =	shalt  }
0x41: {  	_ =	shalt  }
0x42: {  	_ =	shalt  }
0x43: {  	_ =	shalt  }
0x44: {  	_ =	shalt  }
0x45: {  	_ =	shalt  }
0x46: {  	_ =	shalt  }
0x47: {  	_ =	shalt  }
0x48: {  	_ =	shalt  }
0x49: {  	_ =	shalt  }
0x4a: {  	_ =	shalt  }
0x4b: {  	_ =	shalt  }
0x4c: {  	_ =	shalt  }
0x4d: {  	_ =	shalt  }
0x4e: {  	_ =	shalt  }
0x4f: {  	_ =	shalt  }
0x50: {  	_ =	shalt  }
0x51: {  	_ =	shalt  }
0x52: {  	_ =	shalt  }
0x53: {  	_ =	shalt  }
0x54: {  	_ =	shalt  }
0x55: {  	_ =	shalt  }
0x56: {  	_ =	shalt  }
0x57: {  	_ =	shalt  }
0x58: {  	_ =	shalt  }
0x59: {  	_ =	shalt  }
0x5a: {  	_ =	shalt  }
0x5b: {  	_ =	shalt  }
0x5c: {  	_ =	shalt  }
0x5d: {  	_ =	shalt  }
0x5e: {  	_ =	shalt  }
0x5f: {  	_ =	shalt  }
0x60: {  	_ =	shalt  }
0x61: {  	_ =	shalt  }
0x62: {  	_ =	shalt  }
0x63: {  	_ =	shalt  }
0x64: {  	_ =	shalt  }
0x65: {  	_ =	shalt  }
0x66: {  	_ =	shalt  }
0x67: {  	_ =	shalt  }
0x68: {  	_ =	shalt  }
0x69: {  	_ =	shalt  }
0x6a: {  	_ =	shalt  }
0x6b: {  	_ =	shalt  }
0x6c: {  	_ =	shalt  }
0x6d: {  	_ =	shalt  }
0x6e: {  	_ =	shalt  }
0x6f: {  	_ =	shalt  }
0x70: {  	_ =	shalt  }
0x71: {  	_ =	shalt  }
0x72: {  	_ =	shalt  }
0x73: {  	_ =	shalt  }
0x74: {  	_ =	shalt  }
0x75: {  	_ =	shalt  }
0x76: {  	_ =	shalt  }
0x77: {  	_ =	shalt  }
0x78: {  	_ =	shalt  }
0x79: {  	_ =	shalt  }
0x7a: {  	_ =	shalt  }
0x7b: {  	_ =	shalt  }
0x7c: {  	_ =	shalt  }
0x7d: {  	_ =	shalt  }
0x7e: {  	_ =	shalt  }
0x7f: {  	_ =	shalt  }
0x80: {  	_ =	shalt  }
0x81: {  	_ =	shalt  }
0x82: {  	_ =	shalt  }
0x83: {  	_ =	shalt  }
0x84: {  	_ =	shalt  }
0x85: {  	_ =	shalt  }
0x86: {  	_ =	shalt  }
0x87: {  	_ =	shalt  }
.Lfunc_end0:
.L_simem_size_0:
called_computation_lowered:
.L_overlay_start_0:
0x88: {  	s2 =	sld [smem:$0x3FD9]  }
0x89: {  	s3 =	sld [smem:$0x3FFE];
	_ =	sdelay $0x1  }
0x8a: {  	s1 =	srdreg.scid  }
0x8b: {  	s0 =	sand.u32 $0x1, s1  }
0x8c: {  	s18 =	sshll.u32 s0, $0xA;
	s2 =	sadd.s32 s3, s2  }
0x8d: {  	s2 =	sadd.s32 s2, s18  }
0x8e: {  	[smem:$0x3FC7] =	sst s2  }
0x8f: {  	_ = 	snop  }
0x90: {  	s2 =	sld [smem:$0x3FC9]  }
0x91: {  	s19 =	sld [smem:$0x3FD0];
	(tm) =	ssettm $0x1  }
0x92: {  	s4 =	sld [smem:$0x3FFB];
	_ =	sdelay $0x3  }
0x93: {  	_ =	strace s4  }
0x94: {  	s4 =	sld [smem:$0x3FFC];
	_ =	sdelay $0x3  }
0x95: {  	_ =	strace s4  }
0x96: {  	s4 =	sld [smem:$0x3FFD];
	_ =	sdelay $0x3  }
0x97: {  	_ =	strace s4  }
0x98: {  	_ =	strace $0x8FFFFFFF  }
0x99: {  	s20 =	sld [smem:$0x3FDB];
	_ =	sdelay $0x1  }
0x9a: {  	s5 =	simm.s32 $_scs_section_size  }
0x9b: {  	s6 =	simm.s32 $_size__tile_overlayer_lowered;
	s7 =	simm.s32 $_tile_overlayer_lowered  }
0x9c: {  	s23 =	simm.s32 $0x1BFF;
	s22 =	sshll.u32 s7, $0x1;
	s4 =	sadd.s32 s5, s20  }
0x9d: {  	s8 =	simm.s32 $0x0;
	s21 =	sshll.u32 s6, $0x1;
	s6 =	sadd.s32 s22, s4  }
0x9e: {  	[timem:s8], [sflag:s23] =	dma.local [hbm:s6], s21  }
0x9f: {  	_ =	swait.ge [sflag:s23], s21  }
0xa0: {  	s5 =	ssub.s32 $0x0, s21;
	[sflag:s23] =	ssyncset.done $0x0  }
0xa1: {  	[sflag:s23] =	ssyncadd.s32 s5;
	_ =	sdelay $0x1  }
0xa2: {  	s24 =	simm.s32 $0x1B8B  }
0xa3: {  	_ =	swait.ge [sflag:s24], $0x1  }
0xa4: {  	[sflag:s24] =	ssyncset.done $0x0  }
0xa5: {  	s25 =	simm.s32 $0x1B8E;
	[sflag:s24] =	ssyncadd.s32 $0xFFFFFFFF  }
0xa6: {  	s26 =	simm.s32 $execute0_lowered;
	[smem:$0x3FD2] =	sst s25  }
0xa7: {  	s5 =	sshll.u32 s26, $0x1;
	_ =	strace $0x80000046;
	[dreg:$0x1] =	wrdreg $0xFFFFFFFF  }
0xa8: {  	s28 =	simm.s32 $_size_execute0_lowered;
	s4 =	sadd.s32 s4, s5;
	[dreg:$0x0] =	wrdreg $0x0  }
0xa9: {  	s5 =	sshll.u32 s28, $0x1;
	[dreg:$0x2] =	wrdreg s4  }
0xaa: {  	[dreg:$0x3] =	wrdreg s5  }
0xab: {  	[dreg:$0x4] =	wrdreg $0xC0  }
0xac: {  	_ =	task [dreg:s8], $0x5FFFF  }
0xad: {  	[dreg:$0x1] =	wrdreg $0xFFFFFFFF  }
0xae: {  	[dreg:$0x0] =	wrdreg $0x60  }
0xaf: {  	[dreg:$0x2] =	wrdreg s2  }
0xb0: {  	[dreg:$0x3] =	wrdreg s19  }
0xb1: {  	[dreg:$0x4] =	wrdreg $0x9  }
0xb2: {  	_ =	task.clear_ibuf [dreg:s8], $0x5FFFF;
	_ =	strace $0x90000046  }
0xb3: {  	s29 =	simm.s32 $0x9;
	_ =	strace $0x80000052  }
0xb4: {  	_ =	swait.ge [sflag:s29], $0x1  }
0xb5: {  	[sflag:s29] =	ssyncadd.s32 $0xFFFFFFFF  }
0xb6: {  	_ =	strace $0x90000052  }
0xb7: {  	_ =	sfence  }
0xb8: {  	s30 =	sld [smem:$0x0];
	_ =	sdelay $0x2  }
0xb9: {  	s31 =	sshll.u32 s1, $0xD;
	s1 =	sshrl.u32 s1, $0x2  }
0xba: {  	s3 =	sand.u32 $0x4000, s31;
	s1 =	sadd.s32 s1, s30  }
0xbb: {  	s0 =	sor.u32 s3, s0;
	s1 =	sshll.u32 s1, $0x11  }
0xbc: {  	s0 =	sor.u32 s1, s0  }
0xbd: {  	s0 =	sadd.s32 $0x8F2B, s0  }
0xbe: {  	[sflag:s0] =	ssyncadd.remote.s32 $0x1  }
0xbf: {  	_ =	sfence.sel $0xFFFF  }
0xc0: {  	[dreg:$0x0] =	wrdreg $0xFFFFFFFF;
	(pc) =	sbr.abs _section_cstart, $3  }
0xc1: {  	[dreg:$0x1] =	wrdreg $0xFFFFFFFF  }
0xc2: {  	_ =	task.clear_ibuf [dreg:s8], $0x2FFFF;
	_ =	strace $0x9FFFFFFF  }
0xc3: {  	(tm) =	ssettm $0x7FFFFFFF  }
tec
execute0_lowered:
.L_overlay_start_1:
0x0: {  	(tag) =	ssettag $0x1  }
0x1: {  	s0 =	srdreg.scid  }
0x2: {  	s1 =	rddreg [dreg:$0x0];
	s3 =	stileid.u32  }
0x3: {  	s2 =	rddreg [dreg:$0x1];
	s22 =	simm.s32 $0x0;
	s17 =	simm.s32 $0x400  }
0x4: {  	s29 =	simm.s32 $0x3;
	s30 =	simm.s32 $0x4;
	s31 =	simm.s32 $0x0  }
0x5: {  	s0 =	sand.u32 $0x1, s0;
	s3 =	sshll.u32 s3, $0x2;
	[smem:$0x7FF] =	sst s22  }
0x6: {  	s22 =	simm.s32 $0x1;
	s4 =	sshll.u32 s0, $0x1;
	s0 =	ssub.s32 $0x2, s0  }
0x7: {  	_ =	strace $0x80000047;
	s3 =	sor.u32 s4, s3;
	s23 =	sshrl.u32 s0, $0x1  }
0x8: {  	s9 =	sshll.u32 s3, $0xF;
	s3 =	sshll.u32 s3, $0x7;
	s0 =	ssub.s32 s0, s23  }
0x9: {  	s23 =	simm.s32 $0x80;
	s5 =	sand.u32 $0x1C0000, s9;
	s6 =	sand.u32 $0x300, s3  }
0xa: {  	s16 =	smax.u32 s0, $0x1;
	s24 =	sor.u32 s6, s5;
	s7 =	sor.u32 s9, s6  }
0xb: {  	s11 =	sor.u32 $0x80, s6;
	s8 =	sshrl.u32 s24, $0x3;
	s7 =	sshrl.u32 s7, $0x3  }
0xc: {  	s26 =	sor.u32 s5, s11;
	s28 =	sor.u32 s9, s11;
	s24 =	simm.s32 $0x2  }
0xd: {  	s25 =	sadd.s32 s1, s8;
	s10 =	sor.u32 $0x2000, s8;
	s12 =	sor.u32 $0x4000, s8  }
0xe: {  	s13 =	sor.u32 $0x6000, s7;
	s14 =	sshrl.u32 s26, $0x3;
	s8 =	sadd.s32 s2, s8  }
0xf: {  	[dreg:$0x3] =	wrdreg s25;
	s4 =	sadd.s32 s1, s10;
	s5 =	sadd.s32 s1, s12  }
0x10: {  	s6 =	sadd.s32 s1, s13;
	s7 =	sadd.s32 s1, s14;
	s9 =	sadd.s32 s2, s10  }
0x11: {  	s10 =	sadd.s32 s2, s12;
	s1 =	sshrl.u32 s28, $0x3;
	s12 =	sadd.s32 s2, s14  }
0x12: {  	s11 =	sadd.s32 s2, s13;
	s1 =	sor.u32 $0x6000, s1;
	s13 =	sadd.s32 $0x2000, s12  }
0x13: {  	v0 =	vimm.f32 $-Inf;
	v1 =	vimm.f32 $0.0e+00;
	s14 =	sadd.s32 $0x4000, s12;
	s15 =	sadd.s32 s2, s1;
	s2 =	simm.s32 $0x8000  }
.LBB2_1:
0x14: {  	s0 =	simm.s32 $0x0;
	s1 =	rddreg [dreg:$0x3]  }
0x15: {  	[tilespmem:s0], [sflag:$0x1] =	stream.strided.gather [hbm4b:s1+s23], $0x2000, s17, s23, $0x38;
	[tilespmem:$0x18080] =	vst v63  }
0x16: {  	s18 =	simm.s32 $0x2000  }
0x17: {  	[tilespmem:s18], [sflag:$0x1] =	stream.strided.gather [hbm4b:s4+s23], $0x2000, s17, s23, $0x38;
	[tilespmem:$0x18080] =	vst v63  }
0x18: {  	s19 =	simm.s32 $0x4000  }
0x19: {  	[tilespmem:s19], [sflag:$0x1] =	stream.strided.gather [hbm4b:s5+s23], $0x2000, s17, s23, $0x38;
	[tilespmem:$0x18080] =	vst v63  }
0x1a: {  	s20 =	simm.s32 $0x6000  }
0x1b: {  	[tilespmem:s20], [sflag:$0x1] =	stream.strided.gather [hbm4b:s6+s23], $0x2000, s17, s23, $0x38;
	[tilespmem:$0x18080] =	vst v63  }
0x1c: {  	_ = 	snop  }
0x1d: {  	[tilespmem:s2], [sflag:$0x2] =	stream.strided.gather [hbm4b:s7+s23], $0x8000, s17, s23, $0x38;
	[tilespmem:$0x18080] =	vst v63  }
0x1e: {  	_ =	strace $0x80000048  }
0x1f: {  	_ =	swait.ge [sflag:s22], $0x2000  }
0x20: {  	[sflag:s22] =	ssyncset.done $0x0  }
0x21: {  	[sflag:s22] =	ssyncadd.s32 $0xFFFFE000  }
0x22: {  	v2 =	vld [tilespmem:s23+$0xFFFFFFF0]  }
0x23: {  	v3 =	vld [tilespmem:s23+$0xFFFFFFE0]  }
0x24: {  	v4 =	vld [tilespmem:s23+$0xFFFFFFD0]  }
0x25: {  	v5 =	vld [tilespmem:s23+$0xFFFFFFC0]  }
0x26: {  	v6 =	vld [tilespmem:s23+$0xFFFFFFB0]  }
0x27: {  	v7 =	vld [tilespmem:s23+$0xFFFFFFA0]  }
0x28: {  	v8 =	vld [tilespmem:s23+$0xFFFFFF80]  }
0x29: {  	v9 =	vld [tilespmem:s23+$0xFFFFFF90]  }
0x2a: {  	v10 =	vld [tilespmem:s23+$0x0]  }
0x2b: {  	v11 =	vld [tilespmem:s23+$0x10]  }
0x2c: {  	v12 =	vld [tilespmem:s23+$0x20]  }
0x2d: {  	v13 =	vld [tilespmem:s23+$0x30]  }
0x2e: {  	v14 =	vld [tilespmem:s23+$0x40]  }
0x2f: {  	v15 =	vld [tilespmem:s23+$0x50]  }
0x30: {  	v16 =	vld [tilespmem:s23+$0x60];
	v8 =	vmax.f32 v8, v9  }
0x31: {  	s21 =	simm.s32 $0x180;
	v17 =	vld [tilespmem:s23+$0x70];
	v7 =	vmax.f32 v8, v7;
	v8 =	vmax.f32 v10, v11  }
0x32: {  	v18 =	vld [tilespmem:s21+$0xFFFFFFF0];
	v6 =	vmax.f32 v7, v6;
	v7 =	vmax.f32 v8, v12  }
0x33: {  	v19 =	vld [tilespmem:s21+$0xFFFFFFE0];
	v5 =	vmax.f32 v6, v5;
	v6 =	vmax.f32 v7, v13  }
0x34: {  	v53 =	vld [tilespmem:s21+$0x10];
	v4 =	vmax.f32 v5, v4;
	v5 =	vmax.f32 v6, v14  }
0x35: {  	v54 =	vld [tilespmem:s21+$0x20];
	v3 =	vmax.f32 v4, v3;
	v4 =	vmax.f32 v5, v15  }
0x36: {  	v55 =	vld [tilespmem:s21+$0x30];
	v2 =	vmax.f32 v3, v2;
	v3 =	vmax.f32 v4, v16  }
0x37: {  	v56 =	vld [tilespmem:s21+$0x40];
	v52 =	vmax.f32 v3, v17;
	(xrf0) =	vmax.scan.msk.f32 $0xffff, v2  }
0x38: {  	v11 =	vld [tilespmem:s21+$0x0];
	(xrf0) =	vmax.scan.msk.f32 $0xffff, v52  }
0x39: {  	v6 =	vld [tilespmem:s21+$0xFFFFFF80]  }
0x3a: {  	v5 =	vld [tilespmem:s21+$0xFFFFFF90]  }
0x3b: {  	v7 =	vld [tilespmem:s21+$0xFFFFFFA0]  }
0x3c: {  	v8 =	vld [tilespmem:s21+$0xFFFFFFB0]  }
0x3d: {  	v10 =	vld [tilespmem:s21+$0xFFFFFFC0];
	v3, _, _ =	vpop (xrf0)  }
0x3e: {  	v9 =	vld [tilespmem:s21+$0xFFFFFFD0];
	(v2sf) =	vpush v3, $0xF;
	v4, _, _ =	vpop (xrf0)  }
0x3f: {  	v57 =	vld [tilespmem:s21+$0x50];
	v5 =	vmax.f32 v6, v5;
	(v2sf) =	vpush v4, $0xF  }
0x40: {  	v20 =	vld [tilespmem:s21+$0x60];
	v6 =	vmax.f32 v11, v53;
	v5 =	vmax.f32 v5, v7  }
0x41: {  	s25 =	simm.s32 $0x280;
	v21 =	vld [tilespmem:s21+$0x70];
	v6 =	vmax.f32 v6, v54;
	v5 =	vmax.f32 v5, v8  }
0x42: {  	v22 =	vld [tilespmem:s25+$0xFFFFFFD0];
	v6 =	vmax.f32 v6, v55;
	v5 =	vmax.f32 v5, v10  }
0x43: {  	v58 =	vld [tilespmem:s25+$0x0];
	v6 =	vmax.f32 v6, v56;
	v5 =	vmax.f32 v5, v9  }
0x44: {  	v59 =	vld [tilespmem:s25+$0x10];
	v6 =	vmax.f32 v6, v57;
	v5 =	vmax.f32 v5, v19  }
0x45: {  	v60 =	vld [tilespmem:s25+$0x20];
	v6 =	vmax.f32 v6, v20;
	v5 =	vmax.f32 v5, v18  }
0x46: {  	v61 =	vld [tilespmem:s25+$0x30];
	v6 =	vmax.f32 v6, v21;
	(xrf0) =	vmax.scan.msk.f32 $0xffff, v5  }
0x47: {  	v62 =	vld [tilespmem:s25+$0x40];
	(xrf0) =	vmax.scan.msk.f32 $0xffff, v6  }
0x48: {  	v11 =	vld [tilespmem:s25+$0xFFFFFFC0]  }
0x49: {  	v2 =	vmax.f32 v0, v2;
	v7 =	vld [tilespmem:s25+$0xFFFFFF80]  }
0x4a: {  	v2 =	vmax.f32 v2, v52;
	v9 =	vld [tilespmem:s25+$0xFFFFFF90]  }
0x4b: {  	v10 =	vld [tilespmem:s25+$0xFFFFFFA0];
	v2 =	vmax.f32 v2, v5  }
0x4c: {  	v8 =	vld [tilespmem:s25+$0xFFFFFFB0];
	v2 =	vmax.f32 v2, v6;
	v6, _, _ =	vpop (xrf0)  }
0x4d: {  	v3 =	vld [tilespmem:s25+$0xFFFFFFF0];
	v63, _, _ =	vpop (xrf0);
	s18 =	spop (v2sf);
	(v2sf) =	vpush v6, $0xF  }
0x4e: {  	v4 =	vld [tilespmem:s25+$0xFFFFFFE0];
	s28 =	spop (v2sf);
	(v2sf) =	vpush v63, $0xF  }
0x4f: {  	v9 =	vmax.f32 v7, v9;
	v7 =	vld [tilespmem:s25+$0x50]  }
0x50: {  	v5 =	vld [tilespmem:s25+$0x60];
	v9 =	vmax.f32 v9, v10;
	v10 =	vmax.f32 v58, v59  }
0x51: {  	s26 =	simm.s32 $0x0;
	s1 =	simm.s32 $0x380;
	v9 =	vmax.f32 v9, v8;
	v10 =	vmax.f32 v10, v60;
	v8 =	vld [tilespmem:s25+$0x70]  }
0x52: {  	v11 =	vmax.f32 v9, v11;
	v10 =	vmax.f32 v10, v61;
	v6 =	vld [tilespmem:s1+$0xFFFFFFF0];
	[smem:s26] =	sst s18  }
0x53: {  	s0 =	simm.s32 $0x1;
	v9 =	vld [tilespmem:s1+$0xFFFFFFE0];
	v11 =	vmax.f32 v11, v22;
	v10 =	vmax.f32 v10, v62;
	s18 =	simm.s32 $0x6;
	[smem:s22] =	sst s28  }
.LBB2_2:
0x54: {  	s18 =	sadd.s32 $0x2, s18;
	v12 =	vld [tilespmem:s1+$0xFFFFFFD0];
	v4 =	vmax.f32 v11, v4;
	v7 =	vmax.f32 v10, v7  }
0x55: {  	p0 =	slt.u32 s18, $0x3E;
	v10 =	vld [tilespmem:s1+$0xFFFFFFC0];
	v13 =	vmax.f32 v4, v3;
	v4 =	vmax.f32 v7, v5  }
0x56: {  	v11 =	vld [tilespmem:s1+$0xFFFFFFB0];
	v2 =	vmax.f32 v2, v13;
	v7 =	vmax.f32 v4, v8;
	(xrf0) =	vmax.scan.msk.f32 $0xffff, v13  }
0x57: {  	v5 =	vld [tilespmem:s1+$0xFFFFFFA0];
	v2 =	vmax.f32 v2, v7;
	(xrf0) =	vmax.scan.msk.f32 $0xffff, v7;
	v3 =	vmov v6  }
0x58: {  	v6 =	vld [tilespmem:s1+$0xFFFFFF80];
	v4 =	vmov v9  }
0x59: {  	v7 =	vld [tilespmem:s1+$0xFFFFFF90]  }
0x5a: {  	v8 =	vld [tilespmem:s1+$0x0]  }
0x5b: {  	s0 =	sadd.s32 $0x2, s0;
	v9 =	vld [tilespmem:s1+$0x10]  }
0x5c: {  	s2 =	sadd.s32 $0xFFFFFFFF, s0;
	v13 =	vld [tilespmem:s1+$0x20];
	v14, _, _ =	vpop (xrf0);
	s19 =	spop (v2sf)  }
0x5d: {  	v15 =	vld [tilespmem:s1+$0x30];
	(v2sf) =	vpush v14, $0xF;
	v14, _, _ =	vpop (xrf0);
	[smem:s2] =	sst s19;
	s2 =	spop (v2sf)  }
0x5e: {  	v16 =	vld [tilespmem:s1+$0x40];
	(v2sf) =	vpush v14, $0xF;
	[smem:s0] =	sst s2  }
.Ltmp0:
0x5f: {  	v6 =	vmax.f32 v6, v7;
	v7 =	vld [tilespmem:s1+$0x50];
	(pc) =	sbr.rel @p0 .LBB2_2-.Ltmp0, $4  }
0x60: {  	v6 =	vmax.f32 v6, v5;
	v8 =	vmax.f32 v8, v9;
	v5 =	vld [tilespmem:s1+$0x60]  }
0x61: {  	v9 =	vmax.f32 v6, v11;
	v11 =	vmax.f32 v8, v13;
	v8 =	vld [tilespmem:s1+$0x70];
	s1 =	sadd.s32 $0x100, s1  }
0x62: {  	v10 =	vmax.f32 v9, v10;
	v6 =	vld [tilespmem:s1+$0xFFFFFFF0];
	v13 =	vmax.f32 v11, v15  }
0x63: {  	v11 =	vmax.f32 v10, v12;
	v9 =	vld [tilespmem:s1+$0xFFFFFFE0];
	v10 =	vmax.f32 v13, v16  }
0x64: {  	v12 =	vld [tilespmem:s1+$0xFFFFFFD0]  }
0x65: {  	v13 =	vld [tilespmem:s1+$0xFFFFFFC0]  }
0x66: {  	v14 =	vld [tilespmem:s1+$0xFFFFFFB0]  }
0x67: {  	v15 =	vld [tilespmem:s1+$0xFFFFFFA0]  }
0x68: {  	v16 =	vld [tilespmem:s1+$0xFFFFFF80]  }
0x69: {  	v17 =	vld [tilespmem:s1+$0xFFFFFF90]  }
0x6a: {  	v18 =	vld [tilespmem:s1+$0x0]  }
0x6b: {  	v19 =	vld [tilespmem:s1+$0x10]  }
0x6c: {  	v20 =	vld [tilespmem:s1+$0x20]  }
0x6d: {  	v21 =	vld [tilespmem:s1+$0x30]  }
0x6e: {  	v22 =	vld [tilespmem:s1+$0x40]  }
0x6f: {  	v27 =	vld [tilespmem:s1+$0x50];
	v16 =	vmax.f32 v16, v17  }
0x70: {  	v4 =	vmax.f32 v11, v4;
	v29 =	vld [tilespmem:s1+$0x60];
	v28 =	vmax.f32 v18, v19;
	v11 =	vmax.f32 v16, v15  }
0x71: {  	v7 =	vmax.f32 v10, v7;
	v30 =	vld [tilespmem:s1+$0x70];
	v10 =	vmax.f32 v11, v14;
	v11 =	vmax.f32 v28, v20  }
0x72: {  	v31 =	vmax.f32 v4, v3;
	v3 =	vmax.f32 v10, v13;
	v4 =	vmax.f32 v11, v21  }
0x73: {  	v5 =	vmax.f32 v7, v5;
	v3 =	vmax.f32 v3, v12;
	v4 =	vmax.f32 v4, v22  }
0x74: {  	v5 =	vmax.f32 v5, v8;
	(xrf0) =	vmax.scan.msk.f32 $0xffff, v31;
	v3 =	vmax.f32 v3, v9;
	v4 =	vmax.f32 v4, v27  }
0x75: {  	(xrf0) =	vmax.scan.msk.f32 $0xffff, v5;
	v6 =	vmax.f32 v3, v6;
	v3 =	vmax.f32 v4, v29  }
0x76: {  	v7 =	vmax.f32 v3, v30;
	(xrf0) =	vmax.scan.msk.f32 $0xffff, v6  }
0x77: {  	(xrf0) =	vmax.scan.msk.f32 $0xffff, v7;
	_ =	sdelay $0x2  }
0x78: {  	v3, _, _ =	vpop (xrf0)  }
0x79: {  	v4, _, _ =	vpop (xrf0);
	(v2sf) =	vpush v3, $0xF  }
0x7a: {  	(v2sf) =	vpush v4, $0xF;
	v3, _, _ =	vpop (xrf0)  }
0x7b: {  	(v2sf) =	vpush v3, $0xF;
	v3, _, _ =	vpop (xrf0)  }
0x7c: {  	(v2sf) =	vpush v3, $0xF;
	_ =	sdelay $0x8  }
0x7d: {  	s0 =	sadd.s32 $0x2, s0  }
0x7e: {  	s2 =	sadd.s32 $0xFFFFFFFF, s0;
	s19 =	spop (v2sf)  }
0x7f: {  	s20 =	sadd.s32 $0x2, s0;
	s18 =	spop (v2sf);
	[smem:s2] =	sst s19  }
0x80: {  	s25 =	sadd.s32 $0xFFFFFFFF, s20;
	[smem:s0] =	sst s18;
	s21 =	spop (v2sf)  }
0x81: {  	s28 =	sadd.s32 $0x2, s20;
	s26 =	spop (v2sf);
	[smem:s25] =	sst s21  }
0x82: {  	s2 =	sadd.s32 $0xFFFFFFFF, s28;
	[smem:s20] =	sst s26;
	s3 =	spop (v2sf)  }
0x83: {  	[smem:s2] =	sst s3;
	s18 =	spop (v2sf)  }
0x84: {  	[smem:s28] =	sst s18  }
0x85: {  	_ =	swait.ge [sflag:s22], $0x2000  }
0x86: {  	[sflag:s22] =	ssyncset.done $0x0  }
0x87: {  	s19 =	simm.s32 $0x20F0;
	[sflag:s22] =	ssyncadd.s32 $0xFFFFE000  }
0x88: {  	v3 =	vld [tilespmem:s19+$0xFFFFFF80]  }
0x89: {  	v4 =	vld [tilespmem:s19+$0xFFFFFF70]  }
0x8a: {  	v8 =	vld [tilespmem:s19+$0xFFFFFF60]  }
0x8b: {  	v9 =	vld [tilespmem:s19+$0xFFFFFF50]  }
0x8c: {  	v10 =	vld [tilespmem:s19+$0xFFFFFF40]  }
0x8d: {  	v11 =	vld [tilespmem:s19+$0xFFFFFF30]  }
0x8e: {  	v32 =	vld [tilespmem:s19+$0xFFFFFF10]  }
0x8f: {  	v33 =	vld [tilespmem:s19+$0xFFFFFF20]  }
0x90: {  	v34 =	vld [tilespmem:s19+$0xFFFFFF90]  }
0x91: {  	v35 =	vld [tilespmem:s19+$0xFFFFFFA0]  }
0x92: {  	v36 =	vld [tilespmem:s19+$0xFFFFFFB0]  }
0x93: {  	v37 =	vld [tilespmem:s19+$0xFFFFFFC0]  }
0x94: {  	v38 =	vld [tilespmem:s19+$0xFFFFFFD0]  }
0x95: {  	v39 =	vld [tilespmem:s19+$0xFFFFFFE0]  }
0x96: {  	v40 =	vld [tilespmem:s19+$0xFFFFFFF0];
	v12 =	vmax.f32 v32, v33  }
0x97: {  	s20 =	simm.s32 $0x21F0;
	v41 =	vld [tilespmem:s19+$0x0];
	v43 =	vmax.f32 v34, v35;
	v11 =	vmax.f32 v12, v11  }
0x98: {  	v23 =	vld [tilespmem:s20+$0xFFFFFF80];
	v10 =	vmax.f32 v11, v10;
	v11 =	vmax.f32 v43, v36  }
0x99: {  	v24 =	vld [tilespmem:s20+$0xFFFFFF70];
	v9 =	vmax.f32 v10, v9;
	v10 =	vmax.f32 v11, v37  }
0x9a: {  	v42 =	vld [tilespmem:s20+$0xFFFFFF60];
	v8 =	vmax.f32 v9, v8;
	v9 =	vmax.f32 v10, v38  }
0x9b: {  	v44 =	vld [tilespmem:s20+$0xFFFFFF50];
	v4 =	vmax.f32 v8, v4;
	v8 =	vmax.f32 v9, v39  }
0x9c: {  	v45 =	vld [tilespmem:s20+$0xFFFFFF40];
	v46 =	vmax.f32 v4, v3;
	v3 =	vmax.f32 v8, v40  }
0x9d: {  	v48 =	vld [tilespmem:s20+$0xFFFFFFA0];
	v47 =	vmax.f32 v3, v41;
	(xrf0) =	vmax.scan.msk.f32 $0xffff, v46  }
0x9e: {  	v11 =	vld [tilespmem:s20+$0xFFFFFF30];
	(xrf0) =	vmax.scan.msk.f32 $0xffff, v47  }
0x9f: {  	v10 =	vld [tilespmem:s20+$0xFFFFFF10]  }
0xa0: {  	v9 =	vld [tilespmem:s20+$0xFFFFFF20]  }
0xa1: {  	v8 =	vld [tilespmem:s20+$0xFFFFFF90]  }
0xa2: {  	v49 =	vld [tilespmem:s20+$0xFFFFFFB0]  }
0xa3: {  	v50 =	vld [tilespmem:s20+$0xFFFFFFC0];
	v3, _, _ =	vpop (xrf0)  }
0xa4: {  	v51 =	vld [tilespmem:s20+$0xFFFFFFD0];
	(v2sf) =	vpush v3, $0xF;
	v4, _, _ =	vpop (xrf0)  }
0xa5: {  	v52 =	vld [tilespmem:s20+$0xFFFFFFE0];
	v9 =	vmax.f32 v10, v9;
	(v2sf) =	vpush v4, $0xF  }
0xa6: {  	v25 =	vld [tilespmem:s20+$0xFFFFFFF0];
	v9 =	vmax.f32 v9, v11;
	v8 =	vmax.f32 v8, v48  }
0xa7: {  	s21 =	simm.s32 $0x22F0;
	v26 =	vld [tilespmem:s20+$0x0];
	v9 =	vmax.f32 v9, v45;
	v8 =	vmax.f32 v8, v49  }
0xa8: {  	v53 =	vld [tilespmem:s21+$0xFFFFFF40];
	v9 =	vmax.f32 v9, v44;
	v8 =	vmax.f32 v8, v50  }
0xa9: {  	v54 =	vld [tilespmem:s21+$0xFFFFFF30];
	v9 =	vmax.f32 v9, v42;
	v8 =	vmax.f32 v8, v51  }
0xaa: {  	v55 =	vld [tilespmem:s21+$0xFFFFFF10];
	v9 =	vmax.f32 v9, v24;
	v8 =	vmax.f32 v8, v52  }
0xab: {  	v56 =	vld [tilespmem:s21+$0xFFFFFF20];
	v9 =	vmax.f32 v9, v23;
	v8 =	vmax.f32 v8, v25  }
0xac: {  	v2 =	vmax.f32 v2, v31;
	v57 =	vld [tilespmem:s21+$0xFFFFFF90];
	v8 =	vmax.f32 v8, v26;
	(xrf0) =	vmax.scan.msk.f32 $0xffff, v9  }
0xad: {  	v2 =	vmax.f32 v2, v5;
	v5 =	vld [tilespmem:s21+$0xFFFFFFA0];
	(xrf0) =	vmax.scan.msk.f32 $0xffff, v8  }
0xae: {  	v2 =	vmax.f32 v2, v6;
	v6 =	vld [tilespmem:s21+$0xFFFFFFB0]  }
0xaf: {  	v58 =	vld [tilespmem:s21+$0xFFFFFFC0]  }
0xb0: {  	v59 =	vld [tilespmem:s21+$0xFFFFFFD0]  }
0xb1: {  	v2 =	vmax.f32 v2, v7;
	v7 =	vld [tilespmem:s21+$0xFFFFFFE0]  }
0xb2: {  	v60 =	vmax.f32 v57, v5;
	v5 =	vld [tilespmem:s21+$0xFFFFFFF0];
	v61, _, _ =	vpop (xrf0)  }
0xb3: {  	v11 =	vld [tilespmem:s21+$0xFFFFFF50];
	v63, _, _ =	vpop (xrf0);
	s26 =	spop (v2sf);
	(v2sf) =	vpush v61, $0xF  }
0xb4: {  	v2 =	vmax.f32 v2, v46;
	v10 =	vld [tilespmem:s21+$0xFFFFFF60];
	s28 =	spop (v2sf);
	(v2sf) =	vpush v63, $0xF  }
0xb5: {  	v13 =	vmax.f32 v55, v56;
	v2 =	vmax.f32 v2, v47;
	v4 =	vld [tilespmem:s21+$0xFFFFFF70]  }
0xb6: {  	v3 =	vld [tilespmem:s21+$0xFFFFFF80];
	v2 =	vmax.f32 v2, v9;
	v9 =	vmax.f32 v13, v54  }
0xb7: {  	s1 =	simm.s32 $0x23F0;
	s25 =	simm.s32 $0x40;
	v62 =	vmax.f32 v60, v6;
	v2 =	vmax.f32 v2, v8;
	v9 =	vmax.f32 v9, v53;
	v8 =	vld [tilespmem:s21+$0x0]  }
0xb8: {  	s0 =	simm.s32 $0x41;
	v6 =	vld [tilespmem:s1+$0xFFFFFF80];
	v12 =	vmax.f32 v62, v58;
	v11 =	vmax.f32 v9, v11;
	[smem:s25] =	sst s26  }
0xb9: {  	s18 =	simm.s32 $0x46;
	v9 =	vld [tilespmem:s1+$0xFFFFFF70];
	v11 =	vmax.f32 v11, v10;
	v10 =	vmax.f32 v12, v59;
	[smem:s0] =	sst s28  }
.LBB2_4:
0xba: {  	s18 =	sadd.s32 $0x2, s18;
	v12 =	vld [tilespmem:s1+$0xFFFFFF60];
	v4 =	vmax.f32 v11, v4;
	v7 =	vmax.f32 v10, v7  }
0xbb: {  	p0 =	slt.u32 s18, $0x7E;
	v10 =	vld [tilespmem:s1+$0xFFFFFF50];
	v13 =	vmax.f32 v4, v3;
	v4 =	vmax.f32 v7, v5  }
0xbc: {  	v11 =	vld [tilespmem:s1+$0xFFFFFF40];
	v2 =	vmax.f32 v2, v13;
	v7 =	vmax.f32 v4, v8;
	(xrf0) =	vmax.scan.msk.f32 $0xffff, v13  }
0xbd: {  	v5 =	vld [tilespmem:s1+$0xFFFFFF30];
	v2 =	vmax.f32 v2, v7;
	(xrf0) =	vmax.scan.msk.f32 $0xffff, v7;
	v3 =	vmov v6  }
0xbe: {  	v6 =	vld [tilespmem:s1+$0xFFFFFF10];
	v4 =	vmov v9  }
0xbf: {  	v7 =	vld [tilespmem:s1+$0xFFFFFF20]  }
0xc0: {  	v8 =	vld [tilespmem:s1+$0xFFFFFF90]  }
0xc1: {  	s0 =	sadd.s32 $0x2, s0;
	v9 =	vld [tilespmem:s1+$0xFFFFFFA0]  }
0xc2: {  	s2 =	sadd.s32 $0xFFFFFFFF, s0;
	v13 =	vld [tilespmem:s1+$0xFFFFFFB0];
	v14, _, _ =	vpop (xrf0);
	s19 =	spop (v2sf)  }
0xc3: {  	v15 =	vld [tilespmem:s1+$0xFFFFFFC0];
	(v2sf) =	vpush v14, $0xF;
	v14, _, _ =	vpop (xrf0);
	[smem:s2] =	sst s19;
	s2 =	spop (v2sf)  }
0xc4: {  	v16 =	vld [tilespmem:s1+$0xFFFFFFD0];
	(v2sf) =	vpush v14, $0xF;
	[smem:s0] =	sst s2  }
.Ltmp1:
0xc5: {  	v6 =	vmax.f32 v6, v7;
	v7 =	vld [tilespmem:s1+$0xFFFFFFE0];
	(pc) =	sbr.rel @p0 .LBB2_4-.Ltmp1, $4  }
0xc6: {  	v6 =	vmax.f32 v6, v5;
	v8 =	vmax.f32 v8, v9;
	v5 =	vld [tilespmem:s1+$0xFFFFFFF0]  }
0xc7: {  	v9 =	vmax.f32 v6, v11;
	v11 =	vmax.f32 v8, v13;
	v8 =	vld [tilespmem:s1+$0x0];
	s1 =	sadd.s32 $0x100, s1  }
0xc8: {  	v10 =	vmax.f32 v9, v10;
	v6 =	vld [tilespmem:s1+$0xFFFFFF80];
	v13 =	vmax.f32 v11, v15  }
0xc9: {  	v11 =	vmax.f32 v10, v12;
	v9 =	vld [tilespmem:s1+$0xFFFFFF70];
	v10 =	vmax.f32 v13, v16  }
0xca: {  	v12 =	vld [tilespmem:s1+$0xFFFFFF60]  }
0xcb: {  	v13 =	vld [tilespmem:s1+$0xFFFFFF50]  }
0xcc: {  	v14 =	vld [tilespmem:s1+$0xFFFFFF40]  }
0xcd: {  	v15 =	vld [tilespmem:s1+$0xFFFFFF30]  }
0xce: {  	v16 =	vld [tilespmem:s1+$0xFFFFFF10]  }
0xcf: {  	v17 =	vld [tilespmem:s1+$0xFFFFFF20]  }
0xd0: {  	v18 =	vld [tilespmem:s1+$0xFFFFFF90]  }
0xd1: {  	v19 =	vld [tilespmem:s1+$0xFFFFFFA0]  }
0xd2: {  	v20 =	vld [tilespmem:s1+$0xFFFFFFB0]  }
0xd3: {  	v21 =	vld [tilespmem:s1+$0xFFFFFFC0]  }
0xd4: {  	v22 =	vld [tilespmem:s1+$0xFFFFFFD0]  }
0xd5: {  	v27 =	vld [tilespmem:s1+$0xFFFFFFE0];
	v16 =	vmax.f32 v16, v17  }
0xd6: {  	v4 =	vmax.f32 v11, v4;
	v29 =	vld [tilespmem:s1+$0xFFFFFFF0];
	v28 =	vmax.f32 v18, v19;
	v11 =	vmax.f32 v16, v15  }
0xd7: {  	v7 =	vmax.f32 v10, v7;
	v30 =	vld [tilespmem:s1+$0x0];
	v10 =	vmax.f32 v11, v14;
	v11 =	vmax.f32 v28, v20  }
0xd8: {  	v31 =	vmax.f32 v4, v3;
	v3 =	vmax.f32 v10, v13;
	v4 =	vmax.f32 v11, v21  }
0xd9: {  	v5 =	vmax.f32 v7, v5;
	v3 =	vmax.f32 v3, v12;
	v4 =	vmax.f32 v4, v22  }
0xda: {  	v5 =	vmax.f32 v5, v8;
	(xrf0) =	vmax.scan.msk.f32 $0xffff, v31;
	v3 =	vmax.f32 v3, v9;
	v4 =	vmax.f32 v4, v27  }
0xdb: {  	(xrf0) =	vmax.scan.msk.f32 $0xffff, v5;
	v6 =	vmax.f32 v3, v6;
	v3 =	vmax.f32 v4, v29  }
0xdc: {  	v7 =	vmax.f32 v3, v30;
	(xrf0) =	vmax.scan.msk.f32 $0xffff, v6  }
0xdd: {  	(xrf0) =	vmax.scan.msk.f32 $0xffff, v7;
	_ =	sdelay $0x2  }
0xde: {  	v3, _, _ =	vpop (xrf0)  }
0xdf: {  	v4, _, _ =	vpop (xrf0);
	(v2sf) =	vpush v3, $0xF  }
0xe0: {  	(v2sf) =	vpush v4, $0xF;
	v3, _, _ =	vpop (xrf0)  }
0xe1: {  	(v2sf) =	vpush v3, $0xF;
	v3, _, _ =	vpop (xrf0)  }
0xe2: {  	(v2sf) =	vpush v3, $0xF;
	_ =	sdelay $0x8  }
0xe3: {  	s0 =	sadd.s32 $0x2, s0  }
0xe4: {  	s2 =	sadd.s32 $0xFFFFFFFF, s0;
	s19 =	spop (v2sf)  }
0xe5: {  	s20 =	sadd.s32 $0x2, s0;
	s18 =	spop (v2sf);
	[smem:s2] =	sst s19  }
0xe6: {  	s25 =	sadd.s32 $0xFFFFFFFF, s20;
	[smem:s0] =	sst s18;
	s21 =	spop (v2sf)  }
0xe7: {  	s28 =	sadd.s32 $0x2, s20;
	s26 =	spop (v2sf);
	[smem:s25] =	sst s21  }
0xe8: {  	s2 =	sadd.s32 $0xFFFFFFFF, s28;
	[smem:s20] =	sst s26;
	s3 =	spop (v2sf)  }
0xe9: {  	[smem:s2] =	sst s3;
	s18 =	spop (v2sf)  }
0xea: {  	[smem:s28] =	sst s18  }
0xeb: {  	_ =	swait.ge [sflag:s22], $0x2000  }
0xec: {  	[sflag:s22] =	ssyncset.done $0x0  }
0xed: {  	s19 =	simm.s32 $0x40F0;
	[sflag:s22] =	ssyncadd.s32 $0xFFFFE000  }
0xee: {  	v3 =	vld [tilespmem:s19+$0xFFFFFF80]  }
0xef: {  	v4 =	vld [tilespmem:s19+$0xFFFFFF70]  }
0xf0: {  	v8 =	vld [tilespmem:s19+$0xFFFFFF60]  }
0xf1: {  	v9 =	vld [tilespmem:s19+$0xFFFFFF50]  }
0xf2: {  	v10 =	vld [tilespmem:s19+$0xFFFFFF40]  }
0xf3: {  	v11 =	vld [tilespmem:s19+$0xFFFFFF30]  }
0xf4: {  	v32 =	vld [tilespmem:s19+$0xFFFFFF10]  }
0xf5: {  	v33 =	vld [tilespmem:s19+$0xFFFFFF20]  }
0xf6: {  	v34 =	vld [tilespmem:s19+$0xFFFFFF90]  }
0xf7: {  	v35 =	vld [tilespmem:s19+$0xFFFFFFA0]  }
0xf8: {  	v36 =	vld [tilespmem:s19+$0xFFFFFFB0]  }
0xf9: {  	v37 =	vld [tilespmem:s19+$0xFFFFFFC0]  }
0xfa: {  	v38 =	vld [tilespmem:s19+$0xFFFFFFD0]  }
0xfb: {  	v39 =	vld [tilespmem:s19+$0xFFFFFFE0]  }
0xfc: {  	v40 =	vld [tilespmem:s19+$0xFFFFFFF0];
	v12 =	vmax.f32 v32, v33  }
0xfd: {  	s20 =	simm.s32 $0x41F0;
	v41 =	vld [tilespmem:s19+$0x0];
	v43 =	vmax.f32 v34, v35;
	v11 =	vmax.f32 v12, v11  }
0xfe: {  	v23 =	vld [tilespmem:s20+$0xFFFFFF80];
	v10 =	vmax.f32 v11, v10;
	v11 =	vmax.f32 v43, v36  }
0xff: {  	v24 =	vld [tilespmem:s20+$0xFFFFFF70];
	v9 =	vmax.f32 v10, v9;
	v10 =	vmax.f32 v11, v37  }
0x100: {  	v42 =	vld [tilespmem:s20+$0xFFFFFF60];
	v8 =	vmax.f32 v9, v8;
	v9 =	vmax.f32 v10, v38  }
0x101: {  	v44 =	vld [tilespmem:s20+$0xFFFFFF50];
	v4 =	vmax.f32 v8, v4;
	v8 =	vmax.f32 v9, v39  }
0x102: {  	v45 =	vld [tilespmem:s20+$0xFFFFFF40];
	v46 =	vmax.f32 v4, v3;
	v3 =	vmax.f32 v8, v40  }
0x103: {  	v48 =	vld [tilespmem:s20+$0xFFFFFFA0];
	v47 =	vmax.f32 v3, v41;
	(xrf0) =	vmax.scan.msk.f32 $0xffff, v46  }
0x104: {  	v11 =	vld [tilespmem:s20+$0xFFFFFF30];
	(xrf0) =	vmax.scan.msk.f32 $0xffff, v47  }
0x105: {  	v10 =	vld [tilespmem:s20+$0xFFFFFF10]  }
0x106: {  	v9 =	vld [tilespmem:s20+$0xFFFFFF20]  }
0x107: {  	v8 =	vld [tilespmem:s20+$0xFFFFFF90]  }
0x108: {  	v49 =	vld [tilespmem:s20+$0xFFFFFFB0]  }
0x109: {  	v50 =	vld [tilespmem:s20+$0xFFFFFFC0];
	v3, _, _ =	vpop (xrf0)  }
0x10a: {  	v51 =	vld [tilespmem:s20+$0xFFFFFFD0];
	(v2sf) =	vpush v3, $0xF;
	v4, _, _ =	vpop (xrf0)  }
0x10b: {  	v52 =	vld [tilespmem:s20+$0xFFFFFFE0];
	v9 =	vmax.f32 v10, v9;
	(v2sf) =	vpush v4, $0xF  }
0x10c: {  	v25 =	vld [tilespmem:s20+$0xFFFFFFF0];
	v9 =	vmax.f32 v9, v11;
	v8 =	vmax.f32 v8, v48  }
0x10d: {  	s21 =	simm.s32 $0x42F0;
	v26 =	vld [tilespmem:s20+$0x0];
	v9 =	vmax.f32 v9, v45;
	v8 =	vmax.f32 v8, v49  }
0x10e: {  	v53 =	vld [tilespmem:s21+$0xFFFFFF40];
	v9 =	vmax.f32 v9, v44;
	v8 =	vmax.f32 v8, v50  }
0x10f: {  	v54 =	vld [tilespmem:s21+$0xFFFFFF30];
	v9 =	vmax.f32 v9, v42;
	v8 =	vmax.f32 v8, v51  }
0x110: {  	v55 =	vld [tilespmem:s21+$0xFFFFFF10];
	v9 =	vmax.f32 v9, v24;
	v8 =	vmax.f32 v8, v52  }
0x111: {  	v56 =	vld [tilespmem:s21+$0xFFFFFF20];
	v9 =	vmax.f32 v9, v23;
	v8 =	vmax.f32 v8, v25  }
0x112: {  	v2 =	vmax.f32 v2, v31;
	v57 =	vld [tilespmem:s21+$0xFFFFFF90];
	v8 =	vmax.f32 v8, v26;
	(xrf0) =	vmax.scan.msk.f32 $0xffff, v9  }
0x113: {  	v2 =	vmax.f32 v2, v5;
	v5 =	vld [tilespmem:s21+$0xFFFFFFA0];
	(xrf0) =	vmax.scan.msk.f32 $0xffff, v8  }
0x114: {  	v2 =	vmax.f32 v2, v6;
	v6 =	vld [tilespmem:s21+$0xFFFFFFB0]  }
0x115: {  	v58 =	vld [tilespmem:s21+$0xFFFFFFC0]  }
0x116: {  	v59 =	vld [tilespmem:s21+$0xFFFFFFD0]  }
0x117: {  	v2 =	vmax.f32 v2, v7;
	v7 =	vld [tilespmem:s21+$0xFFFFFFE0]  }
0x118: {  	v60 =	vmax.f32 v57, v5;
	v5 =	vld [tilespmem:s21+$0xFFFFFFF0];
	v61, _, _ =	vpop (xrf0)  }
0x119: {  	v11 =	vld [tilespmem:s21+$0xFFFFFF50];
	v63, _, _ =	vpop (xrf0);
	s26 =	spop (v2sf);
	(v2sf) =	vpush v61, $0xF  }
0x11a: {  	v2 =	vmax.f32 v2, v46;
	v10 =	vld [tilespmem:s21+$0xFFFFFF60];
	s28 =	spop (v2sf);
	(v2sf) =	vpush v63, $0xF  }
0x11b: {  	v13 =	vmax.f32 v55, v56;
	v2 =	vmax.f32 v2, v47;
	v4 =	vld [tilespmem:s21+$0xFFFFFF70]  }
0x11c: {  	v3 =	vld [tilespmem:s21+$0xFFFFFF80];
	v2 =	vmax.f32 v2, v9;
	v9 =	vmax.f32 v13, v54  }
0x11d: {  	s1 =	simm.s32 $0x43F0;
	s25 =	simm.s32 $0x80;
	v62 =	vmax.f32 v60, v6;
	v2 =	vmax.f32 v2, v8;
	v9 =	vmax.f32 v9, v53;
	v8 =	vld [tilespmem:s21+$0x0]  }
0x11e: {  	s0 =	simm.s32 $0x81;
	v6 =	vld [tilespmem:s1+$0xFFFFFF80];
	v12 =	vmax.f32 v62, v58;
	v11 =	vmax.f32 v9, v11;
	[smem:s25] =	sst s26  }
0x11f: {  	s18 =	simm.s32 $0x86;
	v9 =	vld [tilespmem:s1+$0xFFFFFF70];
	v11 =	vmax.f32 v11, v10;
	v10 =	vmax.f32 v12, v59;
	[smem:s0] =	sst s28  }
.LBB2_6:
0x120: {  	s18 =	sadd.s32 $0x2, s18;
	v12 =	vld [tilespmem:s1+$0xFFFFFF60];
	v4 =	vmax.f32 v11, v4;
	v7 =	vmax.f32 v10, v7  }
0x121: {  	p0 =	slt.u32 s18, $0xBE;
	v10 =	vld [tilespmem:s1+$0xFFFFFF50];
	v13 =	vmax.f32 v4, v3;
	v4 =	vmax.f32 v7, v5  }
0x122: {  	v11 =	vld [tilespmem:s1+$0xFFFFFF40];
	v2 =	vmax.f32 v2, v13;
	v7 =	vmax.f32 v4, v8;
	(xrf0) =	vmax.scan.msk.f32 $0xffff, v13  }
0x123: {  	v5 =	vld [tilespmem:s1+$0xFFFFFF30];
	v2 =	vmax.f32 v2, v7;
	(xrf0) =	vmax.scan.msk.f32 $0xffff, v7;
	v3 =	vmov v6  }
0x124: {  	v6 =	vld [tilespmem:s1+$0xFFFFFF10];
	v4 =	vmov v9  }
0x125: {  	v7 =	vld [tilespmem:s1+$0xFFFFFF20]  }
0x126: {  	v8 =	vld [tilespmem:s1+$0xFFFFFF90]  }
0x127: {  	s0 =	sadd.s32 $0x2, s0;
	v9 =	vld [tilespmem:s1+$0xFFFFFFA0]  }
0x128: {  	s2 =	sadd.s32 $0xFFFFFFFF, s0;
	v13 =	vld [tilespmem:s1+$0xFFFFFFB0];
	v14, _, _ =	vpop (xrf0);
	s19 =	spop (v2sf)  }
0x129: {  	v15 =	vld [tilespmem:s1+$0xFFFFFFC0];
	(v2sf) =	vpush v14, $0xF;
	v14, _, _ =	vpop (xrf0);
	[smem:s2] =	sst s19;
	s2 =	spop (v2sf)  }
0x12a: {  	v16 =	vld [tilespmem:s1+$0xFFFFFFD0];
	(v2sf) =	vpush v14, $0xF;
	[smem:s0] =	sst s2  }
.Ltmp2:
0x12b: {  	v6 =	vmax.f32 v6, v7;
	v7 =	vld [tilespmem:s1+$0xFFFFFFE0];
	(pc) =	sbr.rel @p0 .LBB2_6-.Ltmp2, $4  }
0x12c: {  	v6 =	vmax.f32 v6, v5;
	v8 =	vmax.f32 v8, v9;
	v5 =	vld [tilespmem:s1+$0xFFFFFFF0]  }
0x12d: {  	v9 =	vmax.f32 v6, v11;
	v11 =	vmax.f32 v8, v13;
	v8 =	vld [tilespmem:s1+$0x0];
	s1 =	sadd.s32 $0x100, s1  }
0x12e: {  	v10 =	vmax.f32 v9, v10;
	v6 =	vld [tilespmem:s1+$0xFFFFFF80];
	v13 =	vmax.f32 v11, v15  }
0x12f: {  	v11 =	vmax.f32 v10, v12;
	v9 =	vld [tilespmem:s1+$0xFFFFFF70];
	v10 =	vmax.f32 v13, v16  }
0x130: {  	v12 =	vld [tilespmem:s1+$0xFFFFFF60]  }
0x131: {  	v13 =	vld [tilespmem:s1+$0xFFFFFF50]  }
0x132: {  	v14 =	vld [tilespmem:s1+$0xFFFFFF40]  }
0x133: {  	v15 =	vld [tilespmem:s1+$0xFFFFFF30]  }
0x134: {  	v16 =	vld [tilespmem:s1+$0xFFFFFF10]  }
0x135: {  	v17 =	vld [tilespmem:s1+$0xFFFFFF20]  }
0x136: {  	v18 =	vld [tilespmem:s1+$0xFFFFFF90]  }
0x137: {  	v19 =	vld [tilespmem:s1+$0xFFFFFFA0]  }
0x138: {  	v20 =	vld [tilespmem:s1+$0xFFFFFFB0]  }
0x139: {  	v21 =	vld [tilespmem:s1+$0xFFFFFFC0]  }
0x13a: {  	v22 =	vld [tilespmem:s1+$0xFFFFFFD0]  }
0x13b: {  	v27 =	vld [tilespmem:s1+$0xFFFFFFE0];
	v16 =	vmax.f32 v16, v17  }
0x13c: {  	v4 =	vmax.f32 v11, v4;
	v29 =	vld [tilespmem:s1+$0xFFFFFFF0];
	v28 =	vmax.f32 v18, v19;
	v11 =	vmax.f32 v16, v15  }
0x13d: {  	v7 =	vmax.f32 v10, v7;
	v30 =	vld [tilespmem:s1+$0x0];
	v10 =	vmax.f32 v11, v14;
	v11 =	vmax.f32 v28, v20  }
0x13e: {  	v31 =	vmax.f32 v4, v3;
	v3 =	vmax.f32 v10, v13;
	v4 =	vmax.f32 v11, v21  }
0x13f: {  	v5 =	vmax.f32 v7, v5;
	v3 =	vmax.f32 v3, v12;
	v4 =	vmax.f32 v4, v22  }
0x140: {  	v5 =	vmax.f32 v5, v8;
	(xrf0) =	vmax.scan.msk.f32 $0xffff, v31;
	v3 =	vmax.f32 v3, v9;
	v4 =	vmax.f32 v4, v27  }
0x141: {  	(xrf0) =	vmax.scan.msk.f32 $0xffff, v5;
	v6 =	vmax.f32 v3, v6;
	v3 =	vmax.f32 v4, v29  }
0x142: {  	v7 =	vmax.f32 v3, v30;
	(xrf0) =	vmax.scan.msk.f32 $0xffff, v6  }
0x143: {  	(xrf0) =	vmax.scan.msk.f32 $0xffff, v7;
	_ =	sdelay $0x2  }
0x144: {  	v3, _, _ =	vpop (xrf0)  }
0x145: {  	v4, _, _ =	vpop (xrf0);
	(v2sf) =	vpush v3, $0xF  }
0x146: {  	(v2sf) =	vpush v4, $0xF;
	v3, _, _ =	vpop (xrf0)  }
0x147: {  	(v2sf) =	vpush v3, $0xF;
	v3, _, _ =	vpop (xrf0)  }
0x148: {  	(v2sf) =	vpush v3, $0xF;
	_ =	sdelay $0x8  }
0x149: {  	s0 =	sadd.s32 $0x2, s0  }
0x14a: {  	s2 =	sadd.s32 $0xFFFFFFFF, s0;
	s19 =	spop (v2sf)  }
0x14b: {  	s20 =	sadd.s32 $0x2, s0;
	s18 =	spop (v2sf);
	[smem:s2] =	sst s19  }
0x14c: {  	s25 =	sadd.s32 $0xFFFFFFFF, s20;
	[smem:s0] =	sst s18;
	s21 =	spop (v2sf)  }
0x14d: {  	s28 =	sadd.s32 $0x2, s20;
	s26 =	spop (v2sf);
	[smem:s25] =	sst s21  }
0x14e: {  	s2 =	sadd.s32 $0xFFFFFFFF, s28;
	[smem:s20] =	sst s26;
	s3 =	spop (v2sf)  }
0x14f: {  	[smem:s2] =	sst s3;
	s18 =	spop (v2sf)  }
0x150: {  	[smem:s28] =	sst s18  }
0x151: {  	_ =	swait.ge [sflag:s22], $0x2000  }
0x152: {  	[sflag:s22] =	ssyncset.done $0x0  }
0x153: {  	s19 =	simm.s32 $0x60F0;
	[sflag:s22] =	ssyncadd.s32 $0xFFFFE000  }
0x154: {  	v3 =	vld [tilespmem:s19+$0xFFFFFF80]  }
0x155: {  	v4 =	vld [tilespmem:s19+$0xFFFFFF70]  }
0x156: {  	v8 =	vld [tilespmem:s19+$0xFFFFFF60]  }
0x157: {  	v9 =	vld [tilespmem:s19+$0xFFFFFF50]  }
0x158: {  	v10 =	vld [tilespmem:s19+$0xFFFFFF40]  }
0x159: {  	v11 =	vld [tilespmem:s19+$0xFFFFFF30]  }
0x15a: {  	v32 =	vld [tilespmem:s19+$0xFFFFFF10]  }
0x15b: {  	v33 =	vld [tilespmem:s19+$0xFFFFFF20]  }
0x15c: {  	v34 =	vld [tilespmem:s19+$0xFFFFFF90]  }
0x15d: {  	v35 =	vld [tilespmem:s19+$0xFFFFFFA0]  }
0x15e: {  	v36 =	vld [tilespmem:s19+$0xFFFFFFB0]  }
0x15f: {  	v37 =	vld [tilespmem:s19+$0xFFFFFFC0]  }
0x160: {  	v38 =	vld [tilespmem:s19+$0xFFFFFFD0]  }
0x161: {  	v39 =	vld [tilespmem:s19+$0xFFFFFFE0]  }
0x162: {  	v40 =	vld [tilespmem:s19+$0xFFFFFFF0];
	v12 =	vmax.f32 v32, v33  }
0x163: {  	s20 =	simm.s32 $0x61F0;
	v41 =	vld [tilespmem:s19+$0x0];
	v43 =	vmax.f32 v34, v35;
	v11 =	vmax.f32 v12, v11  }
0x164: {  	v23 =	vld [tilespmem:s20+$0xFFFFFF80];
	v10 =	vmax.f32 v11, v10;
	v11 =	vmax.f32 v43, v36  }
0x165: {  	v24 =	vld [tilespmem:s20+$0xFFFFFF70];
	v9 =	vmax.f32 v10, v9;
	v10 =	vmax.f32 v11, v37  }
0x166: {  	v42 =	vld [tilespmem:s20+$0xFFFFFF60];
	v8 =	vmax.f32 v9, v8;
	v9 =	vmax.f32 v10, v38  }
0x167: {  	v44 =	vld [tilespmem:s20+$0xFFFFFF50];
	v4 =	vmax.f32 v8, v4;
	v8 =	vmax.f32 v9, v39  }
0x168: {  	v45 =	vld [tilespmem:s20+$0xFFFFFF40];
	v46 =	vmax.f32 v4, v3;
	v3 =	vmax.f32 v8, v40  }
0x169: {  	v48 =	vld [tilespmem:s20+$0xFFFFFFA0];
	v47 =	vmax.f32 v3, v41;
	(xrf0) =	vmax.scan.msk.f32 $0xffff, v46  }
0x16a: {  	v11 =	vld [tilespmem:s20+$0xFFFFFF30];
	(xrf0) =	vmax.scan.msk.f32 $0xffff, v47  }
0x16b: {  	v10 =	vld [tilespmem:s20+$0xFFFFFF10]  }
0x16c: {  	v9 =	vld [tilespmem:s20+$0xFFFFFF20]  }
0x16d: {  	v8 =	vld [tilespmem:s20+$0xFFFFFF90]  }
0x16e: {  	v49 =	vld [tilespmem:s20+$0xFFFFFFB0]  }
0x16f: {  	v50 =	vld [tilespmem:s20+$0xFFFFFFC0];
	v3, _, _ =	vpop (xrf0)  }
0x170: {  	v51 =	vld [tilespmem:s20+$0xFFFFFFD0];
	(v2sf) =	vpush v3, $0xF;
	v4, _, _ =	vpop (xrf0)  }
0x171: {  	v52 =	vld [tilespmem:s20+$0xFFFFFFE0];
	v9 =	vmax.f32 v10, v9;
	(v2sf) =	vpush v4, $0xF  }
0x172: {  	v25 =	vld [tilespmem:s20+$0xFFFFFFF0];
	v9 =	vmax.f32 v9, v11;
	v8 =	vmax.f32 v8, v48  }
0x173: {  	s21 =	simm.s32 $0x62F0;
	v26 =	vld [tilespmem:s20+$0x0];
	v9 =	vmax.f32 v9, v45;
	v8 =	vmax.f32 v8, v49  }
0x174: {  	v53 =	vld [tilespmem:s21+$0xFFFFFF40];
	v9 =	vmax.f32 v9, v44;
	v8 =	vmax.f32 v8, v50  }
0x175: {  	v54 =	vld [tilespmem:s21+$0xFFFFFF30];
	v9 =	vmax.f32 v9, v42;
	v8 =	vmax.f32 v8, v51  }
0x176: {  	v55 =	vld [tilespmem:s21+$0xFFFFFF10];
	v9 =	vmax.f32 v9, v24;
	v8 =	vmax.f32 v8, v52  }
0x177: {  	v56 =	vld [tilespmem:s21+$0xFFFFFF20];
	v9 =	vmax.f32 v9, v23;
	v8 =	vmax.f32 v8, v25  }
0x178: {  	v2 =	vmax.f32 v2, v31;
	v57 =	vld [tilespmem:s21+$0xFFFFFF90];
	v8 =	vmax.f32 v8, v26;
	(xrf0) =	vmax.scan.msk.f32 $0xffff, v9  }
0x179: {  	v2 =	vmax.f32 v2, v5;
	v5 =	vld [tilespmem:s21+$0xFFFFFFA0];
	(xrf0) =	vmax.scan.msk.f32 $0xffff, v8  }
0x17a: {  	v2 =	vmax.f32 v2, v6;
	v6 =	vld [tilespmem:s21+$0xFFFFFFB0]  }
0x17b: {  	v58 =	vld [tilespmem:s21+$0xFFFFFFC0]  }
0x17c: {  	v59 =	vld [tilespmem:s21+$0xFFFFFFD0]  }
0x17d: {  	v2 =	vmax.f32 v2, v7;
	v7 =	vld [tilespmem:s21+$0xFFFFFFE0]  }
0x17e: {  	v60 =	vmax.f32 v57, v5;
	v5 =	vld [tilespmem:s21+$0xFFFFFFF0];
	v61, _, _ =	vpop (xrf0)  }
0x17f: {  	v11 =	vld [tilespmem:s21+$0xFFFFFF50];
	v63, _, _ =	vpop (xrf0);
	s26 =	spop (v2sf);
	(v2sf) =	vpush v61, $0xF  }
0x180: {  	v2 =	vmax.f32 v2, v46;
	v10 =	vld [tilespmem:s21+$0xFFFFFF60];
	s28 =	spop (v2sf);
	(v2sf) =	vpush v63, $0xF  }
0x181: {  	v13 =	vmax.f32 v55, v56;
	v2 =	vmax.f32 v2, v47;
	v4 =	vld [tilespmem:s21+$0xFFFFFF70]  }
0x182: {  	v3 =	vld [tilespmem:s21+$0xFFFFFF80];
	v2 =	vmax.f32 v2, v9;
	v9 =	vmax.f32 v13, v54  }
0x183: {  	s1 =	simm.s32 $0x63F0;
	s25 =	simm.s32 $0xC0;
	v62 =	vmax.f32 v60, v6;
	v2 =	vmax.f32 v2, v8;
	v9 =	vmax.f32 v9, v53;
	v8 =	vld [tilespmem:s21+$0x0]  }
0x184: {  	s0 =	simm.s32 $0xC1;
	v6 =	vld [tilespmem:s1+$0xFFFFFF80];
	v12 =	vmax.f32 v62, v58;
	v11 =	vmax.f32 v9, v11;
	[smem:s25] =	sst s26  }
0x185: {  	s18 =	simm.s32 $0xC6;
	v9 =	vld [tilespmem:s1+$0xFFFFFF70];
	v11 =	vmax.f32 v11, v10;
	v10 =	vmax.f32 v12, v59;
	[smem:s0] =	sst s28  }
.LBB2_8:
0x186: {  	s18 =	sadd.s32 $0x2, s18;
	v12 =	vld [tilespmem:s1+$0xFFFFFF60];
	v4 =	vmax.f32 v11, v4;
	v7 =	vmax.f32 v10, v7  }
0x187: {  	p0 =	slt.u32 s18, $0xFE;
	v10 =	vld [tilespmem:s1+$0xFFFFFF50];
	v13 =	vmax.f32 v4, v3;
	v4 =	vmax.f32 v7, v5  }
0x188: {  	v11 =	vld [tilespmem:s1+$0xFFFFFF40];
	v2 =	vmax.f32 v2, v13;
	v7 =	vmax.f32 v4, v8;
	(xrf0) =	vmax.scan.msk.f32 $0xffff, v13  }
0x189: {  	v5 =	vld [tilespmem:s1+$0xFFFFFF30];
	v2 =	vmax.f32 v2, v7;
	(xrf0) =	vmax.scan.msk.f32 $0xffff, v7;
	v3 =	vmov v6  }
0x18a: {  	v6 =	vld [tilespmem:s1+$0xFFFFFF10];
	v4 =	vmov v9  }
0x18b: {  	v7 =	vld [tilespmem:s1+$0xFFFFFF20]  }
0x18c: {  	v8 =	vld [tilespmem:s1+$0xFFFFFF90]  }
0x18d: {  	s0 =	sadd.s32 $0x2, s0;
	v9 =	vld [tilespmem:s1+$0xFFFFFFA0]  }
0x18e: {  	s2 =	sadd.s32 $0xFFFFFFFF, s0;
	v13 =	vld [tilespmem:s1+$0xFFFFFFB0];
	v14, _, _ =	vpop (xrf0);
	s19 =	spop (v2sf)  }
0x18f: {  	v15 =	vld [tilespmem:s1+$0xFFFFFFC0];
	(v2sf) =	vpush v14, $0xF;
	v14, _, _ =	vpop (xrf0);
	[smem:s2] =	sst s19;
	s2 =	spop (v2sf)  }
0x190: {  	v16 =	vld [tilespmem:s1+$0xFFFFFFD0];
	(v2sf) =	vpush v14, $0xF;
	[smem:s0] =	sst s2  }
.Ltmp3:
0x191: {  	v6 =	vmax.f32 v6, v7;
	v7 =	vld [tilespmem:s1+$0xFFFFFFE0];
	(pc) =	sbr.rel @p0 .LBB2_8-.Ltmp3, $4  }
0x192: {  	v6 =	vmax.f32 v6, v5;
	v8 =	vmax.f32 v8, v9;
	v5 =	vld [tilespmem:s1+$0xFFFFFFF0]  }
0x193: {  	v9 =	vmax.f32 v6, v11;
	v11 =	vmax.f32 v8, v13;
	v8 =	vld [tilespmem:s1+$0x0];
	s1 =	sadd.s32 $0x100, s1  }
0x194: {  	v10 =	vmax.f32 v9, v10;
	v6 =	vld [tilespmem:s1+$0xFFFFFF80];
	v13 =	vmax.f32 v11, v15  }
0x195: {  	v11 =	vmax.f32 v10, v12;
	v9 =	vld [tilespmem:s1+$0xFFFFFF70];
	v10 =	vmax.f32 v13, v16  }
0x196: {  	v12 =	vld [tilespmem:s1+$0xFFFFFF60]  }
0x197: {  	v13 =	vld [tilespmem:s1+$0xFFFFFF50]  }
0x198: {  	v14 =	vld [tilespmem:s1+$0xFFFFFF40]  }
0x199: {  	v15 =	vld [tilespmem:s1+$0xFFFFFF30]  }
0x19a: {  	v16 =	vld [tilespmem:s1+$0xFFFFFF10]  }
0x19b: {  	v17 =	vld [tilespmem:s1+$0xFFFFFF20]  }
0x19c: {  	v18 =	vld [tilespmem:s1+$0xFFFFFF90]  }
0x19d: {  	v19 =	vld [tilespmem:s1+$0xFFFFFFA0]  }
0x19e: {  	v20 =	vld [tilespmem:s1+$0xFFFFFFB0]  }
0x19f: {  	v21 =	vld [tilespmem:s1+$0xFFFFFFC0]  }
0x1a0: {  	v22 =	vld [tilespmem:s1+$0xFFFFFFD0]  }
0x1a1: {  	v49 =	vld [tilespmem:s1+$0xFFFFFFE0];
	v16 =	vmax.f32 v16, v17  }
0x1a2: {  	v4 =	vmax.f32 v11, v4;
	v52 =	vld [tilespmem:s1+$0xFFFFFFF0];
	v51 =	vmax.f32 v18, v19;
	v50 =	vmax.f32 v16, v15  }
0x1a3: {  	v7 =	vmax.f32 v10, v7;
	v55 =	vld [tilespmem:s1+$0x0];
	v54 =	vmax.f32 v51, v20;
	v53 =	vmax.f32 v50, v14  }
0x1a4: {  	v3 =	vmax.f32 v4, v3;
	v57 =	vmax.f32 v54, v21;
	v56 =	vmax.f32 v53, v13  }
0x1a5: {  	v5 =	vmax.f32 v7, v5;
	v58 =	vmax.f32 v57, v22;
	v4 =	vmax.f32 v56, v12  }
0x1a6: {  	v5 =	vmax.f32 v5, v8;
	(xrf0) =	vmax.scan.msk.f32 $0xffff, v3;
	v7 =	vmax.f32 v58, v49;
	v4 =	vmax.f32 v4, v9  }
0x1a7: {  	(xrf0) =	vmax.scan.msk.f32 $0xffff, v5;
	v59 =	vmax.f32 v7, v52;
	v4 =	vmax.f32 v4, v6  }
0x1a8: {  	v6 =	vmax.f32 v59, v55;
	(xrf0) =	vmax.scan.msk.f32 $0xffff, v4  }
0x1a9: {  	(xrf0) =	vmax.scan.msk.f32 $0xffff, v6;
	_ =	sdelay $0x2  }
0x1aa: {  	v60, _, _ =	vpop (xrf0)  }
0x1ab: {  	v61, _, _ =	vpop (xrf0);
	(v2sf) =	vpush v60, $0xF  }
0x1ac: {  	(v2sf) =	vpush v61, $0xF;
	v62, _, _ =	vpop (xrf0)  }
0x1ad: {  	(v2sf) =	vpush v62, $0xF;
	v63, _, _ =	vpop (xrf0)  }
0x1ae: {  	(v2sf) =	vpush v63, $0xF;
	_ =	sdelay $0x8  }
0x1af: {  	s0 =	sadd.s32 $0x2, s0  }
0x1b0: {  	s2 =	sadd.s32 $0xFFFFFFFF, s0;
	s26 =	spop (v2sf)  }
0x1b1: {  	s28 =	sadd.s32 $0x2, s0;
	s18 =	spop (v2sf);
	[smem:s2] =	sst s26  }
0x1b2: {  	s19 =	sadd.s32 $0xFFFFFFFF, s28;
	[smem:s0] =	sst s18;
	s3 =	spop (v2sf)  }
0x1b3: {  	s21 =	sadd.s32 $0x2, s28;
	s20 =	spop (v2sf);
	[smem:s19] =	sst s3  }
0x1b4: {  	v2 =	vmax.f32 v2, v3;
	s25 =	sadd.s32 $0xFFFFFFFF, s21;
	[smem:s28] =	sst s20;
	s26 =	spop (v2sf)  }
0x1b5: {  	v2 =	vmax.f32 v2, v5;
	[smem:s25] =	sst s26;
	s28 =	spop (v2sf)  }
0x1b6: {  	v2 =	vmax.f32 v2, v4;
	[smem:s21] =	sst s28  }
0x1b7: {  	v2 =	vmax.f32 v2, v6;
	_ =	strace $0x90000048  }
0x1b8: {  	(xrf0) =	vmax.scan.msk.f32 $0xffff, v2;
	_ =	sdelay $0x5  }
0x1b9: {  	v2, _, _ =	vpop (xrf0)  }
0x1ba: {  	(v2sf) =	vpush v2, $0xF;
	_ =	sdelay $0xe  }
0x1bb: {  	s18 =	simm.s32 $0x2;
	s0 =	spop (v2sf)  }
0x1bc: {  	s19 =	simm.s32 $0x0;
	s21 =	simm.s32 $0x0;
	s1 =	sadd.f32 $-1.000000000e+00, s0  }
0x1bd: {  	s20 =	simm.s32 $0x4;
	_ =	strace $0x80000049;
	[smem:$0x100] =	sst s21  }
.LBB2_10:
0x1be: {  	p0 =	slt.u32 s20, $0xFC;
	s2 =	sld [smem:s18+$0xFFFFFFFE];
	_ =	sdelay $0x2  }
0x1bf: {  	p1 =	sge.f32 s2, s1  }
0x1c0: {  	s2 =	simm.s32 $0x1  }
0x1c1: {  	s2 =	simm.s32 @!p1 $0x0  }
0x1c2: {  	s2 =	sadd.s32 s2, s21;
	s21 =	sadd.s32 $0x1, s19  }
0x1c3: {  	[smem:s2+$0x100] =	sst s21  }
0x1c4: {  	s21 =	sld [smem:s18+$0xFFFFFFFF];
	_ =	sdelay $0x2  }
0x1c5: {  	p1 =	sge.f32 s21, s1  }
0x1c6: {  	s21 =	simm.s32 $0x1  }
0x1c7: {  	s21 =	simm.s32 @!p1 $0x0  }
0x1c8: {  	s2 =	sadd.s32 s21, s2;
	s21 =	sadd.s32 $0x2, s19  }
0x1c9: {  	[smem:s2+$0x100] =	sst s21  }
0x1ca: {  	s21 =	sld [smem:s18+$0x0];
	_ =	sdelay $0x2  }
0x1cb: {  	p1 =	sge.f32 s21, s1  }
0x1cc: {  	s21 =	simm.s32 $0x1  }
0x1cd: {  	s21 =	simm.s32 @!p1 $0x0  }
0x1ce: {  	s2 =	sadd.s32 s21, s2;
	s21 =	sadd.s32 $0x3, s19;
	s19 =	smov.u32 s20  }
0x1cf: {  	[smem:s2+$0x100] =	sst s21  }
0x1d0: {  	s21 =	sld [smem:s18+$0x1];
	_ =	sdelay $0x2  }
.Ltmp4:
0x1d1: {  	p1 =	sge.f32 s21, s1;
	(pc) =	sbr.rel @p0 .LBB2_10-.Ltmp4, $4  }
0x1d2: {  	s21 =	simm.s32 $0x1  }
0x1d3: {  	s21 =	simm.s32 @!p1 $0x0  }
0x1d4: {  	s21 =	sadd.s32 s21, s2  }
0x1d5: {  	s20 =	sadd.s32 $0x4, s20;
	s18 =	sadd.s32 $0x4, s18;
	[smem:s21+$0x100] =	sst s19  }
0x1d6: {  	s2 =	sld [smem:s18+$0xFFFFFFFE];
	_ =	sdelay $0x2  }
0x1d7: {  	p0 =	sge.f32 s2, s1  }
0x1d8: {  	s2 =	simm.s32 $0x1  }
0x1d9: {  	s2 =	simm.s32 @!p0 $0x0  }
0x1da: {  	s20 =	sadd.s32 $0x1, s19;
	s2 =	sadd.s32 s2, s21  }
0x1db: {  	[smem:s2+$0x100] =	sst s20  }
0x1dc: {  	s20 =	sld [smem:s18+$0xFFFFFFFF];
	_ =	sdelay $0x2  }
0x1dd: {  	p0 =	sge.f32 s20, s1  }
0x1de: {  	s20 =	simm.s32 $0x1  }
0x1df: {  	s20 =	simm.s32 @!p0 $0x0  }
0x1e0: {  	s25 =	sadd.s32 $0x2, s19;
	s2 =	sadd.s32 s20, s2  }
0x1e1: {  	[smem:s2+$0x100] =	sst s25  }
0x1e2: {  	s20 =	sld [smem:s18+$0x0];
	_ =	sdelay $0x2  }
0x1e3: {  	p0 =	sge.f32 s20, s1  }
0x1e4: {  	s20 =	simm.s32 $0x1  }
0x1e5: {  	s20 =	simm.s32 @!p0 $0x0  }
0x1e6: {  	s26 =	sadd.s32 $0x3, s19;
	s2 =	sadd.s32 s20, s2  }
0x1e7: {  	[smem:s2+$0x100] =	sst s26  }
0x1e8: {  	s28 =	sld [smem:s18+$0x1];
	_ =	sdelay $0x2  }
0x1e9: {  	p0 =	sge.f32 s28, s1  }
0x1ea: {  	s18 =	simm.s32 $0x1  }
0x1eb: {  	s18 =	simm.s32 @!p0 $0x0  }
0x1ec: {  	s18 =	sadd.s32 s18, s2  }
0x1ed: {  	p0 =	slt.s32 s18, $0x1  }
.Ltmp5:
0x1ee: {  	_ = 	snop;
	(pc) =	sbr.rel @p0 .LBB2_17-.Ltmp5, $3  }
0x1ef: {  	_ =	sdelay $0x1  }
0x1f0: {  	_ =	strace $0x90000049  }
0x1f1: {  	s19 =	simm.s32 $0x0;
	s25 =	simm.s32 $0x0;
	_ =	strace $0x8000004A  }
0x1f2: {  	s2 =	sld [smem:$0x100];
	p1 =	sgt.s32 s18, $0x1  }
.Ltmp6:
0x1f3: {  	_ = 	snop;
	(pc) =	sbr.rel @!p1 .LBB2_13-.Ltmp6, $4  }
0x1f4: {  	_ = 	snop  }
0x1f5: {  	s2 =	sshll.u32 s2, $0x9  }
0x1f6: {  	s28 =	sshra.s32 s2, $0x2  }
0x1f7: {  	v2 =	vmov s1;
	s26 =	simm.s32 $0x0;
	p0 =	por $0x0, $0x0;
	v3 =	vld [tilespmem:s28+$0x0]  }
0x1f8: {  	_ =	sdelay $0x3  }
0x1f9: {  	vm0 =	vge.f32 v3, v2  }
0x1fa: {  	[tilespmem:s26+$0x10000] =	vst.msk vm0, v3;
	v3 =	vmpcnt.ones.xlane vm0  }
0x1fb: {  	v4 =	vld [tilespmem:s28+$0x10]  }
0x1fc: {  	(v2sf) =	vpush v3, $0x0;
	_ =	sdelay $0x3  }
0x1fd: {  	vm9 =	vge.f32 v4, v2  }
0x1fe: {  	v3 =	vmpcnt.ones.xlane vm9;
	_ =	sdelay $0x1  }
0x1ff: {  	(v2sf) =	vpush v3, $0x0;
	_ =	sdelay $0x7  }
0x200: {  	s2 =	spop (v2sf)  }
0x201: {  	s2 =	sadd.s32 $0x0, s2  }
0x202: {  	[tilespmem:s2+$0x10000] =	vst.msk vm9, v4  }
0x203: {  	v3 =	vld [tilespmem:s28+$0x20];
	_ =	sdelay $0x3  }
0x204: {  	s19 =	spop (v2sf)  }
0x205: {  	s2 =	sadd.s32 s2, s19;
	vm10 =	vge.f32 v3, v2  }
0x206: {  	[tilespmem:s2+$0x10000] =	vst.msk vm10, v3;
	v3 =	vmpcnt.ones.xlane vm10  }
0x207: {  	v4 =	vld [tilespmem:s28+$0x30]  }
0x208: {  	(v2sf) =	vpush v3, $0x0;
	_ =	sdelay $0x3  }
0x209: {  	vm11 =	vge.f32 v4, v2  }
0x20a: {  	v3 =	vmpcnt.ones.xlane vm11;
	_ =	sdelay $0x1  }
0x20b: {  	(v2sf) =	vpush v3, $0x0;
	_ =	sdelay $0x7  }
0x20c: {  	s20 =	spop (v2sf)  }
0x20d: {  	s2 =	sadd.s32 s2, s20  }
0x20e: {  	[tilespmem:s2+$0x10000] =	vst.msk vm11, v4  }
0x20f: {  	v3 =	vld [tilespmem:s28+$0x40];
	_ =	sdelay $0x3  }
0x210: {  	s21 =	spop (v2sf)  }
0x211: {  	s2 =	sadd.s32 s2, s21;
	vm12 =	vge.f32 v3, v2  }
0x212: {  	[tilespmem:s2+$0x10000] =	vst.msk vm12, v3;
	v3 =	vmpcnt.ones.xlane vm12  }
0x213: {  	v4 =	vld [tilespmem:s28+$0x50]  }
0x214: {  	(v2sf) =	vpush v3, $0x0;
	_ =	sdelay $0x3  }
0x215: {  	vm13 =	vge.f32 v4, v2  }
0x216: {  	v3 =	vmpcnt.ones.xlane vm13;
	_ =	sdelay $0x1  }
0x217: {  	(v2sf) =	vpush v3, $0x0;
	_ =	sdelay $0x7  }
0x218: {  	s3 =	spop (v2sf)  }
0x219: {  	s2 =	sadd.s32 s2, s3  }
0x21a: {  	[tilespmem:s2+$0x10000] =	vst.msk vm13, v4  }
0x21b: {  	v3 =	vld [tilespmem:s28+$0x60];
	_ =	sdelay $0x3  }
0x21c: {  	s20 =	spop (v2sf)  }
0x21d: {  	s2 =	sadd.s32 s2, s20;
	vm14 =	vge.f32 v3, v2  }
0x21e: {  	[tilespmem:s2+$0x10000] =	vst.msk vm14, v3;
	v4 =	vmpcnt.ones.xlane vm14  }
0x21f: {  	v3 =	vld [tilespmem:s28+$0x70]  }
0x220: {  	(v2sf) =	vpush v4, $0x0;
	_ =	sdelay $0x3  }
0x221: {  	vm15 =	vge.f32 v3, v2  }
0x222: {  	v4 =	vmpcnt.ones.xlane vm15;
	_ =	sdelay $0x1  }
0x223: {  	(v2sf) =	vpush v4, $0x0;
	_ =	sdelay $0x5  }
0x224: {  	s21 =	sld [smem:$0x101];
	_ =	sdelay $0x1  }
0x225: {  	s20 =	spop (v2sf)  }
0x226: {  	s28 =	sshll.u32 s21, $0x9;
	s21 =	sadd.s32 s2, s20  }
0x227: {  	p1 =	sgt.s32 s18, $0x2;
	s28 =	sshra.s32 s28, $0x2;
	[tilespmem:s21+$0x10000] =	vst.msk vm15, v3  }
.Ltmp7:
0x228: {  	v3 =	vld [tilespmem:s28+$0x0];
	(pc) =	sbr.rel @!p1 .LBB2_16-.Ltmp7, $3  }
0x229: {  	_ =	sdelay $0x1  }
0x22a: {  	p0 =	por $0x1, $0x1  }
0x22b: {  	s19 =	simm.s32 $0x2;
	s20 =	simm.s32 $0x101;
	s2 =	spop (v2sf)  }
.LBB2_15:
0x22c: {  	s19 =	sadd.s32 $0x1, s19;
	vm0 =	vge.f32 v3, v2;
	s2 =	sadd.s32 s21, s2  }
0x22d: {  	p1 =	slt.s32 s19, s18;
	[tilespmem:s2+$0x10000] =	vst.msk vm0, v3;
	v3 =	vmpcnt.ones.xlane vm0  }
0x22e: {  	v4 =	vld [tilespmem:s28+$0x10]  }
0x22f: {  	(v2sf) =	vpush v3, $0x0;
	_ =	sdelay $0x3  }
0x230: {  	vm0 =	vge.f32 v4, v2  }
0x231: {  	v3 =	vmpcnt.ones.xlane vm0;
	_ =	sdelay $0x1  }
0x232: {  	(v2sf) =	vpush v3, $0x0;
	_ =	sdelay $0x7  }
0x233: {  	s21 =	spop (v2sf)  }
0x234: {  	s2 =	sadd.s32 s2, s21  }
0x235: {  	[tilespmem:s2+$0x10000] =	vst.msk vm0, v4  }
0x236: {  	v3 =	vld [tilespmem:s28+$0x20];
	_ =	sdelay $0x3  }
0x237: {  	s21 =	spop (v2sf)  }
0x238: {  	s2 =	sadd.s32 s2, s21;
	vm0 =	vge.f32 v3, v2  }
0x239: {  	[tilespmem:s2+$0x10000] =	vst.msk vm0, v3;
	v3 =	vmpcnt.ones.xlane vm0  }
0x23a: {  	v4 =	vld [tilespmem:s28+$0x30]  }
0x23b: {  	(v2sf) =	vpush v3, $0x0;
	_ =	sdelay $0x3  }
0x23c: {  	vm0 =	vge.f32 v4, v2  }
0x23d: {  	v3 =	vmpcnt.ones.xlane vm0;
	_ =	sdelay $0x1  }
0x23e: {  	(v2sf) =	vpush v3, $0x0;
	_ =	sdelay $0x7  }
0x23f: {  	s21 =	spop (v2sf)  }
0x240: {  	s2 =	sadd.s32 s2, s21  }
0x241: {  	[tilespmem:s2+$0x10000] =	vst.msk vm0, v4  }
0x242: {  	v3 =	vld [tilespmem:s28+$0x40];
	_ =	sdelay $0x3  }
0x243: {  	s21 =	spop (v2sf)  }
0x244: {  	s2 =	sadd.s32 s2, s21;
	vm0 =	vge.f32 v3, v2  }
0x245: {  	[tilespmem:s2+$0x10000] =	vst.msk vm0, v3;
	v3 =	vmpcnt.ones.xlane vm0  }
0x246: {  	v4 =	vld [tilespmem:s28+$0x50]  }
0x247: {  	(v2sf) =	vpush v3, $0x0;
	_ =	sdelay $0x3  }
0x248: {  	vm0 =	vge.f32 v4, v2  }
0x249: {  	v3 =	vmpcnt.ones.xlane vm0;
	_ =	sdelay $0x1  }
0x24a: {  	(v2sf) =	vpush v3, $0x0;
	_ =	sdelay $0x7  }
0x24b: {  	s21 =	spop (v2sf)  }
0x24c: {  	s2 =	sadd.s32 s2, s21  }
0x24d: {  	[tilespmem:s2+$0x10000] =	vst.msk vm0, v4  }
0x24e: {  	v3 =	vld [tilespmem:s28+$0x60];
	_ =	sdelay $0x3  }
0x24f: {  	s21 =	spop (v2sf)  }
0x250: {  	s2 =	sadd.s32 s2, s21;
	vm0 =	vge.f32 v3, v2  }
0x251: {  	[tilespmem:s2+$0x10000] =	vst.msk vm0, v3;
	v3 =	vmpcnt.ones.xlane vm0  }
0x252: {  	v4 =	vld [tilespmem:s28+$0x70]  }
0x253: {  	(v2sf) =	vpush v3, $0x0;
	_ =	sdelay $0x3  }
0x254: {  	vm0 =	vge.f32 v4, v2  }
0x255: {  	v3 =	vmpcnt.ones.xlane vm0;
	_ =	sdelay $0x1  }
0x256: {  	(v2sf) =	vpush v3, $0x0;
	_ =	sdelay $0x4  }
0x257: {  	s20 =	sadd.s32 $0x1, s20  }
0x258: {  	s21 =	sld [smem:s20+$0x0];
	_ =	sdelay $0x1  }
0x259: {  	s28 =	spop (v2sf)  }
0x25a: {  	s3 =	sshll.u32 s21, $0x9;
	s21 =	sadd.s32 s2, s28  }
0x25b: {  	s28 =	sshra.s32 s3, $0x2;
	[tilespmem:s21+$0x10000] =	vst.msk vm0, v4  }
.Ltmp8:
0x25c: {  	v3 =	vld [tilespmem:s28+$0x0];
	(pc) =	sbr.rel @p1 .LBB2_15-.Ltmp8, $2  }
0x25d: {  	_ =	sdelay $0x2  }
0x25e: {  	s2 =	spop (v2sf)  }
.LBB2_16:
0x25f: {  	s2 =	sadd.s32 @p0 s21, s2  }
0x260: {  	vm0 =	vge.f32 v3, v2;
	s26 =	smov.u32 @p0 s2  }
0x261: {  	[tilespmem:s26+$0x10000] =	vst.msk vm0, v3;
	v3 =	vmpcnt.ones.xlane vm0  }
0x262: {  	v4 =	vld [tilespmem:s28+$0x10]  }
0x263: {  	(v2sf) =	vpush v3, $0x0;
	_ =	sdelay $0x3  }
0x264: {  	vm9 =	vge.f32 v4, v2  }
0x265: {  	v3 =	vmpcnt.ones.xlane vm9;
	_ =	sdelay $0x1  }
0x266: {  	(v2sf) =	vpush v3, $0x0;
	_ =	sdelay $0x7  }
0x267: {  	s3 =	spop (v2sf)  }
0x268: {  	s2 =	sadd.s32 s26, s3  }
0x269: {  	[tilespmem:s2+$0x10000] =	vst.msk vm9, v4  }
0x26a: {  	v3 =	vld [tilespmem:s28+$0x20];
	_ =	sdelay $0x3  }
0x26b: {  	s3 =	spop (v2sf)  }
0x26c: {  	s2 =	sadd.s32 s2, s3;
	vm10 =	vge.f32 v3, v2  }
0x26d: {  	[tilespmem:s2+$0x10000] =	vst.msk vm10, v3;
	v3 =	vmpcnt.ones.xlane vm10  }
0x26e: {  	v4 =	vld [tilespmem:s28+$0x30]  }
0x26f: {  	(v2sf) =	vpush v3, $0x0;
	_ =	sdelay $0x3  }
0x270: {  	vm11 =	vge.f32 v4, v2  }
0x271: {  	v3 =	vmpcnt.ones.xlane vm11;
	_ =	sdelay $0x1  }
0x272: {  	(v2sf) =	vpush v3, $0x0;
	_ =	sdelay $0x7  }
0x273: {  	s18 =	spop (v2sf)  }
0x274: {  	s2 =	sadd.s32 s2, s18  }
0x275: {  	[tilespmem:s2+$0x10000] =	vst.msk vm11, v4  }
0x276: {  	v3 =	vld [tilespmem:s28+$0x40];
	_ =	sdelay $0x3  }
0x277: {  	s19 =	spop (v2sf)  }
0x278: {  	s2 =	sadd.s32 s2, s19;
	vm12 =	vge.f32 v3, v2  }
0x279: {  	[tilespmem:s2+$0x10000] =	vst.msk vm12, v3;
	v3 =	vmpcnt.ones.xlane vm12  }
0x27a: {  	v4 =	vld [tilespmem:s28+$0x50]  }
0x27b: {  	(v2sf) =	vpush v3, $0x0;
	_ =	sdelay $0x3  }
0x27c: {  	vm13 =	vge.f32 v4, v2  }
0x27d: {  	v3 =	vmpcnt.ones.xlane vm13;
	_ =	sdelay $0x1  }
0x27e: {  	(v2sf) =	vpush v3, $0x0;
	_ =	sdelay $0x7  }
0x27f: {  	s20 =	spop (v2sf)  }
0x280: {  	s2 =	sadd.s32 s2, s20  }
0x281: {  	[tilespmem:s2+$0x10000] =	vst.msk vm13, v4  }
0x282: {  	v3 =	vld [tilespmem:s28+$0x60];
	_ =	sdelay $0x3  }
0x283: {  	s21 =	spop (v2sf)  }
0x284: {  	s2 =	sadd.s32 s2, s21;
	vm14 =	vge.f32 v3, v2  }
0x285: {  	[tilespmem:s2+$0x10000] =	vst.msk vm14, v3  }
0x286: {  	v3 =	vld [tilespmem:s28+$0x70];
	_ =	sdelay $0x4  }
0x287: {  	v63 =	vmpcnt.ones.xlane vm14;
	vm15 =	vge.f32 v3, v2  }
0x288: {  	v2 =	vmpcnt.ones.xlane vm15  }
0x289: {  	(v2sf) =	vpush v63, $0x0  }
0x28a: {  	(v2sf) =	vpush v2, $0x0;
	_ =	sdelay $0xd  }
0x28b: {  	s26 =	spop (v2sf)  }
0x28c: {  	s2 =	sadd.s32 s2, s26;
	s28 =	spop (v2sf)  }
0x28d: {  	[tilespmem:s2+$0x10000] =	vst.msk vm15, v3;
	s19 =	sadd.s32 s2, s28  }
.LBB2_17:
0x28e: {  	s2 =	sadd.s32 $0xF, s19  }
0x28f: {  	s3 =	sand.u32 $0xF, s2  }
0x290: {  	s28 =	sshra.s32 s2, $0x1F;
	p1 =	slt.s32 s2, $0x1;
	p0 =	sne.s32 s3, $0x0  }
.Ltmp9:
0x291: {  	s3 =	sshrl.u32 s28, $0x1C;
	p0 =	por !p1, !p0;
	(pc) =	sbr.rel .LBB2_18-.Ltmp9, $4  }
0x292: {  	s2 =	sadd.s32 s3, s2;
	s3 =	simm.s32 $0x1;
	p0 =	por !p0, !p0  }
0x293: {  	s2 =	sshra.s32 s2, $0x4;
	s3 =	simm.s32 @!p0 $0x0  }
0x294: {  	_ =	strace $0x9000004A;
	[tilespmem:s19+$0x10000] =	vst v0;
	s18 =	ssub.s32 s2, s3  }
0x295: {  	_ =	strace $0x8000004B;
	p0 =	slt.s32 s18, $0x1  }
.LBB2_19:
0x296: {  	v2 =	vimm.f32 $0.0e+00  }
.LBB2_23:
0x297: {  	(xrf2) =	vadd.scan.msk.f32 $0xffff, v2;
	_ =	sdelay $0x9  }
0x298: {  	v2, _, _ =	vpop (xrf2)  }
0x299: {  	(v2sf) =	vpush v2, $0xF;
	_ =	sdelay $0xe  }
0x29a: {  	s2 =	spop (v2sf)  }
0x29b: {  	p1 =	sge.f32 s2, $1.000000000e+00  }
0x29c: {  	s25 =	sadd.s32 $0x1, s25  }
0x29d: {  	s1 =	smov.u32 @p1 s19;
	s19 =	smov.u32 @p1 s0;
	p1 =	sne.s32 s25, $0x1E  }
.Ltmp10:
0x29e: {  	_ = 	snop;
	(pc) =	sbr.rel @!p1 .LBB2_24-.Ltmp10, $2  }
0x29f: {  	_ =	sdelay $0x2  }
0x2a0: {  	s0 =	smov.u32 s19  }
.LBB2_18:
.Ltmp11:
0x2a1: {  	(pc) =	sbr.rel @p0 .LBB2_19-.Ltmp11, $3  }
0x2a2: {  	_ = 	snop  }
0x2a3: {  	s2 =	sadd.f32 s0, s1;
	_ =	sdelay $0x1  }
0x2a4: {  	s19 =	smul.f32 $5.000000000e-01, s2  }
0x2a5: {  	s2 =	simm.s32 $0x10000  }
0x2a6: {  	p1 =	sne.s32 s18, $0x1;
	v4 =	vld [tilespmem:s2+$0x0]  }
.Ltmp12:
0x2a7: {  	_ = 	snop;
	(pc) =	sbr.rel @!p1 .LBB2_22-.Ltmp12, $3  }
0x2a8: {  	_ =	sdelay $0x1  }
0x2a9: {  	v3 =	vmov s19  }
0x2aa: {  	v2 =	vimm.f32 $0.0e+00;
	s20 =	sadd.s32 $0xFFFFFFFF, s18;
	s21 =	simm.s32 $0x10010;
	v4 =	vsub.f32 v4, v3  }
.LBB2_21:
0x2ab: {  	v5 =	vld [tilespmem:s21+$0x0];
	p1 =	sne.s32 s20, $0x1;
	s20 =	sadd.s32 $0xFFFFFFFF, s20  }
.Ltmp13:
0x2ac: {  	v4 =	vmax.f32 v4, $0.0e+00;
	(pc) =	sbr.rel @p1 .LBB2_21-.Ltmp13, $2  }
0x2ad: {  	v2 =	vadd.f32 v4, v2;
	_ =	sdelay $0x2  }
0x2ae: {  	s21 =	sadd.s32 $0x10, s21;
	v4 =	vsub.f32 v5, v3  }
.LBB2_22:
.Ltmp14:
0x2af: {  	(pc) =	sbr.rel .LBB2_23-.Ltmp14, $3  }
0x2b0: {  	_ = 	snop  }
0x2b1: {  	v3 =	vmax.f32 v4, $0.0e+00  }
0x2b2: {  	v2 =	vadd.f32 v3, v2;
	_ =	sdelay $0x1  }
.LBB2_24:
.Ltmp15:
0x2b3: {  	(pc) =	sbr.rel @p0 .LBB2_25-.Ltmp15, $2  }
0x2b4: {  	_ =	sdelay $0x2  }
0x2b5: {  	_ =	strace $0x9000004B  }
0x2b6: {  	s0 =	simm.s32 $0x10000  }
0x2b7: {  	p0 =	sne.s32 s18, $0x1;
	v2 =	vld [tilespmem:s0+$0x0]  }
.Ltmp16:
0x2b8: {  	_ = 	snop;
	(pc) =	sbr.rel @!p0 .LBB2_28-.Ltmp16, $3  }
0x2b9: {  	_ =	sdelay $0x1  }
0x2ba: {  	v4 =	vmov s1  }
0x2bb: {  	v3 =	vimm.f32 $0.0e+00;
	s1 =	simm.s32 $0x10010;
	v5 =	vimm.f32 $0.0e+00;
	s0 =	sadd.s32 $0xFFFFFFFF, s18;
	vm0 =	vgt.f32 v2, v4  }
.LBB2_27:
0x2bc: {  	p0 =	sne.s32 s0, $0x1;
	s0 =	sadd.s32 $0xFFFFFFFF, s0;
	v6 =	vnsel vm0, $0x0, v2;
	v2 =	vld [tilespmem:s1+$0x0];
	v7 =	vsel vm0, $0x3F800000, v1  }
.Ltmp17:
0x2bd: {  	v3 =	vadd.f32 v6, v3;
	v5 =	vadd.f32 v7, v5;
	(pc) =	sbr.rel @p0 .LBB2_27-.Ltmp17, $2  }
0x2be: {  	_ =	sdelay $0x2  }
0x2bf: {  	s1 =	sadd.s32 $0x10, s1;
	vm0 =	vgt.f32 v2, v4  }
.LBB2_28:
.Ltmp18:
0x2c0: {  	(pc) =	sbr.rel .LBB2_29-.Ltmp18, $3  }
0x2c1: {  	_ =	sdelay $0x1  }
0x2c2: {  	v2 =	vnsel vm0, $0x0, v2;
	v4 =	vsel vm0, $0x3F800000, v1  }
0x2c3: {  	v2 =	vadd.f32 v2, v3;
	v3 =	vadd.f32 v4, v5  }
.LBB2_25:
0x2c4: {  	v2 =	vimm.f32 $0.0e+00;
	v3 =	vimm.f32 $0.0e+00  }
.LBB2_29:
0x2c5: {  	_ = 	snop  }
0x2c6: {  	(xrf2) =	vadd.scan.msk.f32 $0xffff, v2  }
0x2c7: {  	(xrf2) =	vadd.scan.msk.f32 $0xffff, v3;
	_ =	sdelay $0x8  }
0x2c8: {  	v2, _, _ =	vpop (xrf2)  }
0x2c9: {  	(v2sf) =	vpush v2, $0xF;
	v2, _, _ =	vpop (xrf2)  }
0x2ca: {  	(v2sf) =	vpush v2, $0xF;
	_ =	sdelay $0xd  }
0x2cb: {  	s0 =	spop (v2sf)  }
0x2cc: {  	s1 =	spop (v2sf)  }
0x2cd: {  	s1 =	smax.f32 s1, $1.000000000e+00  }
0x2ce: {  	v2 =	vmov s1  }
0x2cf: {  	(erf) = vrcp.f32 v2;
	_ =	sdelay $0x7  }
0x2d0: {  	s0 =	sadd.f32 $-1.000000000e+00, s0  }
0x2d1: {  	v2 =	vpop (erf)  }
0x2d2: {  	v2 =	vmul.f32 s0, v2;
	_ =	sdelay $0x1  }
0x2d3: {  	(xrf0) =	vmax.scan.msk.f32 $0xffff, v2;
	_ =	sdelay $0x5  }
0x2d4: {  	v2, _, _ =	vpop (xrf0)  }
0x2d5: {  	s0 =	simm.s32 $0x40;
	_ =	strace $0x8000004C  }
0x2d6: {  	v4 =	vld [tilespmem:s0+$0x30]  }
0x2d7: {  	v6 =	vld [tilespmem:s0+$0xFFFFFFD0]  }
0x2d8: {  	v8 =	vld [tilespmem:s0+$0xFFFFFFE0]  }
0x2d9: {  	v2 =	vbroadcast v2, $0xF;
	v7 =	vld [tilespmem:s0+$0xFFFFFFF0]  }
0x2da: {  	v5 =	vld [tilespmem:s0+$0x0]  }
0x2db: {  	v3 =	vld [tilespmem:s0+$0x10];
	v10 =	vsub.f32 v4, v2  }
0x2dc: {  	v4 =	vld [tilespmem:s0+$0x20];
	v9 =	vsub.f32 v6, v2  }
0x2dd: {  	s18 =	simm.s32 $0xC0;
	s1 =	simm.s32 $0x0;
	v6 =	vld [tilespmem:s0+$0xFFFFFFC0];
	v8 =	vsub.f32 v8, v2;
	v10 =	vmax.f32 v10, $0.0e+00  }
.LBB2_30:
0x2de: {  	v11 =	vld [tilespmem:s18+$0x30];
	s1 =	sadd.s32 $0x80, s1;
	v9 =	vmax.f32 v9, $0.0e+00;
	v7 =	vsub.f32 v7, v2;
	[tilespmem:s0+$0x30] =	vst v10  }
0x2df: {  	v10 =	vld [tilespmem:s18+$0xFFFFFFD0];
	p0 =	slt.u32 s1, $0x1F80;
	[tilespmem:s0+$0xFFFFFFD0] =	vst v9;
	v8 =	vmax.f32 v8, $0.0e+00;
	v5 =	vsub.f32 v5, v2  }
0x2e0: {  	v12 =	vld [tilespmem:s18+$0xFFFFFFE0];
	[tilespmem:s0+$0xFFFFFFE0] =	vst v8;
	v8 =	vmax.f32 v7, $0.0e+00;
	v3 =	vsub.f32 v3, v2  }
.Ltmp19:
0x2e1: {  	v7 =	vld [tilespmem:s18+$0xFFFFFFF0];
	[tilespmem:s0+$0xFFFFFFF0] =	vst v8;
	v8 =	vmax.f32 v5, $0.0e+00;
	v4 =	vsub.f32 v4, v2;
	(pc) =	sbr.rel @p0 .LBB2_30-.Ltmp19, $4  }
0x2e2: {  	v5 =	vld [tilespmem:s18+$0x0];
	v6 =	vsub.f32 v6, v2;
	[tilespmem:s0+$0x0] =	vst v8;
	v8 =	vmax.f32 v3, $0.0e+00  }
0x2e3: {  	v3 =	vld [tilespmem:s18+$0x10];
	v11 =	vsub.f32 v11, v2;
	[tilespmem:s0+$0x10] =	vst v8;
	v8 =	vmax.f32 v4, $0.0e+00  }
0x2e4: {  	v9 =	vsub.f32 v10, v2;
	v4 =	vld [tilespmem:s18+$0x20];
	v13 =	vmax.f32 v6, $0.0e+00;
	[tilespmem:s0+$0x20] =	vst v8  }
0x2e5: {  	v6 =	vld [tilespmem:s18+$0xFFFFFFC0];
	v8 =	vsub.f32 v12, v2;
	v10 =	vmax.f32 v11, $0.0e+00;
	[tilespmem:s0+$0xFFFFFFC0] =	vst v13;
	s0 =	smov.u32 s18;
	s18 =	sadd.s32 $0x80, s18  }
0x2e6: {  	v9 =	vmax.f32 v9, $0.0e+00;
	v7 =	vsub.f32 v7, v2;
	[tilespmem:s0+$0x30] =	vst v10  }
0x2e7: {  	[tilespmem:s0+$0xFFFFFFD0] =	vst v9;
	v8 =	vmax.f32 v8, $0.0e+00;
	v5 =	vsub.f32 v5, v2  }
0x2e8: {  	[tilespmem:s0+$0xFFFFFFE0] =	vst v8;
	v7 =	vmax.f32 v7, $0.0e+00;
	v3 =	vsub.f32 v3, v2  }
0x2e9: {  	[tilespmem:s0+$0xFFFFFFF0] =	vst v7;
	v5 =	vmax.f32 v5, $0.0e+00;
	v4 =	vsub.f32 v4, v2  }
0x2ea: {  	v6 =	vsub.f32 v6, v2;
	[tilespmem:s0+$0x0] =	vst v5;
	v3 =	vmax.f32 v3, $0.0e+00  }
0x2eb: {  	[tilespmem:s0+$0x10] =	vst v3;
	v3 =	vmax.f32 v4, $0.0e+00  }
0x2ec: {  	v4 =	vmax.f32 v6, $0.0e+00;
	[tilespmem:s0+$0x20] =	vst v3  }
0x2ed: {  	s28 =	simm.s32 $0x0;
	[tilespmem:s0+$0xFFFFFFC0] =	vst v4;
	s0 =	simm.s32 $0x2070  }
0x2ee: {  	[hbm4b:s8+s23] =	stream.strided.scatter [tilespmem:s28], [sflag:$0x3], $0x2000, s17, s23, $0x200038;
	[tilespmem:$0x18080] =	vst v63  }
0x2ef: {  	v4 =	vld [tilespmem:s0+$0x0]  }
0x2f0: {  	v6 =	vld [tilespmem:s0+$0xFFFFFFA0]  }
0x2f1: {  	v8 =	vld [tilespmem:s0+$0xFFFFFFB0]  }
0x2f2: {  	v7 =	vld [tilespmem:s0+$0xFFFFFFC0]  }
0x2f3: {  	v5 =	vld [tilespmem:s0+$0xFFFFFFD0]  }
0x2f4: {  	v3 =	vld [tilespmem:s0+$0xFFFFFFE0];
	v10 =	vsub.f32 v4, v2  }
0x2f5: {  	v4 =	vld [tilespmem:s0+$0xFFFFFFF0];
	v9 =	vsub.f32 v6, v2  }
0x2f6: {  	s1 =	simm.s32 $0x2000;
	s18 =	simm.s32 $0x20F0;
	v6 =	vld [tilespmem:s0+$0xFFFFFF90];
	v8 =	vsub.f32 v8, v2;
	v10 =	vmax.f32 v10, $0.0e+00  }
.LBB2_32:
0x2f7: {  	v11 =	vld [tilespmem:s18+$0x0];
	s1 =	sadd.s32 $0x80, s1;
	v9 =	vmax.f32 v9, $0.0e+00;
	v7 =	vsub.f32 v7, v2;
	[tilespmem:s0+$0x0] =	vst v10  }
0x2f8: {  	v10 =	vld [tilespmem:s18+$0xFFFFFFA0];
	p0 =	slt.u32 s1, $0x3F80;
	[tilespmem:s0+$0xFFFFFFA0] =	vst v9;
	v8 =	vmax.f32 v8, $0.0e+00;
	v5 =	vsub.f32 v5, v2  }
0x2f9: {  	v12 =	vld [tilespmem:s18+$0xFFFFFFB0];
	[tilespmem:s0+$0xFFFFFFB0] =	vst v8;
	v8 =	vmax.f32 v7, $0.0e+00;
	v3 =	vsub.f32 v3, v2  }
.Ltmp20:
0x2fa: {  	v7 =	vld [tilespmem:s18+$0xFFFFFFC0];
	[tilespmem:s0+$0xFFFFFFC0] =	vst v8;
	v8 =	vmax.f32 v5, $0.0e+00;
	v4 =	vsub.f32 v4, v2;
	(pc) =	sbr.rel @p0 .LBB2_32-.Ltmp20, $4  }
0x2fb: {  	v5 =	vld [tilespmem:s18+$0xFFFFFFD0];
	v6 =	vsub.f32 v6, v2;
	[tilespmem:s0+$0xFFFFFFD0] =	vst v8;
	v8 =	vmax.f32 v3, $0.0e+00  }
0x2fc: {  	v3 =	vld [tilespmem:s18+$0xFFFFFFE0];
	v11 =	vsub.f32 v11, v2;
	[tilespmem:s0+$0xFFFFFFE0] =	vst v8;
	v8 =	vmax.f32 v4, $0.0e+00  }
0x2fd: {  	v9 =	vsub.f32 v10, v2;
	v4 =	vld [tilespmem:s18+$0xFFFFFFF0];
	v13 =	vmax.f32 v6, $0.0e+00;
	[tilespmem:s0+$0xFFFFFFF0] =	vst v8  }
0x2fe: {  	v6 =	vld [tilespmem:s18+$0xFFFFFF90];
	v8 =	vsub.f32 v12, v2;
	v10 =	vmax.f32 v11, $0.0e+00;
	[tilespmem:s0+$0xFFFFFF90] =	vst v13;
	s0 =	smov.u32 s18;
	s18 =	sadd.s32 $0x80, s18  }
0x2ff: {  	v9 =	vmax.f32 v9, $0.0e+00;
	v7 =	vsub.f32 v7, v2;
	[tilespmem:s0+$0x0] =	vst v10  }
0x300: {  	[tilespmem:s0+$0xFFFFFFA0] =	vst v9;
	v8 =	vmax.f32 v8, $0.0e+00;
	v5 =	vsub.f32 v5, v2  }
0x301: {  	[tilespmem:s0+$0xFFFFFFB0] =	vst v8;
	v7 =	vmax.f32 v7, $0.0e+00;
	v3 =	vsub.f32 v3, v2  }
0x302: {  	[tilespmem:s0+$0xFFFFFFC0] =	vst v7;
	v5 =	vmax.f32 v5, $0.0e+00;
	v4 =	vsub.f32 v4, v2  }
0x303: {  	v6 =	vsub.f32 v6, v2;
	[tilespmem:s0+$0xFFFFFFD0] =	vst v5;
	v3 =	vmax.f32 v3, $0.0e+00  }
0x304: {  	[tilespmem:s0+$0xFFFFFFE0] =	vst v3;
	v3 =	vmax.f32 v4, $0.0e+00  }
0x305: {  	v4 =	vmax.f32 v6, $0.0e+00;
	[tilespmem:s0+$0xFFFFFFF0] =	vst v3  }
0x306: {  	s28 =	simm.s32 $0x2000;
	[tilespmem:s0+$0xFFFFFF90] =	vst v4;
	s0 =	simm.s32 $0x4070  }
0x307: {  	[hbm4b:s9+s23] =	stream.strided.scatter [tilespmem:s28], [sflag:$0x3], $0x2000, s17, s23, $0x200038;
	[tilespmem:$0x18080] =	vst v63  }
0x308: {  	v4 =	vld [tilespmem:s0+$0x0]  }
0x309: {  	v6 =	vld [tilespmem:s0+$0xFFFFFFA0]  }
0x30a: {  	v8 =	vld [tilespmem:s0+$0xFFFFFFB0]  }
0x30b: {  	v7 =	vld [tilespmem:s0+$0xFFFFFFC0]  }
0x30c: {  	v5 =	vld [tilespmem:s0+$0xFFFFFFD0]  }
0x30d: {  	v3 =	vld [tilespmem:s0+$0xFFFFFFE0];
	v10 =	vsub.f32 v4, v2  }
0x30e: {  	v4 =	vld [tilespmem:s0+$0xFFFFFFF0];
	v9 =	vsub.f32 v6, v2  }
0x30f: {  	s1 =	simm.s32 $0x4000;
	s18 =	simm.s32 $0x40F0;
	v6 =	vld [tilespmem:s0+$0xFFFFFF90];
	v8 =	vsub.f32 v8, v2;
	v10 =	vmax.f32 v10, $0.0e+00  }
.LBB2_34:
0x310: {  	v11 =	vld [tilespmem:s18+$0x0];
	s1 =	sadd.s32 $0x80, s1;
	v9 =	vmax.f32 v9, $0.0e+00;
	v7 =	vsub.f32 v7, v2;
	[tilespmem:s0+$0x0] =	vst v10  }
0x311: {  	v10 =	vld [tilespmem:s18+$0xFFFFFFA0];
	p0 =	slt.u32 s1, $0x5F80;
	[tilespmem:s0+$0xFFFFFFA0] =	vst v9;
	v8 =	vmax.f32 v8, $0.0e+00;
	v5 =	vsub.f32 v5, v2  }
0x312: {  	v12 =	vld [tilespmem:s18+$0xFFFFFFB0];
	[tilespmem:s0+$0xFFFFFFB0] =	vst v8;
	v8 =	vmax.f32 v7, $0.0e+00;
	v3 =	vsub.f32 v3, v2  }
.Ltmp21:
0x313: {  	v7 =	vld [tilespmem:s18+$0xFFFFFFC0];
	[tilespmem:s0+$0xFFFFFFC0] =	vst v8;
	v8 =	vmax.f32 v5, $0.0e+00;
	v4 =	vsub.f32 v4, v2;
	(pc) =	sbr.rel @p0 .LBB2_34-.Ltmp21, $4  }
0x314: {  	v5 =	vld [tilespmem:s18+$0xFFFFFFD0];
	v6 =	vsub.f32 v6, v2;
	[tilespmem:s0+$0xFFFFFFD0] =	vst v8;
	v8 =	vmax.f32 v3, $0.0e+00  }
0x315: {  	v3 =	vld [tilespmem:s18+$0xFFFFFFE0];
	v11 =	vsub.f32 v11, v2;
	[tilespmem:s0+$0xFFFFFFE0] =	vst v8;
	v8 =	vmax.f32 v4, $0.0e+00  }
0x316: {  	v9 =	vsub.f32 v10, v2;
	v4 =	vld [tilespmem:s18+$0xFFFFFFF0];
	v13 =	vmax.f32 v6, $0.0e+00;
	[tilespmem:s0+$0xFFFFFFF0] =	vst v8  }
0x317: {  	v6 =	vld [tilespmem:s18+$0xFFFFFF90];
	v8 =	vsub.f32 v12, v2;
	v10 =	vmax.f32 v11, $0.0e+00;
	[tilespmem:s0+$0xFFFFFF90] =	vst v13;
	s0 =	smov.u32 s18;
	s18 =	sadd.s32 $0x80, s18  }
0x318: {  	v9 =	vmax.f32 v9, $0.0e+00;
	v7 =	vsub.f32 v7, v2;
	[tilespmem:s0+$0x0] =	vst v10  }
0x319: {  	[tilespmem:s0+$0xFFFFFFA0] =	vst v9;
	v8 =	vmax.f32 v8, $0.0e+00;
	v5 =	vsub.f32 v5, v2  }
0x31a: {  	[tilespmem:s0+$0xFFFFFFB0] =	vst v8;
	v7 =	vmax.f32 v7, $0.0e+00;
	v3 =	vsub.f32 v3, v2  }
0x31b: {  	[tilespmem:s0+$0xFFFFFFC0] =	vst v7;
	v5 =	vmax.f32 v5, $0.0e+00;
	v4 =	vsub.f32 v4, v2  }
0x31c: {  	v6 =	vsub.f32 v6, v2;
	[tilespmem:s0+$0xFFFFFFD0] =	vst v5;
	v3 =	vmax.f32 v3, $0.0e+00  }
0x31d: {  	[tilespmem:s0+$0xFFFFFFE0] =	vst v3;
	v3 =	vmax.f32 v4, $0.0e+00  }
0x31e: {  	v4 =	vmax.f32 v6, $0.0e+00;
	[tilespmem:s0+$0xFFFFFFF0] =	vst v3  }
0x31f: {  	s28 =	simm.s32 $0x4000;
	[tilespmem:s0+$0xFFFFFF90] =	vst v4;
	s0 =	simm.s32 $0x6070  }
0x320: {  	[hbm4b:s10+s23] =	stream.strided.scatter [tilespmem:s28], [sflag:$0x3], $0x2000, s17, s23, $0x200038;
	[tilespmem:$0x18080] =	vst v63  }
0x321: {  	v4 =	vld [tilespmem:s0+$0x0]  }
0x322: {  	v6 =	vld [tilespmem:s0+$0xFFFFFFA0]  }
0x323: {  	v8 =	vld [tilespmem:s0+$0xFFFFFFB0]  }
0x324: {  	v7 =	vld [tilespmem:s0+$0xFFFFFFC0]  }
0x325: {  	v5 =	vld [tilespmem:s0+$0xFFFFFFD0]  }
0x326: {  	v3 =	vld [tilespmem:s0+$0xFFFFFFE0];
	v10 =	vsub.f32 v4, v2  }
0x327: {  	v4 =	vld [tilespmem:s0+$0xFFFFFFF0];
	v9 =	vsub.f32 v6, v2  }
0x328: {  	s1 =	simm.s32 $0x6000;
	s18 =	simm.s32 $0x60F0;
	v6 =	vld [tilespmem:s0+$0xFFFFFF90];
	v8 =	vsub.f32 v8, v2;
	v10 =	vmax.f32 v10, $0.0e+00  }
.LBB2_36:
0x329: {  	v11 =	vld [tilespmem:s18+$0x0];
	s1 =	sadd.s32 $0x80, s1;
	v9 =	vmax.f32 v9, $0.0e+00;
	v7 =	vsub.f32 v7, v2;
	[tilespmem:s0+$0x0] =	vst v10  }
0x32a: {  	v10 =	vld [tilespmem:s18+$0xFFFFFFA0];
	p0 =	slt.u32 s1, $0x7F80;
	[tilespmem:s0+$0xFFFFFFA0] =	vst v9;
	v8 =	vmax.f32 v8, $0.0e+00;
	v5 =	vsub.f32 v5, v2  }
0x32b: {  	v12 =	vld [tilespmem:s18+$0xFFFFFFB0];
	[tilespmem:s0+$0xFFFFFFB0] =	vst v8;
	v8 =	vmax.f32 v7, $0.0e+00;
	v3 =	vsub.f32 v3, v2  }
.Ltmp22:
0x32c: {  	v7 =	vld [tilespmem:s18+$0xFFFFFFC0];
	[tilespmem:s0+$0xFFFFFFC0] =	vst v8;
	v8 =	vmax.f32 v5, $0.0e+00;
	v4 =	vsub.f32 v4, v2;
	(pc) =	sbr.rel @p0 .LBB2_36-.Ltmp22, $4  }
0x32d: {  	v5 =	vld [tilespmem:s18+$0xFFFFFFD0];
	v6 =	vsub.f32 v6, v2;
	[tilespmem:s0+$0xFFFFFFD0] =	vst v8;
	v8 =	vmax.f32 v3, $0.0e+00  }
0x32e: {  	v3 =	vld [tilespmem:s18+$0xFFFFFFE0];
	v11 =	vsub.f32 v11, v2;
	[tilespmem:s0+$0xFFFFFFE0] =	vst v8;
	v8 =	vmax.f32 v4, $0.0e+00  }
0x32f: {  	v9 =	vsub.f32 v10, v2;
	v4 =	vld [tilespmem:s18+$0xFFFFFFF0];
	v13 =	vmax.f32 v6, $0.0e+00;
	[tilespmem:s0+$0xFFFFFFF0] =	vst v8  }
0x330: {  	v6 =	vld [tilespmem:s18+$0xFFFFFF90];
	v8 =	vsub.f32 v12, v2;
	v10 =	vmax.f32 v11, $0.0e+00;
	[tilespmem:s0+$0xFFFFFF90] =	vst v13;
	s0 =	smov.u32 s18;
	s18 =	sadd.s32 $0x80, s18  }
0x331: {  	v9 =	vmax.f32 v9, $0.0e+00;
	v7 =	vsub.f32 v7, v2;
	[tilespmem:s0+$0x0] =	vst v10  }
0x332: {  	[tilespmem:s0+$0xFFFFFFA0] =	vst v9;
	v8 =	vmax.f32 v8, $0.0e+00;
	v5 =	vsub.f32 v5, v2  }
0x333: {  	[tilespmem:s0+$0xFFFFFFB0] =	vst v8;
	v7 =	vmax.f32 v7, $0.0e+00;
	v3 =	vsub.f32 v3, v2  }
0x334: {  	[tilespmem:s0+$0xFFFFFFC0] =	vst v7;
	v5 =	vmax.f32 v5, $0.0e+00;
	v4 =	vsub.f32 v4, v2  }
0x335: {  	v2 =	vsub.f32 v6, v2;
	[tilespmem:s0+$0xFFFFFFD0] =	vst v5;
	v3 =	vmax.f32 v3, $0.0e+00  }
0x336: {  	[tilespmem:s0+$0xFFFFFFE0] =	vst v3;
	v3 =	vmax.f32 v4, $0.0e+00  }
0x337: {  	v2 =	vmax.f32 v2, $0.0e+00;
	[tilespmem:s0+$0xFFFFFFF0] =	vst v3  }
0x338: {  	s20 =	simm.s32 $0x6000;
	[tilespmem:s0+$0xFFFFFF90] =	vst v2  }
0x339: {  	[hbm4b:s11+s23] =	stream.strided.scatter [tilespmem:s20], [sflag:$0x3], $0x2000, s17, s23, $0x200038;
	[tilespmem:$0x18080] =	vst v63  }
0x33a: {  	_ =	strace $0x9000004C  }
0x33b: {  	_ =	swait.ge [sflag:s24], $0x8000  }
0x33c: {  	[sflag:s24] =	ssyncset.done $0x0  }
0x33d: {  	[sflag:s24] =	ssyncadd.s32 $0xFFFF8000  }
0x33e: {  	s21 =	simm.s32 $0x8080;
	_ =	strace $0x8000004D  }
0x33f: {  	v2 =	vld [tilespmem:s21+$0xFFFFFFF0]  }
0x340: {  	v3 =	vld [tilespmem:s21+$0xFFFFFFE0]  }
0x341: {  	v4 =	vld [tilespmem:s21+$0xFFFFFFD0]  }
0x342: {  	v5 =	vld [tilespmem:s21+$0xFFFFFFC0]  }
0x343: {  	v6 =	vld [tilespmem:s21+$0xFFFFFFB0]  }
0x344: {  	v7 =	vld [tilespmem:s21+$0xFFFFFFA0]  }
0x345: {  	v8 =	vld [tilespmem:s21+$0xFFFFFF80]  }
0x346: {  	v9 =	vld [tilespmem:s21+$0xFFFFFF90]  }
0x347: {  	v10 =	vld [tilespmem:s21+$0x0]  }
0x348: {  	v11 =	vld [tilespmem:s21+$0x10]  }
0x349: {  	v12 =	vld [tilespmem:s21+$0x20]  }
0x34a: {  	v13 =	vld [tilespmem:s21+$0x30]  }
0x34b: {  	v14 =	vld [tilespmem:s21+$0x40]  }
0x34c: {  	v15 =	vld [tilespmem:s21+$0x50]  }
0x34d: {  	v16 =	vld [tilespmem:s21+$0x60];
	v8 =	vmax.f32 v8, v9  }
0x34e: {  	s25 =	simm.s32 $0x8180;
	v17 =	vld [tilespmem:s21+$0x70];
	v7 =	vmax.f32 v8, v7;
	v8 =	vmax.f32 v10, v11  }
0x34f: {  	v18 =	vld [tilespmem:s25+$0xFFFFFFF0];
	v6 =	vmax.f32 v7, v6;
	v7 =	vmax.f32 v8, v12  }
0x350: {  	v19 =	vld [tilespmem:s25+$0xFFFFFFE0];
	v5 =	vmax.f32 v6, v5;
	v6 =	vmax.f32 v7, v13  }
0x351: {  	v52 =	vld [tilespmem:s25+$0x10];
	v4 =	vmax.f32 v5, v4;
	v5 =	vmax.f32 v6, v14  }
0x352: {  	v53 =	vld [tilespmem:s25+$0x20];
	v3 =	vmax.f32 v4, v3;
	v4 =	vmax.f32 v5, v15  }
0x353: {  	v54 =	vld [tilespmem:s25+$0x30];
	v2 =	vmax.f32 v3, v2;
	v3 =	vmax.f32 v4, v16  }
0x354: {  	v55 =	vld [tilespmem:s25+$0x40];
	v51 =	vmax.f32 v3, v17;
	(xrf0) =	vmax.scan.msk.f32 $0xffff, v2  }
0x355: {  	v11 =	vld [tilespmem:s25+$0x0];
	(xrf0) =	vmax.scan.msk.f32 $0xffff, v51  }
0x356: {  	v6 =	vld [tilespmem:s25+$0xFFFFFF80]  }
0x357: {  	v5 =	vld [tilespmem:s25+$0xFFFFFF90]  }
0x358: {  	v7 =	vld [tilespmem:s25+$0xFFFFFFA0]  }
0x359: {  	v8 =	vld [tilespmem:s25+$0xFFFFFFB0]  }
0x35a: {  	v10 =	vld [tilespmem:s25+$0xFFFFFFC0];
	v3, _, _ =	vpop (xrf0)  }
0x35b: {  	v9 =	vld [tilespmem:s25+$0xFFFFFFD0];
	(v2sf) =	vpush v3, $0xF;
	v4, _, _ =	vpop (xrf0)  }
0x35c: {  	v56 =	vld [tilespmem:s25+$0x50];
	v5 =	vmax.f32 v6, v5;
	(v2sf) =	vpush v4, $0xF  }
0x35d: {  	v20 =	vld [tilespmem:s25+$0x60];
	v6 =	vmax.f32 v11, v52;
	v5 =	vmax.f32 v5, v7  }
0x35e: {  	s26 =	simm.s32 $0x8280;
	v21 =	vld [tilespmem:s25+$0x70];
	v6 =	vmax.f32 v6, v53;
	v5 =	vmax.f32 v5, v8  }
0x35f: {  	v22 =	vld [tilespmem:s26+$0xFFFFFFD0];
	v6 =	vmax.f32 v6, v54;
	v5 =	vmax.f32 v5, v10  }
0x360: {  	v57 =	vld [tilespmem:s26+$0x0];
	v6 =	vmax.f32 v6, v55;
	v5 =	vmax.f32 v5, v9  }
0x361: {  	v58 =	vld [tilespmem:s26+$0x10];
	v6 =	vmax.f32 v6, v56;
	v5 =	vmax.f32 v5, v19  }
0x362: {  	v59 =	vld [tilespmem:s26+$0x20];
	v6 =	vmax.f32 v6, v20;
	v5 =	vmax.f32 v5, v18  }
0x363: {  	v61 =	vld [tilespmem:s26+$0x30];
	v6 =	vmax.f32 v6, v21;
	(xrf0) =	vmax.scan.msk.f32 $0xffff, v5  }
0x364: {  	v62 =	vld [tilespmem:s26+$0x40];
	(xrf0) =	vmax.scan.msk.f32 $0xffff, v6  }
0x365: {  	v60 =	vimm.f32 $-Inf;
	v11 =	vld [tilespmem:s26+$0xFFFFFFC0]  }
0x366: {  	v2 =	vmax.f32 v60, v2;
	v7 =	vld [tilespmem:s26+$0xFFFFFF80]  }
0x367: {  	v2 =	vmax.f32 v2, v51;
	v9 =	vld [tilespmem:s26+$0xFFFFFF90]  }
0x368: {  	v10 =	vld [tilespmem:s26+$0xFFFFFFA0];
	v2 =	vmax.f32 v2, v5  }
0x369: {  	v8 =	vld [tilespmem:s26+$0xFFFFFFB0];
	v2 =	vmax.f32 v2, v6;
	v6, _, _ =	vpop (xrf0)  }
0x36a: {  	v3 =	vld [tilespmem:s26+$0xFFFFFFF0];
	v63, _, _ =	vpop (xrf0);
	s3 =	spop (v2sf);
	(v2sf) =	vpush v6, $0xF  }
0x36b: {  	v4 =	vld [tilespmem:s26+$0xFFFFFFE0];
	s28 =	spop (v2sf);
	(v2sf) =	vpush v63, $0xF  }
0x36c: {  	v9 =	vmax.f32 v7, v9;
	v7 =	vld [tilespmem:s26+$0x50]  }
0x36d: {  	v5 =	vld [tilespmem:s26+$0x60];
	v9 =	vmax.f32 v9, v10;
	v10 =	vmax.f32 v57, v58  }
0x36e: {  	s2 =	simm.s32 $0x0;
	s1 =	simm.s32 $0x8380;
	v9 =	vmax.f32 v9, v8;
	v10 =	vmax.f32 v10, v59;
	v8 =	vld [tilespmem:s26+$0x70]  }
0x36f: {  	s0 =	simm.s32 $0x1;
	v11 =	vmax.f32 v9, v11;
	v10 =	vmax.f32 v10, v61;
	v6 =	vld [tilespmem:s1+$0xFFFFFFF0];
	[smem:s2] =	sst s3  }
0x370: {  	s18 =	simm.s32 $0x6;
	v9 =	vld [tilespmem:s1+$0xFFFFFFE0];
	v11 =	vmax.f32 v11, v22;
	v10 =	vmax.f32 v10, v62;
	[smem:s0] =	sst s28  }
.LBB2_38:
0x371: {  	s18 =	sadd.s32 $0x2, s18;
	v12 =	vld [tilespmem:s1+$0xFFFFFFD0];
	v4 =	vmax.f32 v11, v4;
	v7 =	vmax.f32 v10, v7  }
0x372: {  	p0 =	slt.u32 s18, $0xFE;
	v10 =	vld [tilespmem:s1+$0xFFFFFFC0];
	v13 =	vmax.f32 v4, v3;
	v4 =	vmax.f32 v7, v5  }
0x373: {  	v11 =	vld [tilespmem:s1+$0xFFFFFFB0];
	v2 =	vmax.f32 v2, v13;
	v7 =	vmax.f32 v4, v8;
	(xrf0) =	vmax.scan.msk.f32 $0xffff, v13  }
0x374: {  	v5 =	vld [tilespmem:s1+$0xFFFFFFA0];
	v2 =	vmax.f32 v2, v7;
	(xrf0) =	vmax.scan.msk.f32 $0xffff, v7;
	v3 =	vmov v6  }
0x375: {  	v6 =	vld [tilespmem:s1+$0xFFFFFF80];
	v4 =	vmov v9  }
0x376: {  	v7 =	vld [tilespmem:s1+$0xFFFFFF90]  }
0x377: {  	v8 =	vld [tilespmem:s1+$0x0]  }
0x378: {  	s0 =	sadd.s32 $0x2, s0;
	v9 =	vld [tilespmem:s1+$0x10]  }
0x379: {  	s2 =	sadd.s32 $0xFFFFFFFF, s0;
	v13 =	vld [tilespmem:s1+$0x20];
	v14, _, _ =	vpop (xrf0);
	s3 =	spop (v2sf)  }
0x37a: {  	v15 =	vld [tilespmem:s1+$0x30];
	(v2sf) =	vpush v14, $0xF;
	v14, _, _ =	vpop (xrf0);
	[smem:s2] =	sst s3;
	s2 =	spop (v2sf)  }
0x37b: {  	v16 =	vld [tilespmem:s1+$0x40];
	(v2sf) =	vpush v14, $0xF;
	[smem:s0] =	sst s2  }
.Ltmp23:
0x37c: {  	v6 =	vmax.f32 v6, v7;
	v7 =	vld [tilespmem:s1+$0x50];
	(pc) =	sbr.rel @p0 .LBB2_38-.Ltmp23, $4  }
0x37d: {  	v6 =	vmax.f32 v6, v5;
	v8 =	vmax.f32 v8, v9;
	v5 =	vld [tilespmem:s1+$0x60]  }
0x37e: {  	v9 =	vmax.f32 v6, v11;
	v11 =	vmax.f32 v8, v13;
	v8 =	vld [tilespmem:s1+$0x70];
	s1 =	sadd.s32 $0x100, s1  }
0x37f: {  	v10 =	vmax.f32 v9, v10;
	v6 =	vld [tilespmem:s1+$0xFFFFFFF0];
	v13 =	vmax.f32 v11, v15  }
0x380: {  	v11 =	vmax.f32 v10, v12;
	v9 =	vld [tilespmem:s1+$0xFFFFFFE0];
	v10 =	vmax.f32 v13, v16  }
0x381: {  	v12 =	vld [tilespmem:s1+$0xFFFFFFD0]  }
0x382: {  	v13 =	vld [tilespmem:s1+$0xFFFFFFC0]  }
0x383: {  	v14 =	vld [tilespmem:s1+$0xFFFFFFB0]  }
0x384: {  	v15 =	vld [tilespmem:s1+$0xFFFFFFA0]  }
0x385: {  	v16 =	vld [tilespmem:s1+$0xFFFFFF80]  }
0x386: {  	v17 =	vld [tilespmem:s1+$0xFFFFFF90]  }
0x387: {  	v18 =	vld [tilespmem:s1+$0x0]  }
0x388: {  	v19 =	vld [tilespmem:s1+$0x10]  }
0x389: {  	v20 =	vld [tilespmem:s1+$0x20]  }
0x38a: {  	v21 =	vld [tilespmem:s1+$0x30]  }
0x38b: {  	v22 =	vld [tilespmem:s1+$0x40]  }
0x38c: {  	v49 =	vld [tilespmem:s1+$0x50];
	v16 =	vmax.f32 v16, v17  }
0x38d: {  	v4 =	vmax.f32 v11, v4;
	v52 =	vld [tilespmem:s1+$0x60];
	v51 =	vmax.f32 v18, v19;
	v50 =	vmax.f32 v16, v15  }
0x38e: {  	v7 =	vmax.f32 v10, v7;
	v55 =	vld [tilespmem:s1+$0x70];
	v54 =	vmax.f32 v51, v20;
	v53 =	vmax.f32 v50, v14  }
0x38f: {  	v3 =	vmax.f32 v4, v3;
	v57 =	vmax.f32 v54, v21;
	v56 =	vmax.f32 v53, v13  }
0x390: {  	v5 =	vmax.f32 v7, v5;
	v58 =	vmax.f32 v57, v22;
	v4 =	vmax.f32 v56, v12  }
0x391: {  	v5 =	vmax.f32 v5, v8;
	(xrf0) =	vmax.scan.msk.f32 $0xffff, v3;
	v7 =	vmax.f32 v58, v49;
	v4 =	vmax.f32 v4, v9  }
0x392: {  	(xrf0) =	vmax.scan.msk.f32 $0xffff, v5;
	v59 =	vmax.f32 v7, v52;
	v4 =	vmax.f32 v4, v6  }
0x393: {  	v6 =	vmax.f32 v59, v55;
	(xrf0) =	vmax.scan.msk.f32 $0xffff, v4  }
0x394: {  	(xrf0) =	vmax.scan.msk.f32 $0xffff, v6;
	_ =	sdelay $0x2  }
0x395: {  	v60, _, _ =	vpop (xrf0)  }
0x396: {  	v61, _, _ =	vpop (xrf0);
	(v2sf) =	vpush v60, $0xF  }
0x397: {  	(v2sf) =	vpush v61, $0xF;
	v62, _, _ =	vpop (xrf0)  }
0x398: {  	(v2sf) =	vpush v62, $0xF;
	v63, _, _ =	vpop (xrf0)  }
0x399: {  	(v2sf) =	vpush v63, $0xF;
	_ =	sdelay $0x8  }
0x39a: {  	s0 =	sadd.s32 $0x2, s0  }
0x39b: {  	s2 =	sadd.s32 $0xFFFFFFFF, s0;
	s26 =	spop (v2sf)  }
0x39c: {  	s28 =	sadd.s32 $0x2, s0;
	s3 =	spop (v2sf);
	[smem:s2] =	sst s26  }
0x39d: {  	s19 =	sadd.s32 $0xFFFFFFFF, s28;
	[smem:s0] =	sst s3;
	s18 =	spop (v2sf)  }
0x39e: {  	s21 =	sadd.s32 $0x2, s28;
	s20 =	spop (v2sf);
	[smem:s19] =	sst s18  }
0x39f: {  	v2 =	vmax.f32 v2, v3;
	s25 =	sadd.s32 $0xFFFFFFFF, s21;
	[smem:s28] =	sst s20;
	s26 =	spop (v2sf)  }
0x3a0: {  	v2 =	vmax.f32 v2, v5;
	[smem:s25] =	sst s26;
	s28 =	spop (v2sf)  }
0x3a1: {  	v2 =	vmax.f32 v2, v4;
	[smem:s21] =	sst s28  }
0x3a2: {  	v2 =	vmax.f32 v2, v6;
	_ =	strace $0x9000004D  }
0x3a3: {  	(xrf0) =	vmax.scan.msk.f32 $0xffff, v2;
	_ =	sdelay $0x5  }
0x3a4: {  	v2, _, _ =	vpop (xrf0)  }
0x3a5: {  	(v2sf) =	vpush v2, $0xF;
	_ =	sdelay $0xe  }
0x3a6: {  	s18 =	simm.s32 $0x2;
	s0 =	spop (v2sf)  }
0x3a7: {  	s19 =	simm.s32 $0x0;
	s21 =	simm.s32 $0x0;
	s1 =	sadd.f32 $-1.000000000e+00, s0  }
0x3a8: {  	s20 =	simm.s32 $0x4;
	_ =	strace $0x8000004E;
	[smem:$0x100] =	sst s21  }
.LBB2_40:
0x3a9: {  	p0 =	slt.u32 s20, $0xFC;
	s2 =	sld [smem:s18+$0xFFFFFFFE];
	_ =	sdelay $0x2  }
0x3aa: {  	p1 =	sge.f32 s2, s1  }
0x3ab: {  	s2 =	simm.s32 $0x1  }
0x3ac: {  	s2 =	simm.s32 @!p1 $0x0  }
0x3ad: {  	s3 =	sadd.s32 $0x1, s19;
	s2 =	sadd.s32 s2, s21  }
0x3ae: {  	[smem:s2+$0x100] =	sst s3  }
0x3af: {  	s3 =	sld [smem:s18+$0xFFFFFFFF];
	_ =	sdelay $0x2  }
0x3b0: {  	p1 =	sge.f32 s3, s1  }
0x3b1: {  	s3 =	simm.s32 $0x1  }
0x3b2: {  	s3 =	simm.s32 @!p1 $0x0  }
0x3b3: {  	s2 =	sadd.s32 s3, s2;
	s3 =	sadd.s32 $0x2, s19  }
0x3b4: {  	[smem:s2+$0x100] =	sst s3  }
0x3b5: {  	s3 =	sld [smem:s18+$0x0];
	_ =	sdelay $0x2  }
0x3b6: {  	p1 =	sge.f32 s3, s1  }
0x3b7: {  	s3 =	simm.s32 $0x1  }
0x3b8: {  	s3 =	simm.s32 @!p1 $0x0  }
0x3b9: {  	s2 =	sadd.s32 s3, s2;
	s3 =	sadd.s32 $0x3, s19;
	s19 =	smov.u32 s20  }
0x3ba: {  	[smem:s2+$0x100] =	sst s3  }
0x3bb: {  	s3 =	sld [smem:s18+$0x1];
	_ =	sdelay $0x2  }
.Ltmp24:
0x3bc: {  	p1 =	sge.f32 s3, s1;
	(pc) =	sbr.rel @p0 .LBB2_40-.Ltmp24, $4  }
0x3bd: {  	s3 =	simm.s32 $0x1  }
0x3be: {  	s3 =	simm.s32 @!p1 $0x0  }
0x3bf: {  	s21 =	sadd.s32 s3, s2  }
0x3c0: {  	s20 =	sadd.s32 $0x4, s20;
	s18 =	sadd.s32 $0x4, s18;
	[smem:s21+$0x100] =	sst s19  }
0x3c1: {  	s2 =	sld [smem:s18+$0xFFFFFFFE];
	_ =	sdelay $0x2  }
0x3c2: {  	p0 =	sge.f32 s2, s1  }
0x3c3: {  	s2 =	simm.s32 $0x1  }
0x3c4: {  	s2 =	simm.s32 @!p0 $0x0  }
0x3c5: {  	s3 =	sadd.s32 $0x1, s19;
	s2 =	sadd.s32 s2, s21  }
0x3c6: {  	[smem:s2+$0x100] =	sst s3  }
0x3c7: {  	s3 =	sld [smem:s18+$0xFFFFFFFF];
	_ =	sdelay $0x2  }
0x3c8: {  	p0 =	sge.f32 s3, s1  }
0x3c9: {  	s3 =	simm.s32 $0x1  }
0x3ca: {  	s3 =	simm.s32 @!p0 $0x0  }
0x3cb: {  	s26 =	sadd.s32 $0x2, s19;
	s2 =	sadd.s32 s3, s2  }
0x3cc: {  	[smem:s2+$0x100] =	sst s26  }
0x3cd: {  	s3 =	sld [smem:s18+$0x0];
	_ =	sdelay $0x2  }
0x3ce: {  	p0 =	sge.f32 s3, s1  }
0x3cf: {  	s3 =	simm.s32 $0x1  }
0x3d0: {  	s3 =	simm.s32 @!p0 $0x0  }
0x3d1: {  	s28 =	sadd.s32 $0x3, s19;
	s2 =	sadd.s32 s3, s2  }
0x3d2: {  	[smem:s2+$0x100] =	sst s28  }
0x3d3: {  	s3 =	sld [smem:s18+$0x1];
	_ =	sdelay $0x2  }
0x3d4: {  	p0 =	sge.f32 s3, s1  }
0x3d5: {  	s3 =	simm.s32 $0x1  }
0x3d6: {  	s3 =	simm.s32 @!p0 $0x0  }
0x3d7: {  	s18 =	sadd.s32 s3, s2  }
0x3d8: {  	p0 =	slt.s32 s18, $0x1  }
.Ltmp25:
0x3d9: {  	_ = 	snop;
	(pc) =	sbr.rel @p0 .LBB2_47-.Ltmp25, $3  }
0x3da: {  	_ =	sdelay $0x1  }
0x3db: {  	_ =	strace $0x9000004E  }
0x3dc: {  	s25 =	simm.s32 $0x0;
	s19 =	simm.s32 $0x0;
	_ =	strace $0x8000004F  }
0x3dd: {  	s2 =	sld [smem:$0x100];
	p1 =	sgt.s32 s18, $0x1  }
.Ltmp26:
0x3de: {  	_ = 	snop;
	(pc) =	sbr.rel @!p1 .LBB2_43-.Ltmp26, $4  }
0x3df: {  	_ = 	snop  }
0x3e0: {  	s2 =	sshll.u32 s2, $0x9  }
0x3e1: {  	s28 =	sshra.s32 s2, $0x2  }
0x3e2: {  	v2 =	vmov s1;
	s26 =	simm.s32 $0x0;
	p0 =	por $0x0, $0x0;
	v3 =	vld [tilespmem:s28+$0x8000]  }
0x3e3: {  	_ =	sdelay $0x3  }
0x3e4: {  	vm0 =	vge.f32 v3, v2  }
0x3e5: {  	[tilespmem:s26+$0x10000] =	vst.msk vm0, v3;
	v3 =	vmpcnt.ones.xlane vm0  }
0x3e6: {  	v4 =	vld [tilespmem:s28+$0x8010]  }
0x3e7: {  	(v2sf) =	vpush v3, $0x0;
	_ =	sdelay $0x3  }
0x3e8: {  	vm9 =	vge.f32 v4, v2  }
0x3e9: {  	v3 =	vmpcnt.ones.xlane vm9;
	_ =	sdelay $0x1  }
0x3ea: {  	(v2sf) =	vpush v3, $0x0;
	_ =	sdelay $0x7  }
0x3eb: {  	s2 =	spop (v2sf)  }
0x3ec: {  	s2 =	sadd.s32 $0x0, s2  }
0x3ed: {  	[tilespmem:s2+$0x10000] =	vst.msk vm9, v4  }
0x3ee: {  	v3 =	vld [tilespmem:s28+$0x8020];
	_ =	sdelay $0x3  }
0x3ef: {  	s3 =	spop (v2sf)  }
0x3f0: {  	s2 =	sadd.s32 s2, s3;
	vm10 =	vge.f32 v3, v2  }
0x3f1: {  	[tilespmem:s2+$0x10000] =	vst.msk vm10, v3;
	v3 =	vmpcnt.ones.xlane vm10  }
0x3f2: {  	v4 =	vld [tilespmem:s28+$0x8030]  }
0x3f3: {  	(v2sf) =	vpush v3, $0x0;
	_ =	sdelay $0x3  }
0x3f4: {  	vm11 =	vge.f32 v4, v2  }
0x3f5: {  	v3 =	vmpcnt.ones.xlane vm11;
	_ =	sdelay $0x1  }
0x3f6: {  	(v2sf) =	vpush v3, $0x0;
	_ =	sdelay $0x7  }
0x3f7: {  	s20 =	spop (v2sf)  }
0x3f8: {  	s2 =	sadd.s32 s2, s20  }
0x3f9: {  	[tilespmem:s2+$0x10000] =	vst.msk vm11, v4  }
0x3fa: {  	v3 =	vld [tilespmem:s28+$0x8040];
	_ =	sdelay $0x3  }
0x3fb: {  	s21 =	spop (v2sf)  }
0x3fc: {  	s2 =	sadd.s32 s2, s21;
	vm12 =	vge.f32 v3, v2  }
0x3fd: {  	[tilespmem:s2+$0x10000] =	vst.msk vm12, v3;
	v3 =	vmpcnt.ones.xlane vm12  }
0x3fe: {  	v4 =	vld [tilespmem:s28+$0x8050]  }
0x3ff: {  	(v2sf) =	vpush v3, $0x0;
	_ =	sdelay $0x3  }
0x400: {  	vm13 =	vge.f32 v4, v2  }
0x401: {  	v3 =	vmpcnt.ones.xlane vm13;
	_ =	sdelay $0x1  }
0x402: {  	(v2sf) =	vpush v3, $0x0;
	_ =	sdelay $0x7  }
0x403: {  	s19 =	spop (v2sf)  }
0x404: {  	s2 =	sadd.s32 s2, s19  }
0x405: {  	[tilespmem:s2+$0x10000] =	vst.msk vm13, v4  }
0x406: {  	v3 =	vld [tilespmem:s28+$0x8060];
	_ =	sdelay $0x3  }
0x407: {  	s20 =	spop (v2sf)  }
0x408: {  	s2 =	sadd.s32 s2, s20;
	vm14 =	vge.f32 v3, v2  }
0x409: {  	[tilespmem:s2+$0x10000] =	vst.msk vm14, v3;
	v4 =	vmpcnt.ones.xlane vm14  }
0x40a: {  	v3 =	vld [tilespmem:s28+$0x8070]  }
0x40b: {  	(v2sf) =	vpush v4, $0x0;
	_ =	sdelay $0x3  }
0x40c: {  	vm15 =	vge.f32 v3, v2  }
0x40d: {  	v4 =	vmpcnt.ones.xlane vm15;
	_ =	sdelay $0x1  }
0x40e: {  	(v2sf) =	vpush v4, $0x0;
	_ =	sdelay $0x5  }
0x40f: {  	s21 =	sld [smem:$0x101];
	_ =	sdelay $0x1  }
0x410: {  	s19 =	spop (v2sf)  }
0x411: {  	s3 =	sshll.u32 s21, $0x9;
	s21 =	sadd.s32 s2, s19  }
0x412: {  	p1 =	sgt.s32 s18, $0x2;
	s28 =	sshra.s32 s3, $0x2;
	[tilespmem:s21+$0x10000] =	vst.msk vm15, v3  }
.Ltmp27:
0x413: {  	v3 =	vld [tilespmem:s28+$0x8000];
	(pc) =	sbr.rel @!p1 .LBB2_46-.Ltmp27, $3  }
0x414: {  	_ =	sdelay $0x1  }
0x415: {  	p0 =	por $0x1, $0x1  }
0x416: {  	s20 =	simm.s32 $0x101;
	s19 =	simm.s32 $0x2;
	s2 =	spop (v2sf)  }
.LBB2_45:
0x417: {  	s19 =	sadd.s32 $0x1, s19;
	vm0 =	vge.f32 v3, v2;
	s2 =	sadd.s32 s21, s2  }
0x418: {  	p1 =	slt.s32 s19, s18;
	[tilespmem:s2+$0x10000] =	vst.msk vm0, v3;
	v3 =	vmpcnt.ones.xlane vm0  }
0x419: {  	v4 =	vld [tilespmem:s28+$0x8010]  }
0x41a: {  	(v2sf) =	vpush v3, $0x0;
	_ =	sdelay $0x3  }
0x41b: {  	vm0 =	vge.f32 v4, v2  }
0x41c: {  	v3 =	vmpcnt.ones.xlane vm0;
	_ =	sdelay $0x1  }
0x41d: {  	(v2sf) =	vpush v3, $0x0;
	_ =	sdelay $0x7  }
0x41e: {  	s3 =	spop (v2sf)  }
0x41f: {  	s2 =	sadd.s32 s2, s3  }
0x420: {  	[tilespmem:s2+$0x10000] =	vst.msk vm0, v4  }
0x421: {  	v3 =	vld [tilespmem:s28+$0x8020];
	_ =	sdelay $0x3  }
0x422: {  	s3 =	spop (v2sf)  }
0x423: {  	s2 =	sadd.s32 s2, s3;
	vm0 =	vge.f32 v3, v2  }
0x424: {  	[tilespmem:s2+$0x10000] =	vst.msk vm0, v3;
	v3 =	vmpcnt.ones.xlane vm0  }
0x425: {  	v4 =	vld [tilespmem:s28+$0x8030]  }
0x426: {  	(v2sf) =	vpush v3, $0x0;
	_ =	sdelay $0x3  }
0x427: {  	vm0 =	vge.f32 v4, v2  }
0x428: {  	v3 =	vmpcnt.ones.xlane vm0;
	_ =	sdelay $0x1  }
0x429: {  	(v2sf) =	vpush v3, $0x0;
	_ =	sdelay $0x7  }
0x42a: {  	s3 =	spop (v2sf)  }
0x42b: {  	s2 =	sadd.s32 s2, s3  }
0x42c: {  	[tilespmem:s2+$0x10000] =	vst.msk vm0, v4  }
0x42d: {  	v3 =	vld [tilespmem:s28+$0x8040];
	_ =	sdelay $0x3  }
0x42e: {  	s3 =	spop (v2sf)  }
0x42f: {  	s2 =	sadd.s32 s2, s3;
	vm0 =	vge.f32 v3, v2  }
0x430: {  	[tilespmem:s2+$0x10000] =	vst.msk vm0, v3;
	v3 =	vmpcnt.ones.xlane vm0  }
0x431: {  	v4 =	vld [tilespmem:s28+$0x8050]  }
0x432: {  	(v2sf) =	vpush v3, $0x0;
	_ =	sdelay $0x3  }
0x433: {  	vm0 =	vge.f32 v4, v2  }
0x434: {  	v3 =	vmpcnt.ones.xlane vm0;
	_ =	sdelay $0x1  }
0x435: {  	(v2sf) =	vpush v3, $0x0;
	_ =	sdelay $0x7  }
0x436: {  	s3 =	spop (v2sf)  }
0x437: {  	s2 =	sadd.s32 s2, s3  }
0x438: {  	[tilespmem:s2+$0x10000] =	vst.msk vm0, v4  }
0x439: {  	v3 =	vld [tilespmem:s28+$0x8060];
	_ =	sdelay $0x3  }
0x43a: {  	s3 =	spop (v2sf)  }
0x43b: {  	s2 =	sadd.s32 s2, s3;
	vm0 =	vge.f32 v3, v2  }
0x43c: {  	[tilespmem:s2+$0x10000] =	vst.msk vm0, v3;
	v3 =	vmpcnt.ones.xlane vm0  }
0x43d: {  	v4 =	vld [tilespmem:s28+$0x8070]  }
0x43e: {  	(v2sf) =	vpush v3, $0x0;
	_ =	sdelay $0x3  }
0x43f: {  	vm0 =	vge.f32 v4, v2  }
0x440: {  	v3 =	vmpcnt.ones.xlane vm0;
	_ =	sdelay $0x1  }
0x441: {  	(v2sf) =	vpush v3, $0x0;
	_ =	sdelay $0x4  }
0x442: {  	s20 =	sadd.s32 $0x1, s20  }
0x443: {  	s3 =	sld [smem:s20+$0x0];
	_ =	sdelay $0x1  }
0x444: {  	s21 =	spop (v2sf)  }
0x445: {  	s3 =	sshll.u32 s3, $0x9;
	s21 =	sadd.s32 s2, s21  }
0x446: {  	s28 =	sshra.s32 s3, $0x2;
	[tilespmem:s21+$0x10000] =	vst.msk vm0, v4  }
.Ltmp28:
0x447: {  	v3 =	vld [tilespmem:s28+$0x8000];
	(pc) =	sbr.rel @p1 .LBB2_45-.Ltmp28, $2  }
0x448: {  	_ =	sdelay $0x2  }
0x449: {  	s2 =	spop (v2sf)  }
.LBB2_46:
0x44a: {  	s2 =	sadd.s32 @p0 s21, s2  }
0x44b: {  	vm0 =	vge.f32 v3, v2;
	s26 =	smov.u32 @p0 s2  }
0x44c: {  	[tilespmem:s26+$0x10000] =	vst.msk vm0, v3;
	v3 =	vmpcnt.ones.xlane vm0  }
0x44d: {  	v4 =	vld [tilespmem:s28+$0x8010]  }
0x44e: {  	(v2sf) =	vpush v3, $0x0;
	_ =	sdelay $0x3  }
0x44f: {  	vm9 =	vge.f32 v4, v2  }
0x450: {  	v3 =	vmpcnt.ones.xlane vm9;
	_ =	sdelay $0x1  }
0x451: {  	(v2sf) =	vpush v3, $0x0;
	_ =	sdelay $0x7  }
0x452: {  	s3 =	spop (v2sf)  }
0x453: {  	s2 =	sadd.s32 s26, s3  }
0x454: {  	[tilespmem:s2+$0x10000] =	vst.msk vm9, v4  }
0x455: {  	v3 =	vld [tilespmem:s28+$0x8020];
	_ =	sdelay $0x3  }
0x456: {  	s3 =	spop (v2sf)  }
0x457: {  	s2 =	sadd.s32 s2, s3;
	vm10 =	vge.f32 v3, v2  }
0x458: {  	[tilespmem:s2+$0x10000] =	vst.msk vm10, v3;
	v3 =	vmpcnt.ones.xlane vm10  }
0x459: {  	v4 =	vld [tilespmem:s28+$0x8030]  }
0x45a: {  	(v2sf) =	vpush v3, $0x0;
	_ =	sdelay $0x3  }
0x45b: {  	vm11 =	vge.f32 v4, v2  }
0x45c: {  	v3 =	vmpcnt.ones.xlane vm11;
	_ =	sdelay $0x1  }
0x45d: {  	(v2sf) =	vpush v3, $0x0;
	_ =	sdelay $0x7  }
0x45e: {  	s18 =	spop (v2sf)  }
0x45f: {  	s2 =	sadd.s32 s2, s18  }
0x460: {  	[tilespmem:s2+$0x10000] =	vst.msk vm11, v4  }
0x461: {  	v3 =	vld [tilespmem:s28+$0x8040];
	_ =	sdelay $0x3  }
0x462: {  	s19 =	spop (v2sf)  }
0x463: {  	s2 =	sadd.s32 s2, s19;
	vm12 =	vge.f32 v3, v2  }
0x464: {  	[tilespmem:s2+$0x10000] =	vst.msk vm12, v3;
	v3 =	vmpcnt.ones.xlane vm12  }
0x465: {  	v4 =	vld [tilespmem:s28+$0x8050]  }
0x466: {  	(v2sf) =	vpush v3, $0x0;
	_ =	sdelay $0x3  }
0x467: {  	vm13 =	vge.f32 v4, v2  }
0x468: {  	v3 =	vmpcnt.ones.xlane vm13;
	_ =	sdelay $0x1  }
0x469: {  	(v2sf) =	vpush v3, $0x0;
	_ =	sdelay $0x7  }
0x46a: {  	s20 =	spop (v2sf)  }
0x46b: {  	s2 =	sadd.s32 s2, s20  }
0x46c: {  	[tilespmem:s2+$0x10000] =	vst.msk vm13, v4  }
0x46d: {  	v3 =	vld [tilespmem:s28+$0x8060];
	_ =	sdelay $0x3  }
0x46e: {  	s21 =	spop (v2sf)  }
0x46f: {  	s2 =	sadd.s32 s2, s21;
	vm14 =	vge.f32 v3, v2  }
0x470: {  	[tilespmem:s2+$0x10000] =	vst.msk vm14, v3  }
0x471: {  	v3 =	vld [tilespmem:s28+$0x8070];
	_ =	sdelay $0x4  }
0x472: {  	v63 =	vmpcnt.ones.xlane vm14;
	vm15 =	vge.f32 v3, v2  }
0x473: {  	v2 =	vmpcnt.ones.xlane vm15  }
0x474: {  	(v2sf) =	vpush v63, $0x0  }
0x475: {  	(v2sf) =	vpush v2, $0x0;
	_ =	sdelay $0xd  }
0x476: {  	s26 =	spop (v2sf)  }
0x477: {  	s2 =	sadd.s32 s2, s26;
	s28 =	spop (v2sf)  }
0x478: {  	[tilespmem:s2+$0x10000] =	vst.msk vm15, v3;
	s19 =	sadd.s32 s2, s28  }
.LBB2_47:
0x479: {  	s2 =	sadd.s32 $0xF, s19  }
0x47a: {  	s3 =	sand.u32 $0xF, s2  }
0x47b: {  	s28 =	sshra.s32 s2, $0x1F;
	p1 =	slt.s32 s2, $0x1;
	p0 =	sne.s32 s3, $0x0  }
.Ltmp29:
0x47c: {  	s3 =	sshrl.u32 s28, $0x1C;
	p0 =	por !p1, !p0;
	(pc) =	sbr.rel .LBB2_48-.Ltmp29, $4  }
0x47d: {  	s2 =	sadd.s32 s3, s2;
	s3 =	simm.s32 $0x1;
	p0 =	por !p0, !p0  }
0x47e: {  	s2 =	sshra.s32 s2, $0x4;
	s3 =	simm.s32 @!p0 $0x0  }
0x47f: {  	_ =	strace $0x9000004F;
	[tilespmem:s19+$0x10000] =	vst v0;
	s18 =	ssub.s32 s2, s3  }
0x480: {  	_ =	strace $0x80000050;
	p0 =	slt.s32 s18, $0x1  }
.LBB2_49:
0x481: {  	v2 =	vimm.f32 $0.0e+00  }
.LBB2_53:
0x482: {  	(xrf2) =	vadd.scan.msk.f32 $0xffff, v2;
	_ =	sdelay $0x9  }
0x483: {  	v2, _, _ =	vpop (xrf2)  }
0x484: {  	(v2sf) =	vpush v2, $0xF;
	_ =	sdelay $0xe  }
0x485: {  	s2 =	spop (v2sf)  }
0x486: {  	p1 =	sge.f32 s2, $1.000000000e+00  }
0x487: {  	s25 =	sadd.s32 $0x1, s25  }
0x488: {  	s1 =	smov.u32 @p1 s19;
	s19 =	smov.u32 @p1 s0;
	p1 =	sne.s32 s25, $0x1E  }
.Ltmp30:
0x489: {  	_ = 	snop;
	(pc) =	sbr.rel @!p1 .LBB2_54-.Ltmp30, $2  }
0x48a: {  	_ =	sdelay $0x2  }
0x48b: {  	s0 =	smov.u32 s19  }
.LBB2_48:
.Ltmp31:
0x48c: {  	(pc) =	sbr.rel @p0 .LBB2_49-.Ltmp31, $3  }
0x48d: {  	_ = 	snop  }
0x48e: {  	s2 =	sadd.f32 s0, s1;
	_ =	sdelay $0x1  }
0x48f: {  	s19 =	smul.f32 $5.000000000e-01, s2  }
0x490: {  	s2 =	simm.s32 $0x10000  }
0x491: {  	p1 =	sne.s32 s18, $0x1;
	v4 =	vld [tilespmem:s2+$0x0]  }
.Ltmp32:
0x492: {  	_ = 	snop;
	(pc) =	sbr.rel @!p1 .LBB2_52-.Ltmp32, $3  }
0x493: {  	_ =	sdelay $0x1  }
0x494: {  	v3 =	vmov s19  }
0x495: {  	v2 =	vimm.f32 $0.0e+00;
	s20 =	sadd.s32 $0xFFFFFFFF, s18;
	s21 =	simm.s32 $0x10010;
	v4 =	vsub.f32 v4, v3  }
.LBB2_51:
0x496: {  	v5 =	vld [tilespmem:s21+$0x0];
	p1 =	sne.s32 s20, $0x1;
	s20 =	sadd.s32 $0xFFFFFFFF, s20  }
.Ltmp33:
0x497: {  	v4 =	vmax.f32 v4, $0.0e+00;
	(pc) =	sbr.rel @p1 .LBB2_51-.Ltmp33, $2  }
0x498: {  	v2 =	vadd.f32 v4, v2;
	_ =	sdelay $0x2  }
0x499: {  	s21 =	sadd.s32 $0x10, s21;
	v4 =	vsub.f32 v5, v3  }
.LBB2_52:
.Ltmp34:
0x49a: {  	(pc) =	sbr.rel .LBB2_53-.Ltmp34, $3  }
0x49b: {  	_ = 	snop  }
0x49c: {  	v3 =	vmax.f32 v4, $0.0e+00  }
0x49d: {  	v2 =	vadd.f32 v3, v2;
	_ =	sdelay $0x1  }
.LBB2_54:
.Ltmp35:
0x49e: {  	(pc) =	sbr.rel @p0 .LBB2_55-.Ltmp35, $2  }
0x49f: {  	_ =	sdelay $0x2  }
0x4a0: {  	_ =	strace $0x90000050  }
0x4a1: {  	s0 =	simm.s32 $0x10000  }
0x4a2: {  	p0 =	sne.s32 s18, $0x1;
	v2 =	vld [tilespmem:s0+$0x0]  }
.Ltmp36:
0x4a3: {  	_ = 	snop;
	(pc) =	sbr.rel @!p0 .LBB2_58-.Ltmp36, $3  }
0x4a4: {  	_ =	sdelay $0x1  }
0x4a5: {  	v4 =	vmov s1  }
0x4a6: {  	v3 =	vimm.f32 $0.0e+00;
	s1 =	simm.s32 $0x10010;
	v5 =	vimm.f32 $0.0e+00;
	s2 =	simm.s32 $0x8000;
	s0 =	sadd.s32 $0xFFFFFFFF, s18;
	vm0 =	vgt.f32 v2, v4  }
.LBB2_57:
0x4a7: {  	p0 =	sne.s32 s0, $0x1;
	s0 =	sadd.s32 $0xFFFFFFFF, s0;
	v6 =	vnsel vm0, $0x0, v2;
	v2 =	vld [tilespmem:s1+$0x0];
	v7 =	vsel vm0, $0x3F800000, v1  }
.Ltmp37:
0x4a8: {  	v3 =	vadd.f32 v6, v3;
	v5 =	vadd.f32 v7, v5;
	(pc) =	sbr.rel @p0 .LBB2_57-.Ltmp37, $2  }
0x4a9: {  	_ =	sdelay $0x2  }
0x4aa: {  	s1 =	sadd.s32 $0x10, s1;
	vm0 =	vgt.f32 v2, v4  }
.LBB2_58:
.Ltmp38:
0x4ab: {  	(pc) =	sbr.rel .LBB2_59-.Ltmp38, $3  }
0x4ac: {  	_ =	sdelay $0x1  }
0x4ad: {  	v2 =	vnsel vm0, $0x0, v2;
	v4 =	vsel vm0, $0x3F800000, v1  }
0x4ae: {  	v2 =	vadd.f32 v2, v3;
	v3 =	vadd.f32 v4, v5  }
.LBB2_55:
0x4af: {  	v2 =	vimm.f32 $0.0e+00;
	v3 =	vimm.f32 $0.0e+00;
	s2 =	simm.s32 $0x8000  }
.LBB2_59:
0x4b0: {  	_ = 	snop  }
0x4b1: {  	(xrf2) =	vadd.scan.msk.f32 $0xffff, v2  }
0x4b2: {  	(xrf2) =	vadd.scan.msk.f32 $0xffff, v3;
	_ =	sdelay $0x8  }
0x4b3: {  	v2, _, _ =	vpop (xrf2)  }
0x4b4: {  	(v2sf) =	vpush v2, $0xF;
	v2, _, _ =	vpop (xrf2)  }
0x4b5: {  	(v2sf) =	vpush v2, $0xF;
	_ =	sdelay $0xd  }
0x4b6: {  	s0 =	spop (v2sf)  }
0x4b7: {  	s1 =	spop (v2sf)  }
0x4b8: {  	s1 =	smax.f32 s1, $1.000000000e+00  }
0x4b9: {  	v2 =	vmov s1  }
0x4ba: {  	(erf) = vrcp.f32 v2;
	_ =	sdelay $0x7  }
0x4bb: {  	s0 =	sadd.f32 $-1.000000000e+00, s0  }
0x4bc: {  	v2 =	vpop (erf)  }
0x4bd: {  	v2 =	vmul.f32 s0, v2;
	_ =	sdelay $0x1  }
0x4be: {  	(xrf0) =	vmax.scan.msk.f32 $0xffff, v2;
	_ =	sdelay $0x5  }
0x4bf: {  	v2, _, _ =	vpop (xrf0)  }
0x4c0: {  	s0 =	simm.s32 $0x8040;
	_ =	strace $0x80000051  }
0x4c1: {  	v4 =	vld [tilespmem:s0+$0x30]  }
0x4c2: {  	v6 =	vld [tilespmem:s0+$0xFFFFFFD0]  }
0x4c3: {  	v8 =	vld [tilespmem:s0+$0xFFFFFFE0]  }
0x4c4: {  	v2 =	vbroadcast v2, $0xF;
	v7 =	vld [tilespmem:s0+$0xFFFFFFF0]  }
0x4c5: {  	v5 =	vld [tilespmem:s0+$0x0]  }
0x4c6: {  	v3 =	vld [tilespmem:s0+$0x10];
	v10 =	vsub.f32 v4, v2  }
0x4c7: {  	v4 =	vld [tilespmem:s0+$0x20];
	v9 =	vsub.f32 v6, v2  }
0x4c8: {  	s18 =	simm.s32 $0x80C0;
	s1 =	simm.s32 $0x0;
	v6 =	vld [tilespmem:s0+$0xFFFFFFC0];
	v8 =	vsub.f32 v8, v2;
	v10 =	vmax.f32 v10, $0.0e+00  }
.LBB2_60:
0x4c9: {  	v11 =	vld [tilespmem:s18+$0x30];
	s1 =	sadd.s32 $0x80, s1;
	v9 =	vmax.f32 v9, $0.0e+00;
	v7 =	vsub.f32 v7, v2;
	[tilespmem:s0+$0x30] =	vst v10  }
0x4ca: {  	v10 =	vld [tilespmem:s18+$0xFFFFFFD0];
	p0 =	slt.u32 s1, $0x1F80;
	[tilespmem:s0+$0xFFFFFFD0] =	vst v9;
	v8 =	vmax.f32 v8, $0.0e+00;
	v5 =	vsub.f32 v5, v2  }
0x4cb: {  	v12 =	vld [tilespmem:s18+$0xFFFFFFE0];
	[tilespmem:s0+$0xFFFFFFE0] =	vst v8;
	v8 =	vmax.f32 v7, $0.0e+00;
	v3 =	vsub.f32 v3, v2  }
.Ltmp39:
0x4cc: {  	v7 =	vld [tilespmem:s18+$0xFFFFFFF0];
	[tilespmem:s0+$0xFFFFFFF0] =	vst v8;
	v8 =	vmax.f32 v5, $0.0e+00;
	v4 =	vsub.f32 v4, v2;
	(pc) =	sbr.rel @p0 .LBB2_60-.Ltmp39, $4  }
0x4cd: {  	v5 =	vld [tilespmem:s18+$0x0];
	v6 =	vsub.f32 v6, v2;
	[tilespmem:s0+$0x0] =	vst v8;
	v8 =	vmax.f32 v3, $0.0e+00  }
0x4ce: {  	v3 =	vld [tilespmem:s18+$0x10];
	v11 =	vsub.f32 v11, v2;
	[tilespmem:s0+$0x10] =	vst v8;
	v8 =	vmax.f32 v4, $0.0e+00  }
0x4cf: {  	v9 =	vsub.f32 v10, v2;
	v4 =	vld [tilespmem:s18+$0x20];
	v13 =	vmax.f32 v6, $0.0e+00;
	[tilespmem:s0+$0x20] =	vst v8  }
0x4d0: {  	v6 =	vld [tilespmem:s18+$0xFFFFFFC0];
	v8 =	vsub.f32 v12, v2;
	v10 =	vmax.f32 v11, $0.0e+00;
	[tilespmem:s0+$0xFFFFFFC0] =	vst v13;
	s0 =	smov.u32 s18;
	s18 =	sadd.s32 $0x80, s18  }
0x4d1: {  	v9 =	vmax.f32 v9, $0.0e+00;
	v7 =	vsub.f32 v7, v2;
	[tilespmem:s0+$0x30] =	vst v10  }
0x4d2: {  	[tilespmem:s0+$0xFFFFFFD0] =	vst v9;
	v8 =	vmax.f32 v8, $0.0e+00;
	v5 =	vsub.f32 v5, v2  }
0x4d3: {  	[tilespmem:s0+$0xFFFFFFE0] =	vst v8;
	v7 =	vmax.f32 v7, $0.0e+00;
	v3 =	vsub.f32 v3, v2  }
0x4d4: {  	[tilespmem:s0+$0xFFFFFFF0] =	vst v7;
	v5 =	vmax.f32 v5, $0.0e+00;
	v4 =	vsub.f32 v4, v2  }
0x4d5: {  	v6 =	vsub.f32 v6, v2;
	[tilespmem:s0+$0x0] =	vst v5;
	v3 =	vmax.f32 v3, $0.0e+00  }
0x4d6: {  	[tilespmem:s0+$0x10] =	vst v3;
	v3 =	vmax.f32 v4, $0.0e+00  }
0x4d7: {  	v4 =	vmax.f32 v6, $0.0e+00;
	[tilespmem:s0+$0x20] =	vst v3  }
0x4d8: {  	[tilespmem:s0+$0xFFFFFFC0] =	vst v4;
	s0 =	simm.s32 $0xA070  }
0x4d9: {  	[hbm4b:s12+s23] =	stream.strided.scatter [tilespmem:s2], [sflag:$0x4], $0x2000, s17, s23, $0x200038;
	[tilespmem:$0x18080] =	vst v63  }
0x4da: {  	v4 =	vld [tilespmem:s0+$0x0]  }
0x4db: {  	v6 =	vld [tilespmem:s0+$0xFFFFFFA0]  }
0x4dc: {  	v8 =	vld [tilespmem:s0+$0xFFFFFFB0]  }
0x4dd: {  	v7 =	vld [tilespmem:s0+$0xFFFFFFC0]  }
0x4de: {  	v5 =	vld [tilespmem:s0+$0xFFFFFFD0]  }
0x4df: {  	v3 =	vld [tilespmem:s0+$0xFFFFFFE0];
	v10 =	vsub.f32 v4, v2  }
0x4e0: {  	v4 =	vld [tilespmem:s0+$0xFFFFFFF0];
	v9 =	vsub.f32 v6, v2  }
0x4e1: {  	s1 =	simm.s32 $0x2000;
	s18 =	simm.s32 $0xA0F0;
	v6 =	vld [tilespmem:s0+$0xFFFFFF90];
	v8 =	vsub.f32 v8, v2;
	v10 =	vmax.f32 v10, $0.0e+00  }
.LBB2_62:
0x4e2: {  	v11 =	vld [tilespmem:s18+$0x0];
	s1 =	sadd.s32 $0x80, s1;
	v9 =	vmax.f32 v9, $0.0e+00;
	v7 =	vsub.f32 v7, v2;
	[tilespmem:s0+$0x0] =	vst v10  }
0x4e3: {  	v10 =	vld [tilespmem:s18+$0xFFFFFFA0];
	p0 =	slt.u32 s1, $0x3F80;
	[tilespmem:s0+$0xFFFFFFA0] =	vst v9;
	v8 =	vmax.f32 v8, $0.0e+00;
	v5 =	vsub.f32 v5, v2  }
0x4e4: {  	v12 =	vld [tilespmem:s18+$0xFFFFFFB0];
	[tilespmem:s0+$0xFFFFFFB0] =	vst v8;
	v8 =	vmax.f32 v7, $0.0e+00;
	v3 =	vsub.f32 v3, v2  }
.Ltmp40:
0x4e5: {  	v7 =	vld [tilespmem:s18+$0xFFFFFFC0];
	[tilespmem:s0+$0xFFFFFFC0] =	vst v8;
	v8 =	vmax.f32 v5, $0.0e+00;
	v4 =	vsub.f32 v4, v2;
	(pc) =	sbr.rel @p0 .LBB2_62-.Ltmp40, $4  }
0x4e6: {  	v5 =	vld [tilespmem:s18+$0xFFFFFFD0];
	v6 =	vsub.f32 v6, v2;
	[tilespmem:s0+$0xFFFFFFD0] =	vst v8;
	v8 =	vmax.f32 v3, $0.0e+00  }
0x4e7: {  	v3 =	vld [tilespmem:s18+$0xFFFFFFE0];
	v11 =	vsub.f32 v11, v2;
	[tilespmem:s0+$0xFFFFFFE0] =	vst v8;
	v8 =	vmax.f32 v4, $0.0e+00  }
0x4e8: {  	v9 =	vsub.f32 v10, v2;
	v4 =	vld [tilespmem:s18+$0xFFFFFFF0];
	v13 =	vmax.f32 v6, $0.0e+00;
	[tilespmem:s0+$0xFFFFFFF0] =	vst v8  }
0x4e9: {  	v6 =	vld [tilespmem:s18+$0xFFFFFF90];
	v8 =	vsub.f32 v12, v2;
	v10 =	vmax.f32 v11, $0.0e+00;
	[tilespmem:s0+$0xFFFFFF90] =	vst v13;
	s0 =	smov.u32 s18;
	s18 =	sadd.s32 $0x80, s18  }
0x4ea: {  	v9 =	vmax.f32 v9, $0.0e+00;
	v7 =	vsub.f32 v7, v2;
	[tilespmem:s0+$0x0] =	vst v10  }
0x4eb: {  	[tilespmem:s0+$0xFFFFFFA0] =	vst v9;
	v8 =	vmax.f32 v8, $0.0e+00;
	v5 =	vsub.f32 v5, v2  }
0x4ec: {  	[tilespmem:s0+$0xFFFFFFB0] =	vst v8;
	v7 =	vmax.f32 v7, $0.0e+00;
	v3 =	vsub.f32 v3, v2  }
0x4ed: {  	[tilespmem:s0+$0xFFFFFFC0] =	vst v7;
	v5 =	vmax.f32 v5, $0.0e+00;
	v4 =	vsub.f32 v4, v2  }
0x4ee: {  	v6 =	vsub.f32 v6, v2;
	[tilespmem:s0+$0xFFFFFFD0] =	vst v5;
	v3 =	vmax.f32 v3, $0.0e+00  }
0x4ef: {  	[tilespmem:s0+$0xFFFFFFE0] =	vst v3;
	v3 =	vmax.f32 v4, $0.0e+00  }
0x4f0: {  	v4 =	vmax.f32 v6, $0.0e+00;
	[tilespmem:s0+$0xFFFFFFF0] =	vst v3  }
0x4f1: {  	s28 =	simm.s32 $0xA000;
	[tilespmem:s0+$0xFFFFFF90] =	vst v4;
	s0 =	simm.s32 $0xC070  }
0x4f2: {  	[hbm4b:s13+s23] =	stream.strided.scatter [tilespmem:s28], [sflag:$0x4], $0x2000, s17, s23, $0x200038;
	[tilespmem:$0x18080] =	vst v63  }
0x4f3: {  	v4 =	vld [tilespmem:s0+$0x0]  }
0x4f4: {  	v6 =	vld [tilespmem:s0+$0xFFFFFFA0]  }
0x4f5: {  	v8 =	vld [tilespmem:s0+$0xFFFFFFB0]  }
0x4f6: {  	v7 =	vld [tilespmem:s0+$0xFFFFFFC0]  }
0x4f7: {  	v5 =	vld [tilespmem:s0+$0xFFFFFFD0]  }
0x4f8: {  	v3 =	vld [tilespmem:s0+$0xFFFFFFE0];
	v10 =	vsub.f32 v4, v2  }
0x4f9: {  	v4 =	vld [tilespmem:s0+$0xFFFFFFF0];
	v9 =	vsub.f32 v6, v2  }
0x4fa: {  	s1 =	simm.s32 $0x4000;
	s18 =	simm.s32 $0xC0F0;
	v6 =	vld [tilespmem:s0+$0xFFFFFF90];
	v8 =	vsub.f32 v8, v2;
	v10 =	vmax.f32 v10, $0.0e+00  }
.LBB2_64:
0x4fb: {  	v11 =	vld [tilespmem:s18+$0x0];
	s1 =	sadd.s32 $0x80, s1;
	v9 =	vmax.f32 v9, $0.0e+00;
	v7 =	vsub.f32 v7, v2;
	[tilespmem:s0+$0x0] =	vst v10  }
0x4fc: {  	v10 =	vld [tilespmem:s18+$0xFFFFFFA0];
	p0 =	slt.u32 s1, $0x5F80;
	[tilespmem:s0+$0xFFFFFFA0] =	vst v9;
	v8 =	vmax.f32 v8, $0.0e+00;
	v5 =	vsub.f32 v5, v2  }
0x4fd: {  	v12 =	vld [tilespmem:s18+$0xFFFFFFB0];
	[tilespmem:s0+$0xFFFFFFB0] =	vst v8;
	v8 =	vmax.f32 v7, $0.0e+00;
	v3 =	vsub.f32 v3, v2  }
.Ltmp41:
0x4fe: {  	v7 =	vld [tilespmem:s18+$0xFFFFFFC0];
	[tilespmem:s0+$0xFFFFFFC0] =	vst v8;
	v8 =	vmax.f32 v5, $0.0e+00;
	v4 =	vsub.f32 v4, v2;
	(pc) =	sbr.rel @p0 .LBB2_64-.Ltmp41, $4  }
0x4ff: {  	v5 =	vld [tilespmem:s18+$0xFFFFFFD0];
	v6 =	vsub.f32 v6, v2;
	[tilespmem:s0+$0xFFFFFFD0] =	vst v8;
	v8 =	vmax.f32 v3, $0.0e+00  }
0x500: {  	v3 =	vld [tilespmem:s18+$0xFFFFFFE0];
	v11 =	vsub.f32 v11, v2;
	[tilespmem:s0+$0xFFFFFFE0] =	vst v8;
	v8 =	vmax.f32 v4, $0.0e+00  }
0x501: {  	v9 =	vsub.f32 v10, v2;
	v4 =	vld [tilespmem:s18+$0xFFFFFFF0];
	v13 =	vmax.f32 v6, $0.0e+00;
	[tilespmem:s0+$0xFFFFFFF0] =	vst v8  }
0x502: {  	v6 =	vld [tilespmem:s18+$0xFFFFFF90];
	v8 =	vsub.f32 v12, v2;
	v10 =	vmax.f32 v11, $0.0e+00;
	[tilespmem:s0+$0xFFFFFF90] =	vst v13;
	s0 =	smov.u32 s18;
	s18 =	sadd.s32 $0x80, s18  }
0x503: {  	v9 =	vmax.f32 v9, $0.0e+00;
	v7 =	vsub.f32 v7, v2;
	[tilespmem:s0+$0x0] =	vst v10  }
0x504: {  	[tilespmem:s0+$0xFFFFFFA0] =	vst v9;
	v8 =	vmax.f32 v8, $0.0e+00;
	v5 =	vsub.f32 v5, v2  }
0x505: {  	[tilespmem:s0+$0xFFFFFFB0] =	vst v8;
	v7 =	vmax.f32 v7, $0.0e+00;
	v3 =	vsub.f32 v3, v2  }
0x506: {  	[tilespmem:s0+$0xFFFFFFC0] =	vst v7;
	v5 =	vmax.f32 v5, $0.0e+00;
	v4 =	vsub.f32 v4, v2  }
0x507: {  	v6 =	vsub.f32 v6, v2;
	[tilespmem:s0+$0xFFFFFFD0] =	vst v5;
	v3 =	vmax.f32 v3, $0.0e+00  }
0x508: {  	[tilespmem:s0+$0xFFFFFFE0] =	vst v3;
	v3 =	vmax.f32 v4, $0.0e+00  }
0x509: {  	v4 =	vmax.f32 v6, $0.0e+00;
	[tilespmem:s0+$0xFFFFFFF0] =	vst v3  }
0x50a: {  	s28 =	simm.s32 $0xC000;
	[tilespmem:s0+$0xFFFFFF90] =	vst v4;
	s0 =	simm.s32 $0xE070  }
0x50b: {  	[hbm4b:s14+s23] =	stream.strided.scatter [tilespmem:s28], [sflag:$0x4], $0x2000, s17, s23, $0x200038;
	[tilespmem:$0x18080] =	vst v63  }
0x50c: {  	v4 =	vld [tilespmem:s0+$0x0]  }
0x50d: {  	v6 =	vld [tilespmem:s0+$0xFFFFFFA0]  }
0x50e: {  	v8 =	vld [tilespmem:s0+$0xFFFFFFB0]  }
0x50f: {  	v7 =	vld [tilespmem:s0+$0xFFFFFFC0]  }
0x510: {  	v5 =	vld [tilespmem:s0+$0xFFFFFFD0]  }
0x511: {  	v3 =	vld [tilespmem:s0+$0xFFFFFFE0];
	v10 =	vsub.f32 v4, v2  }
0x512: {  	v4 =	vld [tilespmem:s0+$0xFFFFFFF0];
	v9 =	vsub.f32 v6, v2  }
0x513: {  	s1 =	simm.s32 $0x6000;
	s18 =	simm.s32 $0xE0F0;
	v6 =	vld [tilespmem:s0+$0xFFFFFF90];
	v8 =	vsub.f32 v8, v2;
	v10 =	vmax.f32 v10, $0.0e+00  }
.LBB2_66:
0x514: {  	v11 =	vld [tilespmem:s18+$0x0];
	s1 =	sadd.s32 $0x80, s1;
	v9 =	vmax.f32 v9, $0.0e+00;
	v7 =	vsub.f32 v7, v2;
	[tilespmem:s0+$0x0] =	vst v10  }
0x515: {  	v10 =	vld [tilespmem:s18+$0xFFFFFFA0];
	p0 =	slt.u32 s1, $0x7F80;
	[tilespmem:s0+$0xFFFFFFA0] =	vst v9;
	v8 =	vmax.f32 v8, $0.0e+00;
	v5 =	vsub.f32 v5, v2  }
0x516: {  	v12 =	vld [tilespmem:s18+$0xFFFFFFB0];
	[tilespmem:s0+$0xFFFFFFB0] =	vst v8;
	v8 =	vmax.f32 v7, $0.0e+00;
	v3 =	vsub.f32 v3, v2  }
.Ltmp42:
0x517: {  	v7 =	vld [tilespmem:s18+$0xFFFFFFC0];
	[tilespmem:s0+$0xFFFFFFC0] =	vst v8;
	v8 =	vmax.f32 v5, $0.0e+00;
	v4 =	vsub.f32 v4, v2;
	(pc) =	sbr.rel @p0 .LBB2_66-.Ltmp42, $4  }
0x518: {  	v5 =	vld [tilespmem:s18+$0xFFFFFFD0];
	v6 =	vsub.f32 v6, v2;
	[tilespmem:s0+$0xFFFFFFD0] =	vst v8;
	v8 =	vmax.f32 v3, $0.0e+00  }
0x519: {  	v3 =	vld [tilespmem:s18+$0xFFFFFFE0];
	v11 =	vsub.f32 v11, v2;
	[tilespmem:s0+$0xFFFFFFE0] =	vst v8;
	v8 =	vmax.f32 v4, $0.0e+00  }
0x51a: {  	v9 =	vsub.f32 v10, v2;
	v4 =	vld [tilespmem:s18+$0xFFFFFFF0];
	v13 =	vmax.f32 v6, $0.0e+00;
	[tilespmem:s0+$0xFFFFFFF0] =	vst v8  }
0x51b: {  	v6 =	vld [tilespmem:s18+$0xFFFFFF90];
	v8 =	vsub.f32 v12, v2;
	v10 =	vmax.f32 v11, $0.0e+00;
	[tilespmem:s0+$0xFFFFFF90] =	vst v13;
	s0 =	smov.u32 s18;
	s18 =	sadd.s32 $0x80, s18  }
0x51c: {  	v9 =	vmax.f32 v9, $0.0e+00;
	v7 =	vsub.f32 v7, v2;
	[tilespmem:s0+$0x0] =	vst v10  }
0x51d: {  	[tilespmem:s0+$0xFFFFFFA0] =	vst v9;
	v8 =	vmax.f32 v8, $0.0e+00;
	v5 =	vsub.f32 v5, v2  }
0x51e: {  	[tilespmem:s0+$0xFFFFFFB0] =	vst v8;
	v7 =	vmax.f32 v7, $0.0e+00;
	v3 =	vsub.f32 v3, v2  }
0x51f: {  	[tilespmem:s0+$0xFFFFFFC0] =	vst v7;
	v5 =	vmax.f32 v5, $0.0e+00;
	v4 =	vsub.f32 v4, v2  }
0x520: {  	v2 =	vsub.f32 v6, v2;
	[tilespmem:s0+$0xFFFFFFD0] =	vst v5;
	v3 =	vmax.f32 v3, $0.0e+00  }
0x521: {  	[tilespmem:s0+$0xFFFFFFE0] =	vst v3;
	v3 =	vmax.f32 v4, $0.0e+00  }
0x522: {  	v2 =	vmax.f32 v2, $0.0e+00;
	[tilespmem:s0+$0xFFFFFFF0] =	vst v3  }
0x523: {  	s28 =	simm.s32 $0xE000;
	[tilespmem:s0+$0xFFFFFF90] =	vst v2  }
0x524: {  	[hbm4b:s15+s23] =	stream.strided.scatter [tilespmem:s28], [sflag:$0x4], $0x2000, s17, s23, $0x200038;
	[tilespmem:$0x18080] =	vst v63  }
0x525: {  	_ =	strace $0x90000051  }
0x526: {  	_ =	swait.ge [sflag:s29], $0x2000  }
0x527: {  	[sflag:s29] =	ssyncset.done $0x0  }
0x528: {  	[sflag:s29] =	ssyncadd.s32 $0xFFFFE000  }
0x529: {  	_ =	swait.ge [sflag:s29], $0x2000  }
0x52a: {  	[sflag:s29] =	ssyncset.done $0x0  }
0x52b: {  	[sflag:s29] =	ssyncadd.s32 $0xFFFFE000  }
0x52c: {  	_ =	swait.ge [sflag:s29], $0x2000  }
0x52d: {  	[sflag:s29] =	ssyncset.done $0x0  }
0x52e: {  	[sflag:s29] =	ssyncadd.s32 $0xFFFFE000  }
0x52f: {  	_ =	swait.ge [sflag:s29], $0x2000  }
0x530: {  	[sflag:s29] =	ssyncset.done $0x0  }
0x531: {  	[sflag:s29] =	ssyncadd.s32 $0xFFFFE000  }
0x532: {  	_ =	swait.ge [sflag:s30], $0x2000  }
0x533: {  	[sflag:s30] =	ssyncset.done $0x0  }
0x534: {  	[sflag:s30] =	ssyncadd.s32 $0xFFFFE000  }
0x535: {  	_ =	swait.ge [sflag:s30], $0x2000  }
0x536: {  	[sflag:s30] =	ssyncset.done $0x0  }
0x537: {  	s31 =	sadd.s32 $0x1, s31;
	[sflag:s30] =	ssyncadd.s32 $0xFFFFE000  }
0x538: {  	p0 =	sne.s32 s31, s16;
	_ =	swait.ge [sflag:s30], $0x2000  }
.Ltmp43:
0x539: {  	[sflag:s30] =	ssyncset.done $0x0;
	(pc) =	sbr.rel @p0 .LBB2_1-.Ltmp43, $4  }
.Ltmp44:
0x53a: {  	[sflag:s30] =	ssyncadd.s32 $0xFFFFE000;
	(pc) =	sbr.rel @!p0 .LBB2_68-.Ltmp44, $4  }
0x53b: {  	_ =	swait.ge [sflag:s30], $0x2000  }
0x53c: {  	[sflag:s30] =	ssyncset.done $0x0  }
0x53d: {  	[sflag:s30] =	ssyncadd.s32 $0xFFFFE000  }
0x53e: {  	_ = 	snop  }
.LBB2_13:
.Ltmp45:
0x53f: {  	(pc) =	sbr.rel .LBB2_16-.Ltmp45, $2  }
0x540: {  	_ =	sdelay $0x2  }
0x541: {  	_ = 	snop  }
.LBB2_43:
.Ltmp46:
0x542: {  	(pc) =	sbr.rel .LBB2_46-.Ltmp46, $2  }
0x543: {  	_ =	sdelay $0x2  }
0x544: {  	_ = 	snop  }
.LBB2_68:
0x545: {  	_ =	sfence.sel $0x180000  }
0x546: {  	[bflag:$0x0] =	sbarrier.arrive $0xFFFF  }
0x547: {  	_ =	strace $0x90000047  }
0x548: {  	s0 =	stileid.u32;
	[bflag:$0x2] =	sbarrier.arrive $0xFFFF  }
0x549: {  	p0 =	sne.s32 s0, $0x0;
	s0 =	rddreg [dreg:$0x2]  }
0x54a: {  	s0 =	sadd.s32 @!p0 $0x100000, s0  }
0x54b: {  	[sflag:s0] =	ssyncadd.tile.s32 @!p0 $0x1;
	_ =	shalt  }
.Lfunc_end2:
_tile_overlayer_lowered:
.L_overlay_start_2:
0x54c: {  	(tag) =	ssettag $0x2  }
0x54d: {  	s0 =	rddreg [dreg:$0x0];
	s2 =	stileid.u32  }
0x54e: {  	s1 =	rddreg [dreg:$0x1];
	p0 =	sne.s32 s2, $0x0  }
0x54f: {  	s3 =	rddreg [dreg:$0x2];
	[bflag:$0x3] =	sbarrier.arrive $0xFFFF;
	s2 =	simm.s32 @!p0 $0x1C05  }
0x550: {  	[timem:s3], [sflag:s2] =	dma.local @!p0 [hbm:s0], s1  }
0x551: {  	s0 =	simm.s32 @!p0 $0x5  }
0x552: {  	_ =	swait.ge @!p0 [sflag:s0], s1  }
0x553: {  	s1 =	ssub.s32 @!p0 $0x0, s1;
	[sflag:s0] =	ssyncset.done @!p0 $0x0  }
0x554: {  	[sflag:s0] =	ssyncadd.s32 @!p0 s1  }
0x555: {  	[bflag:$0x3] =	sbarrier.arrive $0xFFFF  }
0x556: {  	_ =	shalt  }

</sc_bundles>
